<compile_context>
chip_gen: v7x
topology: tpu7x:2x2x1
jax: 0.10.2.dev20260603
libtpu: 0.0.44.dev20260713+nightly
codegen_flags: <defaults>
</compile_context>

<pallas_src>
import functools

import jax
import jax.numpy as jnp
from jax import lax
from jax.experimental import pallas as pl
from jax.experimental.pallas import tpu as pltpu
from jax.experimental.pallas import tpu_sc as plsc

NC = 2
NS = 16
NW = NC * NS


def _mesh():
    return plsc.VectorSubcoreMesh(core_axis_name="c", subcore_axis_name="s",
                                  num_cores=NC, num_subcores=NS)


def _chunking(E):
    per_w = E // NW
    assert per_w * NW == E
    B = 200
    assert per_w % B == 0 and B % 8 == 0 and per_w % 8 == 0
    return per_w, B, per_w // B


def _sc_gather(tables, idxs):
    E = idxs[0].shape[0]
    per_w, B, nch = _chunking(E)
    n = len(tables)
    out_type = tuple(jax.ShapeDtypeStruct((E, t.shape[1]), jnp.float32)
                     for t in tables)
    scratch = []
    for t in tables:
        scratch.append(pltpu.VMEM((B,), jnp.int32))
        scratch.append(pltpu.VMEM((B, t.shape[1]), jnp.float32))
        scratch.append(pltpu.SemaphoreType.DMA)

    @functools.partial(pl.kernel, out_type=out_type, mesh=_mesh(),
                       scratch_types=tuple(scratch))
    def kfn(*refs):
        tab = refs[:n]
        idx = refs[n:2 * n]
        out = refs[2 * n:3 * n]
        scr = refs[3 * n:]
        wid = lax.axis_index("s") * NC + lax.axis_index("c")

        def body(c, carry):
            base = wid * per_w + c * B
            descs = []
            for j in range(n):
                ib, db, sem = scr[3 * j], scr[3 * j + 1], scr[3 * j + 2]
                pltpu.sync_copy(idx[j].at[pl.ds(base, B)], ib)
                descs.append(pltpu.async_copy(tab[j].at[ib], db, sem))
            for j in range(n):
                descs[j].wait()
                pltpu.sync_copy(scr[3 * j + 1], out[j].at[pl.ds(base, B)])
            return carry

        lax.fori_loop(0, nch, body, 0)

    res = kfn(*tables, *idxs)
    return list(res) if isinstance(res, (tuple, list)) else [res]


def _sc_scatter_add(vals, idx, nrows):
    E, Dr = vals.shape
    per_w, B, nch = _chunking(E)
    align = NS * 8
    nrp = ((nrows + align - 1) // align) * align
    rpt = nrp // NS
    zeros = jnp.zeros((rpt, Dr), jnp.float32)

    @functools.partial(
        pl.kernel,
        out_type=jax.ShapeDtypeStruct((NC, nrp, Dr), jnp.float32),
        mesh=_mesh(),
        scratch_types=(pltpu.VMEM((B,), jnp.int32),
                       pltpu.VMEM((B, Dr), jnp.float32),
                       pltpu.VMEM_SHARED((nrp, Dr), jnp.float32)),
        compiler_params=pltpu.CompilerParams(use_tc_tiling_on_sc=False))
    def kfn(vals_hbm, idx_hbm, z_hbm, out_hbm, ib, vb, acc):
        cid = lax.axis_index("c")
        sid = lax.axis_index("s")
        wid = sid * NC + cid
        pltpu.sync_copy(z_hbm, acc.at[pl.ds(sid * rpt, rpt)])
        plsc.subcore_barrier()

        def body(c, carry):
            base = wid * per_w + c * B
            pltpu.sync_copy(idx_hbm.at[pl.ds(base, B)], ib)
            pltpu.sync_copy(vals_hbm.at[pl.ds(base, B)], vb)
            pltpu.sync_copy(vb, acc.at[ib], add=True)
            return carry

        lax.fori_loop(0, nch, body, 0)
        plsc.subcore_barrier()
        pltpu.sync_copy(acc.at[pl.ds(sid * rpt, rpt)],
                        out_hbm.at[cid, pl.ds(sid * rpt, rpt)])

    return kfn(vals, idx, zeros)


def _row_spec(b, w):
    return pl.BlockSpec((b, w), lambda i: (i, 0))


def _full_spec(shape):
    nd = len(shape)
    return pl.BlockSpec(shape, lambda i: (0,) * nd)


def _tc_qkvs(x, Wq, Wk, Wv, Wskip, bq, bk, bv, bskip, BN):
    N, F = x.shape
    D = Wq.shape[1]
    grid = (N // BN,)

    def body(x_ref, wq, wk, wv, ws, b1, b2, b3, b4, q_ref, k_ref, v_ref, s_ref):
        xb = x_ref[...]
        q_ref[...] = jnp.dot(xb, wq[...], preferred_element_type=jnp.float32) + b1[...]
        k_ref[...] = jnp.dot(xb, wk[...], preferred_element_type=jnp.float32) + b2[...]
        v_ref[...] = jnp.dot(xb, wv[...], preferred_element_type=jnp.float32) + b3[...]
        s_ref[...] = jnp.dot(xb, ws[...], preferred_element_type=jnp.float32) + b4[...]

    outs = pl.pallas_call(
        body, grid=grid,
        in_specs=[_row_spec(BN, F)] + [_full_spec((F, D))] * 4 + [_full_spec((1, D))] * 4,
        out_specs=[_row_spec(BN, D)] * 4,
        out_shape=[jax.ShapeDtypeStruct((N, D), jnp.float32)] * 4,
    )(x, Wq, Wk, Wv, Wskip, bq.reshape(1, D), bk.reshape(1, D),
      bv.reshape(1, D), bskip.reshape(1, D))
    return outs


def _tc_edge_proj(edge_attr, We, BE):
    E, ED = edge_attr.shape
    D = We.shape[1]

    def body(a_ref, w_ref, e_ref):
        e_ref[...] = jnp.dot(a_ref[...], w_ref[...],
                             preferred_element_type=jnp.float32)

    return pl.pallas_call(
        body, grid=(E // BE,),
        in_specs=[_row_spec(BE, ED), _full_spec((ED, D))],
        out_specs=_row_spec(BE, D),
        out_shape=jax.ShapeDtypeStruct((E, D), jnp.float32),
    )(edge_attr, We)


def _tc_pay(qd, ks, vs, e, BE, C):
    E, D = qd.shape
    inv_sqrt_c = 1.0 / (C ** 0.5)

    def body(qd_ref, ks_ref, vs_ref, e_ref, p_ref):
        q = qd_ref[...]
        k = ks_ref[...] + e_ref[...]
        a0 = jnp.sum(q[:, :C] * k[:, :C], axis=1, keepdims=True) * inv_sqrt_c
        a1 = jnp.sum(q[:, C:] * k[:, C:], axis=1, keepdims=True) * inv_sqrt_c
        ex0 = jnp.exp(a0)
        ex1 = jnp.exp(a1)
        ve = vs_ref[...] + e_ref[...]
        p_ref[...] = jnp.concatenate(
            [ex0 * ve[:, :C], ex1 * ve[:, C:], ex0, ex1,
             jnp.zeros((ve.shape[0], 14), jnp.float32)], axis=1)

    return pl.pallas_call(
        body, grid=(E // BE,),
        in_specs=[_row_spec(BE, D)] * 4,
        out_specs=_row_spec(BE, D + 16),
        out_shape=jax.ShapeDtypeStruct((E, D + 16), jnp.float32),
    )(qd, ks, vs, e)


def _layer_norm(x, g, b, eps=1e-5):
    m = jnp.mean(x, axis=1, keepdims=True)
    v = jnp.mean((x - m) ** 2, axis=1, keepdims=True)
    return (x - m) * jax.lax.rsqrt(v + eps) * g + b


def _part_specs(BN, W):
    return [pl.BlockSpec((1, BN, W), lambda i: (0, i, 0)),
            pl.BlockSpec((1, BN, W), lambda i: (1, i, 0))]


def _tc_h(acc, xskip, gamma, beta, BN, C):
    N = xskip.shape[0]
    D = 2 * C
    W = acc.shape[2]

    def body(a0_ref, a1_ref, sk_ref, g_ref, b_ref, h_ref):
        a = a0_ref[0] + a1_ref[0]
        num = a[:, :D]
        den0 = a[:, D:D + 1]
        den1 = a[:, D + 1:D + 2]
        div = jnp.concatenate([jnp.broadcast_to(den0, (num.shape[0], C)),
                               jnp.broadcast_to(den1, (num.shape[0], C))], axis=1)
        out = jnp.where(div > 0.0, num / jnp.maximum(div, 1e-30), 0.0)
        out = out + sk_ref[...]
        h_ref[...] = jnp.maximum(_layer_norm(out, g_ref[...], b_ref[...]), 0.0)

    return pl.pallas_call(
        body, grid=(N // BN,),
        in_specs=_part_specs(BN, W) + [_row_spec(BN, D),
                  _full_spec((1, D)), _full_spec((1, D))],
        out_specs=_row_spec(BN, D),
        out_shape=jax.ShapeDtypeStruct((N, D), jnp.float32),
    )(acc, acc, xskip, gamma.reshape(1, D), beta.reshape(1, D))


def _sigmoid(x):
    return 1.0 / (1.0 + jnp.exp(-x))


def _tc_gru(xw, Wih, Whh, bih, bhh):
    D = xw.shape[0]

    def body(x_ref, wih_ref, whh_ref, bi_ref, bh_ref, w_ref):
        x = x_ref[...]
        gi = lax.dot_general(x, wih_ref[...], (((1,), (1,)), ((), ())),
                             preferred_element_type=jnp.float32) + bi_ref[...]
        gh = lax.dot_general(x, whh_ref[...], (((1,), (1,)), ((), ())),
                             preferred_element_type=jnp.float32) + bh_ref[...]
        i_r, i_z, i_n = gi[:, :D], gi[:, D:2 * D], gi[:, 2 * D:]
        h_r, h_z, h_n = gh[:, :D], gh[:, D:2 * D], gh[:, 2 * D:]
        r = _sigmoid(i_r + h_r)
        z = _sigmoid(i_z + h_z)
        ng = jnp.tanh(i_n + r * h_n)
        w_ref[...] = (1.0 - z) * ng + z * x

    return pl.pallas_call(
        body,
        in_specs=[pl.BlockSpec((D, D), lambda: (0, 0)),
                  pl.BlockSpec((3 * D, D), lambda: (0, 0)),
                  pl.BlockSpec((3 * D, D), lambda: (0, 0)),
                  pl.BlockSpec((1, 3 * D), lambda: (0, 0)),
                  pl.BlockSpec((1, 3 * D), lambda: (0, 0))],
        out_specs=pl.BlockSpec((D, D), lambda: (0, 0)),
        out_shape=jax.ShapeDtypeStruct((D, D), jnp.float32),
    )(xw, Wih, Whh, bih.reshape(1, 3 * D), bhh.reshape(1, 3 * D))


def _tc_g(h, W, degp, BN):
    N, D = h.shape
    WD = degp.shape[2]

    def body(h_ref, w_ref, d0_ref, d1_ref, g_ref):
        deg = d0_ref[0][:, :1] + d1_ref[0][:, :1] + 1.0
        dinv = jax.lax.rsqrt(deg)
        hw = jnp.dot(h_ref[...], w_ref[...], preferred_element_type=jnp.float32)
        g_ref[...] = hw * dinv

    return pl.pallas_call(
        body, grid=(N // BN,),
        in_specs=[_row_spec(BN, D), _full_spec((D, D))] + _part_specs(BN, WD),
        out_specs=_row_spec(BN, D),
        out_shape=jax.ShapeDtypeStruct((N, D), jnp.float32),
    )(h, W, degp, degp)


def _tc_scale(rows, w, BE):
    E, D = rows.shape

    def body(r_ref, w_ref, o_ref):
        o_ref[...] = r_ref[...] * w_ref[...]

    return pl.pallas_call(
        body, grid=(E // BE,),
        in_specs=[_row_spec(BE, D), _row_spec(BE, 1)],
        out_specs=_row_spec(BE, D),
        out_shape=jax.ShapeDtypeStruct((E, D), jnp.float32),
    )(rows, w.reshape(E, 1))


def _tc_out2_pool(scatp, g, degp, gamma, beta, BN):
    N, D = g.shape
    WD = degp.shape[2]

    def body(s0_ref, s1_ref, g_ref, d0_ref, d1_ref, ga_ref, be_ref,
             sum_ref, max_ref):
        i = pl.program_id(0)
        deg = d0_ref[0][:, :1] + d1_ref[0][:, :1] + 1.0
        dinv = jax.lax.rsqrt(deg)
        out2 = dinv * (s0_ref[0] + s1_ref[0] + g_ref[...])
        h2 = jnp.maximum(_layer_norm(out2, ga_ref[...], be_ref[...]), 0.0)
        bsum = jnp.sum(h2, axis=0, keepdims=True)
        bmax = jnp.max(h2, axis=0, keepdims=True)

        @pl.when(i == 0)
        def _():
            sum_ref[...] = bsum
            max_ref[...] = bmax

        @pl.when(i > 0)
        def _():
            sum_ref[...] = sum_ref[...] + bsum
            max_ref[...] = jnp.maximum(max_ref[...], bmax)

    return pl.pallas_call(
        body, grid=(N // BN,),
        in_specs=_part_specs(BN, D) + [_row_spec(BN, D)] + _part_specs(BN, WD)
                 + [_full_spec((1, D)), _full_spec((1, D))],
        out_specs=[pl.BlockSpec((1, D), lambda i: (0, 0))] * 2,
        out_shape=[jax.ShapeDtypeStruct((1, D), jnp.float32)] * 2,
    )(scatp, scatp, g, degp, degp, gamma.reshape(1, D), beta.reshape(1, D))


def _tc_classifier(psum, pmax, n_nodes, cW1, cb1, cln_g, cln_b, cW2, cb2):
    D = psum.shape[1]
    K = cW1.shape[1]

    def body(ps_ref, pm_ref, w1_ref, b1_ref, g_ref, be_ref, w2_ref, b2_ref,
             o_ref):
        pooled = jnp.concatenate([ps_ref[...] * (1.0 / n_nodes), pm_ref[...]],
                                 axis=1)
        z1 = jnp.dot(pooled, w1_ref[...], preferred_element_type=jnp.float32) + b1_ref[...]
        z1 = jnp.maximum(_layer_norm(z1, g_ref[...], be_ref[...]), 0.0)
        o_ref[...] = jnp.dot(z1, w2_ref[...], preferred_element_type=jnp.float32) + b2_ref[...]

    return pl.pallas_call(
        body,
        in_specs=[pl.BlockSpec((1, D), lambda: (0, 0)),
                  pl.BlockSpec((1, D), lambda: (0, 0)),
                  pl.BlockSpec((2 * D, K), lambda: (0, 0)),
                  pl.BlockSpec((1, K), lambda: (0, 0)),
                  pl.BlockSpec((1, K), lambda: (0, 0)),
                  pl.BlockSpec((1, K), lambda: (0, 0)),
                  pl.BlockSpec((K, 1), lambda: (0, 0)),
                  pl.BlockSpec((1, 1), lambda: (0, 0))],
        out_specs=pl.BlockSpec((1, 1), lambda: (0, 0)),
        out_shape=jax.ShapeDtypeStruct((1, 1), jnp.float32),
    )(psum, pmax, cW1, cb1.reshape(1, K), cln_g.reshape(1, K),
      cln_b.reshape(1, K), cW2, cb2.reshape(1, 1))


def kernel(x_cumulative, x_windowed, edge_index, edge_attr, simple_edge_index,
           simple_edge_weight, Wq, bq, Wk, bk, Wv, bv, We, Wskip, bskip,
           nn_gamma, nn_beta, initial_weight, gru_Wih, gru_Whh, gru_bih,
           gru_bhh, en_gamma, en_beta, cW1, cb1, cln_g, cln_b, cW2, cb2):
    N = x_cumulative.shape[0]
    E = edge_index.shape[1]
    D = Wq.shape[1]
    C = D // 2
    BN, BE = 1000, 2000

    x = jnp.concatenate([x_cumulative, x_windowed], axis=1)
    src, dst = edge_index[0], edge_index[1]
    ssrc, sdst = simple_edge_index[0], simple_edge_index[1]

    q, k, v, xskip = _tc_qkvs(x, Wq, Wk, Wv, Wskip, bq, bk, bv, bskip, BN)
    e = _tc_edge_proj(edge_attr, We, BE)

    ks, qd, vs = _sc_gather([k, q, v], [src, dst, src])

    w16 = jnp.pad(simple_edge_weight[:, None], ((0, 0), (0, 15)))
    degp = _sc_scatter_add(w16, sdst, N)

    pay = _tc_pay(qd, ks, vs, e, BE, C)

    accp = _sc_scatter_add(pay, dst, N)

    h = _tc_h(accp, xskip, nn_gamma, nn_beta, BN, C)
    Wg = _tc_gru(initial_weight[0], gru_Wih, gru_Whh, gru_bih, gru_bhh)
    g = _tc_g(h, Wg, degp, BN)

    (grows,) = _sc_gather([g], [ssrc])
    scaled = _tc_scale(grows, simple_edge_weight, BE)
    scatp = _sc_scatter_add(scaled, sdst, N)

    psum, pmax = _tc_out2_pool(scatp, g, degp, en_gamma, en_beta, BN)
    return _tc_classifier(psum, pmax, float(N), cW1, cb1, cln_g, cln_b,
                          cW2, cb2)

# --- scband reference (transcript-rebuilt; emitter-appended) ---
"""Pipeline reference for scband-token-malice-classifier-44667659878731 (READ-ONLY COPY).

The authoritative reference and input builder live on the scoring server;
editing this copy changes nothing except your own understanding.
"""

import jax, jax.numpy as jnp
import numpy as np

N = 10000
E = 160000
F_IN = 8
ED = 16
H = 2
C = 64
D = H * C


def _layernorm(x, g, b, eps=1e-5):
    m = x.mean(-1, keepdims=True)
    v = ((x - m) ** 2).mean(-1, keepdims=True)
    return (x - m) / jnp.sqrt(v + eps) * g + b


def setup_inputs(seed: int = 0) -> dict:
    key = jax.random.key(seed)
    ks = jax.random.split(key, 32)
    sc = 0.1
    inp = {}
    inp["x_cumulative"] = jax.random.normal(ks[0], (N, 4), jnp.float32)
    inp["x_windowed"] = jax.random.normal(ks[1], (N, 4), jnp.float32)
    inp["edge_index"] = jax.random.randint(ks[2], (2, E), 0, N, dtype=jnp.int32)
    inp["edge_attr"] = jax.random.normal(ks[3], (E, ED), jnp.float32)
    inp["simple_edge_index"] = jax.random.randint(ks[4], (2, E), 0, N, dtype=jnp.int32)
    inp["simple_edge_weight"] = jax.random.uniform(ks[5], (E,), jnp.float32)
    # TransformerConv params
    inp["Wq"] = jax.random.normal(ks[6], (F_IN, D), jnp.float32) * sc
    inp["bq"] = jnp.zeros((D,), jnp.float32)
    inp["Wk"] = jax.random.normal(ks[7], (F_IN, D), jnp.float32) * sc
    inp["bk"] = jnp.zeros((D,), jnp.float32)
    inp["Wv"] = jax.random.normal(ks[8], (F_IN, D), jnp.float32) * sc
    inp["bv"] = jnp.zeros((D,), jnp.float32)
    inp["We"] = jax.random.normal(ks[9], (ED, D), jnp.float32) * sc
    inp["Wskip"] = jax.random.normal(ks[10], (F_IN, D), jnp.float32) * sc
    inp["bskip"] = jnp.zeros((D,), jnp.float32)
    inp["nn_gamma"] = jnp.ones((D,), jnp.float32)
    inp["nn_beta"] = jnp.zeros((D,), jnp.float32)
    # EvolveGCNO params
    inp["initial_weight"] = jax.random.normal(ks[11], (1, D, D), jnp.float32) * (1.0 / np.sqrt(D))
    inp["gru_Wih"] = jax.random.normal(ks[12], (3 * D, D), jnp.float32) * (1.0 / np.sqrt(D))
    inp["gru_Whh"] = jax.random.normal(ks[13], (3 * D, D), jnp.float32) * (1.0 / np.sqrt(D))
    inp["gru_bih"] = jnp.zeros((3 * D,), jnp.float32)
    inp["gru_bhh"] = jnp.zeros((3 * D,), jnp.float32)
    inp["en_gamma"] = jnp.ones((D,), jnp.float32)
    inp["en_beta"] = jnp.zeros((D,), jnp.float32)
    # classifier params (concat pooling -> 2*D input)
    inp["cW1"] = jax.random.normal(ks[14], (2 * D, 64), jnp.float32) * sc
    inp["cb1"] = jnp.zeros((64,), jnp.float32)
    inp["cln_g"] = jnp.ones((64,), jnp.float32)
    inp["cln_b"] = jnp.zeros((64,), jnp.float32)
    inp["cW2"] = jax.random.normal(ks[15], (64, 1), jnp.float32) * sc
    inp["cb2"] = jnp.zeros((1,), jnp.float32)
    return inp


def _forward(x_cumulative, x_windowed, edge_attr, simple_edge_weight,
             Wq, bq, Wk, bk, Wv, bv, We, Wskip, bskip, nn_gamma, nn_beta,
             initial_weight, gru_Wih, gru_Whh, gru_bih, gru_bhh,
             en_gamma, en_beta, cW1, cb1, cln_g, cln_b, cW2, cb2,
             edge_index, simple_edge_index):
    x = jnp.concatenate([x_cumulative, x_windowed], axis=1)
    n = x.shape[0]
    src = edge_index[0]
    dst = edge_index[1]
    # TransformerConv (heads=H, concat=True, edge_dim, root_weight=True), eval mode
    q = (x @ Wq + bq).reshape(n, H, C)
    k = (x @ Wk + bk).reshape(n, H, C)
    v = (x @ Wv + bv).reshape(n, H, C)
    e = (edge_attr @ We).reshape(-1, H, C)
    k_j = k[src] + e
    alpha = (q[dst] * k_j).sum(-1) / jnp.sqrt(float(C))
    amax = jax.ops.segment_max(alpha, dst, num_segments=n)
    amax = jnp.where(jnp.isfinite(amax), amax, 0.0)
    ex = jnp.exp(alpha - amax[dst])
    denom = jax.ops.segment_sum(ex, dst, num_segments=n)
    attn = ex / (denom[dst] + 1e-16)
    msg = (v[src] + e) * attn[:, :, None]
    out = jax.ops.segment_sum(msg, dst, num_segments=n).reshape(n, D)
    out = out + x @ Wskip + bskip
    h = jax.nn.relu(_layernorm(out, nn_gamma, nn_beta))
    # EvolveGCNO: single GRU step evolving the GCN weight (weight reset -> uses initial_weight)
    xw = initial_weight[0]
    h0 = initial_weight[0]
    gi = xw @ gru_Wih.T + gru_bih
    gh = h0 @ gru_Whh.T + gru_bhh
    i_r, i_z, i_n = jnp.split(gi, 3, axis=1)
    h_r, h_z, h_n = jnp.split(gh, 3, axis=1)
    r = jax.nn.sigmoid(i_r + h_r)
    z = jax.nn.sigmoid(i_z + h_z)
    ng = jnp.tanh(i_n + r * h_n)
    W = (1.0 - z) * ng + z * h0
    # GCNConv with fixed W, gcn_norm with self loops
    s_src = simple_edge_index[0]
    s_dst = simple_edge_index[1]
    loop = jnp.arange(n, dtype=s_src.dtype)
    row = jnp.concatenate([s_src, loop])
    col = jnp.concatenate([s_dst, loop])
    w = jnp.concatenate([simple_edge_weight, jnp.ones((n,), simple_edge_weight.dtype)])
    deg = jax.ops.segment_sum(w, col, num_segments=n)
    dinv = jnp.where(deg > 0, 1.0 / jnp.sqrt(deg), 0.0)
    norm = dinv[row] * w * dinv[col]
    hw = h @ W
    out2 = jax.ops.segment_sum(hw[row] * norm[:, None], col, num_segments=n)
    h2 = jax.nn.relu(_layernorm(out2, en_gamma, en_beta))
    # concat pooling over single graph (batch = zeros)
    pooled = jnp.concatenate([h2.mean(axis=0), h2.max(axis=0)])[None, :]
    z1 = jax.nn.relu(_layernorm(pooled @ cW1 + cb1, cln_g, cln_b))
    logits = z1 @ cW2 + cb2
    return logits


def reference(x_cumulative, x_windowed, edge_index, edge_attr, simple_edge_index, simple_edge_weight,
              Wq, bq, Wk, bk, Wv, bv, We, Wskip, bskip, nn_gamma, nn_beta,
              initial_weight, gru_Wih, gru_Whh, gru_bih, gru_bhh,
              en_gamma, en_beta, cW1, cb1, cln_g, cln_b, cW2, cb2):
    return _forward(x_cumulative, x_windowed, edge_attr, simple_edge_weight,
                    Wq, bq, Wk, bk, Wv, bv, We, Wskip, bskip, nn_gamma, nn_beta,
                    initial_weight, gru_Wih, gru_Whh, gru_bih, gru_bhh,
                    en_gamma, en_beta, cW1, cb1, cln_g, cln_b, cW2, cb2,
                    edge_index, simple_edge_index)

if __name__ == "__main__":
    import jax
    _d = setup_inputs()
    print(jax.jit(kernel)(*tuple(_d.values())))

</pallas_src>

<mosaic_0001>
#map = affine_map<(d0, d1) -> (0, 0)>
#map1 = affine_map<(d0, d1) -> (0)>
module attributes {stable_mosaic.version = 14 : i64} {
  func.func @kfn(%arg0: i32, %arg1: i32, %arg2: memref<10000x128xf32, #tpu.memory_space<hbm>>, %arg3: memref<10000x128xf32, #tpu.memory_space<hbm>>, %arg4: memref<10000x128xf32, #tpu.memory_space<hbm>>, %arg5: memref<160000xi32, #tpu.memory_space<hbm>>, %arg6: memref<160000xi32, #tpu.memory_space<hbm>>, %arg7: memref<160000xi32, #tpu.memory_space<hbm>>, %arg8: memref<160000x128xf32, #tpu.memory_space<hbm>>, %arg9: memref<160000x128xf32, #tpu.memory_space<hbm>>, %arg10: memref<160000x128xf32, #tpu.memory_space<hbm>>, %arg11: memref<200xi32, #tpu.memory_space<vmem>>, %arg12: memref<200x128xf32, #tpu.memory_space<vmem>>, %arg13: memref<!tpu.dma_semaphore, #tpu.memory_space<semaphore_mem>>, %arg14: memref<200xi32, #tpu.memory_space<vmem>>, %arg15: memref<200x128xf32, #tpu.memory_space<vmem>>, %arg16: memref<!tpu.dma_semaphore, #tpu.memory_space<semaphore_mem>>, %arg17: memref<200xi32, #tpu.memory_space<vmem>>, %arg18: memref<200x128xf32, #tpu.memory_space<vmem>>, %arg19: memref<!tpu.dma_semaphore, #tpu.memory_space<semaphore_mem>>) attributes {dimension_semantics = [#tpu.dimension_semantics<core_parallel>, #tpu.dimension_semantics<subcore_parallel>], iteration_bounds = array<i64: 2, 16>, scalar_prefetch = 0 : i64, scratch_operands = 9 : i64, tpu.core_type = #tpu.core_type<sc_vector_subcore>, window_params = [{transform_indices = #map}, {transform_indices = #map}, {transform_indices = #map}, {transform_indices = #map1}, {transform_indices = #map1}, {transform_indices = #map1}, {transform_indices = #map}, {transform_indices = #map}, {transform_indices = #map}]} {
    %mul3A = arith.constant 2 : i32
    %mul3A_0 = arith.muli %arg1, %mul3A : i32
    %add3A = arith.addi %mul3A_0, %arg0 : i32
    %scan3A = arith.constant 0 : i32
    %scan3A_1 = arith.constant 0 : i32
    %scan3A_2 = arith.constant 25 : i32
    %scan3A_3 = arith.addi %scan3A_1, %scan3A_2 : i32
    %scan3A_4 = arith.constant 1 : i32
    scf.for %scan3A_6 = %scan3A_1 to %scan3A_3 step %scan3A_4  : i32 {
      %mul3A_7 = arith.constant 5000 : i32
      %mul3A_8 = arith.muli %add3A, %mul3A_7 : i32
      %mul3A_9 = arith.constant 200 : i32
      %mul3A_10 = arith.muli %scan3A_6, %mul3A_9 : i32
      %add3A_11 = arith.addi %mul3A_8, %mul3A_10 : i32
      "tpu.region"() ({
        %run_scoped3A = tpu.sem_alloc : memref<!tpu.dma_semaphore, #tpu.memory_space<semaphore_mem>>
        %dma_start3A_28 = tpu.memref_slice %arg5[%add3A_11] : memref<160000xi32, #tpu.memory_space<hbm>> -> memref<200xi32, #tpu.memory_space<hbm>>
        %dma_start3A_29 = tpu.memref_slice %arg5[%add3A_11] : memref<160000xi32, #tpu.memory_space<hbm>> -> memref<200xi32, #tpu.memory_space<hbm>>
        tpu.enqueue_dma source(%dma_start3A_29 : memref<200xi32, #tpu.memory_space<hbm>>) target(%arg11 : memref<200xi32, #tpu.memory_space<vmem>>) target_semaphore(%run_scoped3A : memref<!tpu.dma_semaphore, #tpu.memory_space<semaphore_mem>>)
        %dma_wait3A_30 = tpu.memref_slice %arg5[%add3A_11] : memref<160000xi32, #tpu.memory_space<hbm>> -> memref<200xi32, #tpu.memory_space<hbm>>
        %dma_wait3A_31 = tpu.memref_slice %arg5[%add3A_11] : memref<160000xi32, #tpu.memory_space<hbm>> -> memref<200xi32, #tpu.memory_space<hbm>>
        tpu.wait_dma2 semaphore(%run_scoped3A : memref<!tpu.dma_semaphore, #tpu.memory_space<semaphore_mem>>) src(%dma_wait3A_31 : memref<200xi32, #tpu.memory_space<hbm>>) dst(%arg11 : memref<200xi32, #tpu.memory_space<vmem>>)
        tpu.yield
      }) : () -> ()
      %dma_start3A = arith.constant 0 : i32
      %dma_start3A_12 = arith.constant 0 : i32
      %dma_start3A_13 = tpu.memref_slice %arg2[%dma_start3A, %dma_start3A_12] : memref<10000x128xf32, #tpu.memory_space<hbm>> -> memref<10000x128xf32, #tpu.memory_space<hbm>>
      tpu.enqueue_indirect_dma source(%dma_start3A_13 : memref<10000x128xf32, #tpu.memory_space<hbm>>) target(%arg12 : memref<200x128xf32, #tpu.memory_space<vmem>>) offsets(%arg11 : memref<200xi32, #tpu.memory_space<vmem>>) semaphore(%arg13 : memref<!tpu.dma_semaphore, #tpu.memory_space<semaphore_mem>>)
      "tpu.region"() ({
        %run_scoped3A = tpu.sem_alloc : memref<!tpu.dma_semaphore, #tpu.memory_space<semaphore_mem>>
        %dma_start3A_28 = tpu.memref_slice %arg6[%add3A_11] : memref<160000xi32, #tpu.memory_space<hbm>> -> memref<200xi32, #tpu.memory_space<hbm>>
        %dma_start3A_29 = tpu.memref_slice %arg6[%add3A_11] : memref<160000xi32, #tpu.memory_space<hbm>> -> memref<200xi32, #tpu.memory_space<hbm>>
        tpu.enqueue_dma source(%dma_start3A_29 : memref<200xi32, #tpu.memory_space<hbm>>) target(%arg14 : memref<200xi32, #tpu.memory_space<vmem>>) target_semaphore(%run_scoped3A : memref<!tpu.dma_semaphore, #tpu.memory_space<semaphore_mem>>)
        %dma_wait3A_30 = tpu.memref_slice %arg6[%add3A_11] : memref<160000xi32, #tpu.memory_space<hbm>> -> memref<200xi32, #tpu.memory_space<hbm>>
        %dma_wait3A_31 = tpu.memref_slice %arg6[%add3A_11] : memref<160000xi32, #tpu.memory_space<hbm>> -> memref<200xi32, #tpu.memory_space<hbm>>
        tpu.wait_dma2 semaphore(%run_scoped3A : memref<!tpu.dma_semaphore, #tpu.memory_space<semaphore_mem>>) src(%dma_wait3A_31 : memref<200xi32, #tpu.memory_space<hbm>>) dst(%arg14 : memref<200xi32, #tpu.memory_space<vmem>>)
        tpu.yield
      }) : () -> ()
      %dma_start3A_14 = arith.constant 0 : i32
      %dma_start3A_15 = arith.constant 0 : i32
      %dma_start3A_16 = tpu.memref_slice %arg3[%dma_start3A_14, %dma_start3A_15] : memref<10000x128xf32, #tpu.memory_space<hbm>> -> memref<10000x128xf32, #tpu.memory_space<hbm>>
      tpu.enqueue_indirect_dma source(%dma_start3A_16 : memref<10000x128xf32, #tpu.memory_space<hbm>>) target(%arg15 : memref<200x128xf32, #tpu.memory_space<vmem>>) offsets(%arg14 : memref<200xi32, #tpu.memory_space<vmem>>) semaphore(%arg16 : memref<!tpu.dma_semaphore, #tpu.memory_space<semaphore_mem>>)
      "tpu.region"() ({
        %run_scoped3A = tpu.sem_alloc : memref<!tpu.dma_semaphore, #tpu.memory_space<semaphore_mem>>
        %dma_start3A_28 = tpu.memref_slice %arg7[%add3A_11] : memref<160000xi32, #tpu.memory_space<hbm>> -> memref<200xi32, #tpu.memory_space<hbm>>
        %dma_start3A_29 = tpu.memref_slice %arg7[%add3A_11] : memref<160000xi32, #tpu.memory_space<hbm>> -> memref<200xi32, #tpu.memory_space<hbm>>
        tpu.enqueue_dma source(%dma_start3A_29 : memref<200xi32, #tpu.memory_space<hbm>>) target(%arg17 : memref<200xi32, #tpu.memory_space<vmem>>) target_semaphore(%run_scoped3A : memref<!tpu.dma_semaphore, #tpu.memory_space<semaphore_mem>>)
        %dma_wait3A_30 = tpu.memref_slice %arg7[%add3A_11] : memref<160000xi32, #tpu.memory_space<hbm>> -> memref<200xi32, #tpu.memory_space<hbm>>
        %dma_wait3A_31 = tpu.memref_slice %arg7[%add3A_11] : memref<160000xi32, #tpu.memory_space<hbm>> -> memref<200xi32, #tpu.memory_space<hbm>>
        tpu.wait_dma2 semaphore(%run_scoped3A : memref<!tpu.dma_semaphore, #tpu.memory_space<semaphore_mem>>) src(%dma_wait3A_31 : memref<200xi32, #tpu.memory_space<hbm>>) dst(%arg17 : memref<200xi32, #tpu.memory_space<vmem>>)
        tpu.yield
      }) : () -> ()
      %dma_start3A_17 = arith.constant 0 : i32
      %dma_start3A_18 = arith.constant 0 : i32
      %dma_start3A_19 = tpu.memref_slice %arg4[%dma_start3A_17, %dma_start3A_18] : memref<10000x128xf32, #tpu.memory_space<hbm>> -> memref<10000x128xf32, #tpu.memory_space<hbm>>
      tpu.enqueue_indirect_dma source(%dma_start3A_19 : memref<10000x128xf32, #tpu.memory_space<hbm>>) target(%arg18 : memref<200x128xf32, #tpu.memory_space<vmem>>) offsets(%arg17 : memref<200xi32, #tpu.memory_space<vmem>>) semaphore(%arg19 : memref<!tpu.dma_semaphore, #tpu.memory_space<semaphore_mem>>)
      %dma_wait3A = arith.constant 0 : i32
      %dma_wait3A_20 = arith.constant 0 : i32
      %dma_wait3A_21 = tpu.memref_slice %arg2[%dma_wait3A, %dma_wait3A_20] : memref<10000x128xf32, #tpu.memory_space<hbm>> -> memref<10000x128xf32, #tpu.memory_space<hbm>>
      tpu.wait_indirect_dma semaphore(%arg13 : memref<!tpu.dma_semaphore, #tpu.memory_space<semaphore_mem>>) src(%dma_wait3A_21 : memref<10000x128xf32, #tpu.memory_space<hbm>>) dst(%arg12 : memref<200x128xf32, #tpu.memory_space<vmem>>)
      "tpu.region"() ({
        %run_scoped3A = tpu.sem_alloc : memref<!tpu.dma_semaphore, #tpu.memory_space<semaphore_mem>>
        %dma_start3A_28 = arith.constant 0 : i32
        %dma_start3A_29 = tpu.memref_slice %arg8[%add3A_11, %dma_start3A_28] : memref<160000x128xf32, #tpu.memory_space<hbm>> -> memref<200x128xf32, #tpu.memory_space<hbm>>
        %dma_start3A_30 = arith.constant 0 : i32
        %dma_start3A_31 = tpu.memref_slice %arg8[%add3A_11, %dma_start3A_30] : memref<160000x128xf32, #tpu.memory_space<hbm>> -> memref<200x128xf32, #tpu.memory_space<hbm>>
        tpu.enqueue_dma source(%arg12 : memref<200x128xf32, #tpu.memory_space<vmem>>) target(%dma_start3A_31 : memref<200x128xf32, #tpu.memory_space<hbm>>) target_semaphore(%run_scoped3A : memref<!tpu.dma_semaphore, #tpu.memory_space<semaphore_mem>>)
        %dma_wait3A_32 = arith.constant 0 : i32
        %dma_wait3A_33 = tpu.memref_slice %arg8[%add3A_11, %dma_wait3A_32] : memref<160000x128xf32, #tpu.memory_space<hbm>> -> memref<200x128xf32, #tpu.memory_space<hbm>>
        %dma_wait3A_34 = arith.constant 0 : i32
        %dma_wait3A_35 = tpu.memref_slice %arg8[%add3A_11, %dma_wait3A_34] : memref<160000x128xf32, #tpu.memory_space<hbm>> -> memref<200x128xf32, #tpu.memory_space<hbm>>
        tpu.wait_dma2 semaphore(%run_scoped3A : memref<!tpu.dma_semaphore, #tpu.memory_space<semaphore_mem>>) src(%arg12 : memref<200x128xf32, #tpu.memory_space<vmem>>) dst(%dma_wait3A_35 : memref<200x128xf32, #tpu.memory_space<hbm>>)
        tpu.yield
      }) : () -> ()
      %dma_wait3A_22 = arith.constant 0 : i32
      %dma_wait3A_23 = arith.constant 0 : i32
      %dma_wait3A_24 = tpu.memref_slice %arg3[%dma_wait3A_22, %dma_wait3A_23] : memref<10000x128xf32, #tpu.memory_space<hbm>> -> memref<10000x128xf32, #tpu.memory_space<hbm>>
      tpu.wait_indirect_dma semaphore(%arg16 : memref<!tpu.dma_semaphore, #tpu.memory_space<semaphore_mem>>) src(%dma_wait3A_24 : memref<10000x128xf32, #tpu.memory_space<hbm>>) dst(%arg15 : memref<200x128xf32, #tpu.memory_space<vmem>>)
      "tpu.region"() ({
        %run_scoped3A = tpu.sem_alloc : memref<!tpu.dma_semaphore, #tpu.memory_space<semaphore_mem>>
        %dma_start3A_28 = arith.constant 0 : i32
        %dma_start3A_29 = tpu.memref_slice %arg9[%add3A_11, %dma_start3A_28] : memref<160000x128xf32, #tpu.memory_space<hbm>> -> memref<200x128xf32, #tpu.memory_space<hbm>>
        %dma_start3A_30 = arith.constant 0 : i32
        %dma_start3A_31 = tpu.memref_slice %arg9[%add3A_11, %dma_start3A_30] : memref<160000x128xf32, #tpu.memory_space<hbm>> -> memref<200x128xf32, #tpu.memory_space<hbm>>
        tpu.enqueue_dma source(%arg15 : memref<200x128xf32, #tpu.memory_space<vmem>>) target(%dma_start3A_31 : memref<200x128xf32, #tpu.memory_space<hbm>>) target_semaphore(%run_scoped3A : memref<!tpu.dma_semaphore, #tpu.memory_space<semaphore_mem>>)
        %dma_wait3A_32 = arith.constant 0 : i32
        %dma_wait3A_33 = tpu.memref_slice %arg9[%add3A_11, %dma_wait3A_32] : memref<160000x128xf32, #tpu.memory_space<hbm>> -> memref<200x128xf32, #tpu.memory_space<hbm>>
        %dma_wait3A_34 = arith.constant 0 : i32
        %dma_wait3A_35 = tpu.memref_slice %arg9[%add3A_11, %dma_wait3A_34] : memref<160000x128xf32, #tpu.memory_space<hbm>> -> memref<200x128xf32, #tpu.memory_space<hbm>>
        tpu.wait_dma2 semaphore(%run_scoped3A : memref<!tpu.dma_semaphore, #tpu.memory_space<semaphore_mem>>) src(%arg15 : memref<200x128xf32, #tpu.memory_space<vmem>>) dst(%dma_wait3A_35 : memref<200x128xf32, #tpu.memory_space<hbm>>)
        tpu.yield
      }) : () -> ()
      %dma_wait3A_25 = arith.constant 0 : i32
      %dma_wait3A_26 = arith.constant 0 : i32
      %dma_wait3A_27 = tpu.memref_slice %arg4[%dma_wait3A_25, %dma_wait3A_26] : memref<10000x128xf32, #tpu.memory_space<hbm>> -> memref<10000x128xf32, #tpu.memory_space<hbm>>
      tpu.wait_indirect_dma semaphore(%arg19 : memref<!tpu.dma_semaphore, #tpu.memory_space<semaphore_mem>>) src(%dma_wait3A_27 : memref<10000x128xf32, #tpu.memory_space<hbm>>) dst(%arg18 : memref<200x128xf32, #tpu.memory_space<vmem>>)
      "tpu.region"() ({
        %run_scoped3A = tpu.sem_alloc : memref<!tpu.dma_semaphore, #tpu.memory_space<semaphore_mem>>
        %dma_start3A_28 = arith.constant 0 : i32
        %dma_start3A_29 = tpu.memref_slice %arg10[%add3A_11, %dma_start3A_28] : memref<160000x128xf32, #tpu.memory_space<hbm>> -> memref<200x128xf32, #tpu.memory_space<hbm>>
        %dma_start3A_30 = arith.constant 0 : i32
        %dma_start3A_31 = tpu.memref_slice %arg10[%add3A_11, %dma_start3A_30] : memref<160000x128xf32, #tpu.memory_space<hbm>> -> memref<200x128xf32, #tpu.memory_space<hbm>>
        tpu.enqueue_dma source(%arg18 : memref<200x128xf32, #tpu.memory_space<vmem>>) target(%dma_start3A_31 : memref<200x128xf32, #tpu.memory_space<hbm>>) target_semaphore(%run_scoped3A : memref<!tpu.dma_semaphore, #tpu.memory_space<semaphore_mem>>)
        %dma_wait3A_32 = arith.constant 0 : i32
        %dma_wait3A_33 = tpu.memref_slice %arg10[%add3A_11, %dma_wait3A_32] : memref<160000x128xf32, #tpu.memory_space<hbm>> -> memref<200x128xf32, #tpu.memory_space<hbm>>
        %dma_wait3A_34 = arith.constant 0 : i32
        %dma_wait3A_35 = tpu.memref_slice %arg10[%add3A_11, %dma_wait3A_34] : memref<160000x128xf32, #tpu.memory_space<hbm>> -> memref<200x128xf32, #tpu.memory_space<hbm>>
        tpu.wait_dma2 semaphore(%run_scoped3A : memref<!tpu.dma_semaphore, #tpu.memory_space<semaphore_mem>>) src(%arg18 : memref<200x128xf32, #tpu.memory_space<vmem>>) dst(%dma_wait3A_35 : memref<200x128xf32, #tpu.memory_space<hbm>>)
        tpu.yield
      }) : () -> ()
    }
    %scan3A_5 = arith.constant 25 : i32
    return
  }
}

#map = affine_map<(d0, d1) -> (0, 0)>
#map1 = affine_map<(d0, d1) -> (0)>
#map2 = affine_map<(d0, d1) -> (0, 0, 0)>
module attributes {stable_mosaic.version = 14 : i64} {
  func.func @kfn(%arg0: i32, %arg1: i32, %arg2: memref<160000x144xf32, #tpu.memory_space<hbm>>, %arg3: memref<160000xi32, #tpu.memory_space<hbm>>, %arg4: memref<632x144xf32, #tpu.memory_space<hbm>>, %arg5: memref<2x10112x144xf32, #tpu.memory_space<hbm>>, %arg6: memref<200xi32, #tpu.memory_space<vmem>>, %arg7: memref<200x144xf32, #tpu.memory_space<vmem>>, %arg8: memref<10112x144xf32, #tpu.memory_space<vmem_shared>>) attributes {dimension_semantics = [#tpu.dimension_semantics<core_parallel>, #tpu.dimension_semantics<subcore_parallel>], iteration_bounds = array<i64: 2, 16>, scalar_prefetch = 0 : i64, scratch_operands = 3 : i64, tpu.core_type = #tpu.core_type<sc_vector_subcore>, window_params = [{transform_indices = #map}, {transform_indices = #map1}, {transform_indices = #map}, {transform_indices = #map2}]} {
    %mul3A = arith.constant 2 : i32
    %mul3A_0 = arith.muli %arg1, %mul3A : i32
    %add3A = arith.addi %mul3A_0, %arg0 : i32
    %mul3A_1 = arith.constant 632 : i32
    %mul3A_2 = arith.muli %arg1, %mul3A_1 : i32
    "tpu.region"() ({
      %run_scoped3A = tpu.sem_alloc : memref<!tpu.dma_semaphore, #tpu.memory_space<semaphore_mem>>
      %dma_start3A = arith.constant 0 : i32
      %dma_start3A_13 = tpu.memref_slice %arg8[%mul3A_2, %dma_start3A] : memref<10112x144xf32, #tpu.memory_space<vmem_shared>> -> memref<632x144xf32, #tpu.memory_space<vmem_shared>>
      tpu.enqueue_dma source(%arg4 : memref<632x144xf32, #tpu.memory_space<hbm>>) target(%dma_start3A_13 : memref<632x144xf32, #tpu.memory_space<vmem_shared>>) target_semaphore(%run_scoped3A : memref<!tpu.dma_semaphore, #tpu.memory_space<semaphore_mem>>)
      %dma_wait3A = arith.constant 0 : i32
      %dma_wait3A_14 = tpu.memref_slice %arg8[%mul3A_2, %dma_wait3A] : memref<10112x144xf32, #tpu.memory_space<vmem_shared>> -> memref<632x144xf32, #tpu.memory_space<vmem_shared>>
      tpu.wait_dma2 semaphore(%run_scoped3A : memref<!tpu.dma_semaphore, #tpu.memory_space<semaphore_mem>>) src(%arg4 : memref<632x144xf32, #tpu.memory_space<hbm>>) dst(%dma_wait3A_14 : memref<632x144xf32, #tpu.memory_space<vmem_shared>>)
      tpu.yield
    }) : () -> ()
    %barrier3A = arith.constant 0 : index
    tpu.barrier barrier_id(%barrier3A)
    %scan3A = arith.constant 0 : i32
    %scan3A_3 = arith.constant 0 : i32
    %scan3A_4 = arith.constant 25 : i32
    %scan3A_5 = arith.addi %scan3A_3, %scan3A_4 : i32
    %scan3A_6 = arith.constant 1 : i32
    scf.for %scan3A_13 = %scan3A_3 to %scan3A_5 step %scan3A_6  : i32 {
      %mul3A_14 = arith.constant 5000 : i32
      %mul3A_15 = arith.muli %add3A, %mul3A_14 : i32
      %mul3A_16 = arith.constant 200 : i32
      %mul3A_17 = arith.muli %scan3A_13, %mul3A_16 : i32
      %add3A_18 = arith.addi %mul3A_15, %mul3A_17 : i32
      "tpu.region"() ({
        %run_scoped3A = tpu.sem_alloc : memref<!tpu.dma_semaphore, #tpu.memory_space<semaphore_mem>>
        %dma_start3A = tpu.memref_slice %arg3[%add3A_18] : memref<160000xi32, #tpu.memory_space<hbm>> -> memref<200xi32, #tpu.memory_space<hbm>>
        %dma_start3A_19 = tpu.memref_slice %arg3[%add3A_18] : memref<160000xi32, #tpu.memory_space<hbm>> -> memref<200xi32, #tpu.memory_space<hbm>>
        tpu.enqueue_dma source(%dma_start3A_19 : memref<200xi32, #tpu.memory_space<hbm>>) target(%arg6 : memref<200xi32, #tpu.memory_space<vmem>>) target_semaphore(%run_scoped3A : memref<!tpu.dma_semaphore, #tpu.memory_space<semaphore_mem>>)
        %dma_wait3A = tpu.memref_slice %arg3[%add3A_18] : memref<160000xi32, #tpu.memory_space<hbm>> -> memref<200xi32, #tpu.memory_space<hbm>>
        %dma_wait3A_20 = tpu.memref_slice %arg3[%add3A_18] : memref<160000xi32, #tpu.memory_space<hbm>> -> memref<200xi32, #tpu.memory_space<hbm>>
        tpu.wait_dma2 semaphore(%run_scoped3A : memref<!tpu.dma_semaphore, #tpu.memory_space<semaphore_mem>>) src(%dma_wait3A_20 : memref<200xi32, #tpu.memory_space<hbm>>) dst(%arg6 : memref<200xi32, #tpu.memory_space<vmem>>)
        tpu.yield
      }) : () -> ()
      "tpu.region"() ({
        %run_scoped3A = tpu.sem_alloc : memref<!tpu.dma_semaphore, #tpu.memory_space<semaphore_mem>>
        %dma_start3A = arith.constant 0 : i32
        %dma_start3A_19 = tpu.memref_slice %arg2[%add3A_18, %dma_start3A] : memref<160000x144xf32, #tpu.memory_space<hbm>> -> memref<200x144xf32, #tpu.memory_space<hbm>>
        %dma_start3A_20 = arith.constant 0 : i32
        %dma_start3A_21 = tpu.memref_slice %arg2[%add3A_18, %dma_start3A_20] : memref<160000x144xf32, #tpu.memory_space<hbm>> -> memref<200x144xf32, #tpu.memory_space<hbm>>
        tpu.enqueue_dma source(%dma_start3A_21 : memref<200x144xf32, #tpu.memory_space<hbm>>) target(%arg7 : memref<200x144xf32, #tpu.memory_space<vmem>>) target_semaphore(%run_scoped3A : memref<!tpu.dma_semaphore, #tpu.memory_space<semaphore_mem>>)
        %dma_wait3A = arith.constant 0 : i32
        %dma_wait3A_22 = tpu.memref_slice %arg2[%add3A_18, %dma_wait3A] : memref<160000x144xf32, #tpu.memory_space<hbm>> -> memref<200x144xf32, #tpu.memory_space<hbm>>
        %dma_wait3A_23 = arith.constant 0 : i32
        %dma_wait3A_24 = tpu.memref_slice %arg2[%add3A_18, %dma_wait3A_23] : memref<160000x144xf32, #tpu.memory_space<hbm>> -> memref<200x144xf32, #tpu.memory_space<hbm>>
        tpu.wait_dma2 semaphore(%run_scoped3A : memref<!tpu.dma_semaphore, #tpu.memory_space<semaphore_mem>>) src(%dma_wait3A_24 : memref<200x144xf32, #tpu.memory_space<hbm>>) dst(%arg7 : memref<200x144xf32, #tpu.memory_space<vmem>>)
        tpu.yield
      }) : () -> ()
      "tpu.region"() ({
        %run_scoped3A = tpu.sem_alloc : memref<!tpu.dma_semaphore, #tpu.memory_space<semaphore_mem>>
        %dma_start3A = arith.constant 0 : i32
        %dma_start3A_19 = arith.constant 0 : i32
        %dma_start3A_20 = tpu.memref_slice %arg8[%dma_start3A, %dma_start3A_19] : memref<10112x144xf32, #tpu.memory_space<vmem_shared>> -> memref<10112x144xf32, #tpu.memory_space<vmem_shared>>
        tpu.enqueue_indirect_dma source(%arg7 : memref<200x144xf32, #tpu.memory_space<vmem>>) target(%dma_start3A_20 : memref<10112x144xf32, #tpu.memory_space<vmem_shared>>) offsets(%arg6 : memref<200xi32, #tpu.memory_space<vmem>>) semaphore(%run_scoped3A : memref<!tpu.dma_semaphore, #tpu.memory_space<semaphore_mem>>) {add = true}
        %dma_wait3A = arith.constant 0 : i32
        %dma_wait3A_21 = arith.constant 0 : i32
        %dma_wait3A_22 = tpu.memref_slice %arg8[%dma_wait3A, %dma_wait3A_21] : memref<10112x144xf32, #tpu.memory_space<vmem_shared>> -> memref<10112x144xf32, #tpu.memory_space<vmem_shared>>
        tpu.wait_indirect_dma semaphore(%run_scoped3A : memref<!tpu.dma_semaphore, #tpu.memory_space<semaphore_mem>>) src(%arg7 : memref<200x144xf32, #tpu.memory_space<vmem>>) dst(%dma_wait3A_22 : memref<10112x144xf32, #tpu.memory_space<vmem_shared>>)
        tpu.yield
      }) : () -> ()
    }
    %scan3A_7 = arith.constant 25 : i32
    %barrier3A_8 = arith.constant 0 : index
    tpu.barrier barrier_id(%barrier3A_8)
    %mul3A_9 = arith.constant 632 : i32
    %mul3A_10 = arith.muli %arg1, %mul3A_9 : i32
    %mul3A_11 = arith.constant 632 : i32
    %mul3A_12 = arith.muli %arg1, %mul3A_11 : i32
    "tpu.region"() ({
      %run_scoped3A = tpu.sem_alloc : memref<!tpu.dma_semaphore, #tpu.memory_space<semaphore_mem>>
      %dma_start3A = arith.constant 0 : i32
      %dma_start3A_13 = tpu.memref_slice %arg5[%arg0, %mul3A_12, %dma_start3A] : memref<2x10112x144xf32, #tpu.memory_space<hbm>> -> memref<1x632x144xf32, #tpu.memory_space<hbm>>
      %dma_start3A_14 = tpu.memref_squeeze %dma_start3A_13 : memref<1x632x144xf32, #tpu.memory_space<hbm>> -> memref<632x144xf32, #tpu.memory_space<hbm>>
      %dma_start3A_15 = arith.constant 0 : i32
      %dma_start3A_16 = tpu.memref_slice %arg8[%mul3A_10, %dma_start3A_15] : memref<10112x144xf32, #tpu.memory_space<vmem_shared>> -> memref<632x144xf32, #tpu.memory_space<vmem_shared>>
      tpu.enqueue_dma source(%dma_start3A_16 : memref<632x144xf32, #tpu.memory_space<vmem_shared>>) target(%dma_start3A_14 : memref<632x144xf32, #tpu.memory_space<hbm>>) target_semaphore(%run_scoped3A : memref<!tpu.dma_semaphore, #tpu.memory_space<semaphore_mem>>)
      %dma_wait3A = arith.constant 0 : i32
      %dma_wait3A_17 = tpu.memref_slice %arg5[%arg0, %mul3A_12, %dma_wait3A] : memref<2x10112x144xf32, #tpu.memory_space<hbm>> -> memref<1x632x144xf32, #tpu.memory_space<hbm>>
      %dma_wait3A_18 = tpu.memref_squeeze %dma_wait3A_17 : memref<1x632x144xf32, #tpu.memory_space<hbm>> -> memref<632x144xf32, #tpu.memory_space<hbm>>
      %dma_wait3A_19 = arith.constant 0 : i32
      %dma_wait3A_20 = tpu.memref_slice %arg8[%mul3A_10, %dma_wait3A_19] : memref<10112x144xf32, #tpu.memory_space<vmem_shared>> -> memref<632x144xf32, #tpu.memory_space<vmem_shared>>
      tpu.wait_dma2 semaphore(%run_scoped3A : memref<!tpu.dma_semaphore, #tpu.memory_space<semaphore_mem>>) src(%dma_wait3A_20 : memref<632x144xf32, #tpu.memory_space<vmem_shared>>) dst(%dma_wait3A_18 : memref<632x144xf32, #tpu.memory_space<hbm>>)
      tpu.yield
    }) : () -> ()
    return
  }
}

#map = affine_map<(d0, d1) -> (0, 0)>
#map1 = affine_map<(d0, d1) -> (0)>
module attributes {stable_mosaic.version = 14 : i64} {
  func.func @kfn(%arg0: i32, %arg1: i32, %arg2: memref<10000x128xf32, #tpu.memory_space<hbm>>, %arg3: memref<160000xi32, #tpu.memory_space<hbm>>, %arg4: memref<160000x128xf32, #tpu.memory_space<hbm>>, %arg5: memref<200xi32, #tpu.memory_space<vmem>>, %arg6: memref<200x128xf32, #tpu.memory_space<vmem>>, %arg7: memref<!tpu.dma_semaphore, #tpu.memory_space<semaphore_mem>>) attributes {dimension_semantics = [#tpu.dimension_semantics<core_parallel>, #tpu.dimension_semantics<subcore_parallel>], iteration_bounds = array<i64: 2, 16>, scalar_prefetch = 0 : i64, scratch_operands = 3 : i64, tpu.core_type = #tpu.core_type<sc_vector_subcore>, window_params = [{transform_indices = #map}, {transform_indices = #map1}, {transform_indices = #map}]} {
    %mul3A = arith.constant 2 : i32
    %mul3A_0 = arith.muli %arg1, %mul3A : i32
    %add3A = arith.addi %mul3A_0, %arg0 : i32
    %scan3A = arith.constant 0 : i32
    %scan3A_1 = arith.constant 0 : i32
    %scan3A_2 = arith.constant 25 : i32
    %scan3A_3 = arith.addi %scan3A_1, %scan3A_2 : i32
    %scan3A_4 = arith.constant 1 : i32
    scf.for %scan3A_6 = %scan3A_1 to %scan3A_3 step %scan3A_4  : i32 {
      %mul3A_7 = arith.constant 5000 : i32
      %mul3A_8 = arith.muli %add3A, %mul3A_7 : i32
      %mul3A_9 = arith.constant 200 : i32
      %mul3A_10 = arith.muli %scan3A_6, %mul3A_9 : i32
      %add3A_11 = arith.addi %mul3A_8, %mul3A_10 : i32
      "tpu.region"() ({
        %run_scoped3A = tpu.sem_alloc : memref<!tpu.dma_semaphore, #tpu.memory_space<semaphore_mem>>
        %dma_start3A_16 = tpu.memref_slice %arg3[%add3A_11] : memref<160000xi32, #tpu.memory_space<hbm>> -> memref<200xi32, #tpu.memory_space<hbm>>
        %dma_start3A_17 = tpu.memref_slice %arg3[%add3A_11] : memref<160000xi32, #tpu.memory_space<hbm>> -> memref<200xi32, #tpu.memory_space<hbm>>
        tpu.enqueue_dma source(%dma_start3A_17 : memref<200xi32, #tpu.memory_space<hbm>>) target(%arg5 : memref<200xi32, #tpu.memory_space<vmem>>) target_semaphore(%run_scoped3A : memref<!tpu.dma_semaphore, #tpu.memory_space<semaphore_mem>>)
        %dma_wait3A_18 = tpu.memref_slice %arg3[%add3A_11] : memref<160000xi32, #tpu.memory_space<hbm>> -> memref<200xi32, #tpu.memory_space<hbm>>
        %dma_wait3A_19 = tpu.memref_slice %arg3[%add3A_11] : memref<160000xi32, #tpu.memory_space<hbm>> -> memref<200xi32, #tpu.memory_space<hbm>>
        tpu.wait_dma2 semaphore(%run_scoped3A : memref<!tpu.dma_semaphore, #tpu.memory_space<semaphore_mem>>) src(%dma_wait3A_19 : memref<200xi32, #tpu.memory_space<hbm>>) dst(%arg5 : memref<200xi32, #tpu.memory_space<vmem>>)
        tpu.yield
      }) : () -> ()
      %dma_start3A = arith.constant 0 : i32
      %dma_start3A_12 = arith.constant 0 : i32
      %dma_start3A_13 = tpu.memref_slice %arg2[%dma_start3A, %dma_start3A_12] : memref<10000x128xf32, #tpu.memory_space<hbm>> -> memref<10000x128xf32, #tpu.memory_space<hbm>>
      tpu.enqueue_indirect_dma source(%dma_start3A_13 : memref<10000x128xf32, #tpu.memory_space<hbm>>) target(%arg6 : memref<200x128xf32, #tpu.memory_space<vmem>>) offsets(%arg5 : memref<200xi32, #tpu.memory_space<vmem>>) semaphore(%arg7 : memref<!tpu.dma_semaphore, #tpu.memory_space<semaphore_mem>>)
      %dma_wait3A = arith.constant 0 : i32
      %dma_wait3A_14 = arith.constant 0 : i32
      %dma_wait3A_15 = tpu.memref_slice %arg2[%dma_wait3A, %dma_wait3A_14] : memref<10000x128xf32, #tpu.memory_space<hbm>> -> memref<10000x128xf32, #tpu.memory_space<hbm>>
      tpu.wait_indirect_dma semaphore(%arg7 : memref<!tpu.dma_semaphore, #tpu.memory_space<semaphore_mem>>) src(%dma_wait3A_15 : memref<10000x128xf32, #tpu.memory_space<hbm>>) dst(%arg6 : memref<200x128xf32, #tpu.memory_space<vmem>>)
      "tpu.region"() ({
        %run_scoped3A = tpu.sem_alloc : memref<!tpu.dma_semaphore, #tpu.memory_space<semaphore_mem>>
        %dma_start3A_16 = arith.constant 0 : i32
        %dma_start3A_17 = tpu.memref_slice %arg4[%add3A_11, %dma_start3A_16] : memref<160000x128xf32, #tpu.memory_space<hbm>> -> memref<200x128xf32, #tpu.memory_space<hbm>>
        %dma_start3A_18 = arith.constant 0 : i32
        %dma_start3A_19 = tpu.memref_slice %arg4[%add3A_11, %dma_start3A_18] : memref<160000x128xf32, #tpu.memory_space<hbm>> -> memref<200x128xf32, #tpu.memory_space<hbm>>
        tpu.enqueue_dma source(%arg6 : memref<200x128xf32, #tpu.memory_space<vmem>>) target(%dma_start3A_19 : memref<200x128xf32, #tpu.memory_space<hbm>>) target_semaphore(%run_scoped3A : memref<!tpu.dma_semaphore, #tpu.memory_space<semaphore_mem>>)
        %dma_wait3A_20 = arith.constant 0 : i32
        %dma_wait3A_21 = tpu.memref_slice %arg4[%add3A_11, %dma_wait3A_20] : memref<160000x128xf32, #tpu.memory_space<hbm>> -> memref<200x128xf32, #tpu.memory_space<hbm>>
        %dma_wait3A_22 = arith.constant 0 : i32
        %dma_wait3A_23 = tpu.memref_slice %arg4[%add3A_11, %dma_wait3A_22] : memref<160000x128xf32, #tpu.memory_space<hbm>> -> memref<200x128xf32, #tpu.memory_space<hbm>>
        tpu.wait_dma2 semaphore(%run_scoped3A : memref<!tpu.dma_semaphore, #tpu.memory_space<semaphore_mem>>) src(%arg6 : memref<200x128xf32, #tpu.memory_space<vmem>>) dst(%dma_wait3A_23 : memref<200x128xf32, #tpu.memory_space<hbm>>)
        tpu.yield
      }) : () -> ()
    }
    %scan3A_5 = arith.constant 25 : i32
    return
  }
}

#map = affine_map<(d0, d1) -> (0, 0)>
#map1 = affine_map<(d0, d1) -> (0)>
#map2 = affine_map<(d0, d1) -> (0, 0, 0)>
module attributes {stable_mosaic.version = 14 : i64} {
  func.func @kfn(%arg0: i32, %arg1: i32, %arg2: memref<160000x16xf32, #tpu.memory_space<hbm>>, %arg3: memref<160000xi32, #tpu.memory_space<hbm>>, %arg4: memref<632x16xf32, #tpu.memory_space<hbm>>, %arg5: memref<2x10112x16xf32, #tpu.memory_space<hbm>>, %arg6: memref<200xi32, #tpu.memory_space<vmem>>, %arg7: memref<200x16xf32, #tpu.memory_space<vmem>>, %arg8: memref<10112x16xf32, #tpu.memory_space<vmem_shared>>) attributes {dimension_semantics = [#tpu.dimension_semantics<core_parallel>, #tpu.dimension_semantics<subcore_parallel>], iteration_bounds = array<i64: 2, 16>, scalar_prefetch = 0 : i64, scratch_operands = 3 : i64, tpu.core_type = #tpu.core_type<sc_vector_subcore>, window_params = [{transform_indices = #map}, {transform_indices = #map1}, {transform_indices = #map}, {transform_indices = #map2}]} {
    %mul3A = arith.constant 2 : i32
    %mul3A_0 = arith.muli %arg1, %mul3A : i32
    %add3A = arith.addi %mul3A_0, %arg0 : i32
    %mul3A_1 = arith.constant 632 : i32
    %mul3A_2 = arith.muli %arg1, %mul3A_1 : i32
    "tpu.region"() ({
      %run_scoped3A = tpu.sem_alloc : memref<!tpu.dma_semaphore, #tpu.memory_space<semaphore_mem>>
      %dma_start3A = arith.constant 0 : i32
      %dma_start3A_13 = tpu.memref_slice %arg8[%mul3A_2, %dma_start3A] : memref<10112x16xf32, #tpu.memory_space<vmem_shared>> -> memref<632x16xf32, #tpu.memory_space<vmem_shared>>
      tpu.enqueue_dma source(%arg4 : memref<632x16xf32, #tpu.memory_space<hbm>>) target(%dma_start3A_13 : memref<632x16xf32, #tpu.memory_space<vmem_shared>>) target_semaphore(%run_scoped3A : memref<!tpu.dma_semaphore, #tpu.memory_space<semaphore_mem>>)
      %dma_wait3A = arith.constant 0 : i32
      %dma_wait3A_14 = tpu.memref_slice %arg8[%mul3A_2, %dma_wait3A] : memref<10112x16xf32, #tpu.memory_space<vmem_shared>> -> memref<632x16xf32, #tpu.memory_space<vmem_shared>>
      tpu.wait_dma2 semaphore(%run_scoped3A : memref<!tpu.dma_semaphore, #tpu.memory_space<semaphore_mem>>) src(%arg4 : memref<632x16xf32, #tpu.memory_space<hbm>>) dst(%dma_wait3A_14 : memref<632x16xf32, #tpu.memory_space<vmem_shared>>)
      tpu.yield
    }) : () -> ()
    %barrier3A = arith.constant 0 : index
    tpu.barrier barrier_id(%barrier3A)
    %scan3A = arith.constant 0 : i32
    %scan3A_3 = arith.constant 0 : i32
    %scan3A_4 = arith.constant 25 : i32
    %scan3A_5 = arith.addi %scan3A_3, %scan3A_4 : i32
    %scan3A_6 = arith.constant 1 : i32
    scf.for %scan3A_13 = %scan3A_3 to %scan3A_5 step %scan3A_6  : i32 {
      %mul3A_14 = arith.constant 5000 : i32
      %mul3A_15 = arith.muli %add3A, %mul3A_14 : i32
      %mul3A_16 = arith.constant 200 : i32
      %mul3A_17 = arith.muli %scan3A_13, %mul3A_16 : i32
      %add3A_18 = arith.addi %mul3A_15, %mul3A_17 : i32
      "tpu.region"() ({
        %run_scoped3A = tpu.sem_alloc : memref<!tpu.dma_semaphore, #tpu.memory_space<semaphore_mem>>
        %dma_start3A = tpu.memref_slice %arg3[%add3A_18] : memref<160000xi32, #tpu.memory_space<hbm>> -> memref<200xi32, #tpu.memory_space<hbm>>
        %dma_start3A_19 = tpu.memref_slice %arg3[%add3A_18] : memref<160000xi32, #tpu.memory_space<hbm>> -> memref<200xi32, #tpu.memory_space<hbm>>
        tpu.enqueue_dma source(%dma_start3A_19 : memref<200xi32, #tpu.memory_space<hbm>>) target(%arg6 : memref<200xi32, #tpu.memory_space<vmem>>) target_semaphore(%run_scoped3A : memref<!tpu.dma_semaphore, #tpu.memory_space<semaphore_mem>>)
        %dma_wait3A = tpu.memref_slice %arg3[%add3A_18] : memref<160000xi32, #tpu.memory_space<hbm>> -> memref<200xi32, #tpu.memory_space<hbm>>
        %dma_wait3A_20 = tpu.memref_slice %arg3[%add3A_18] : memref<160000xi32, #tpu.memory_space<hbm>> -> memref<200xi32, #tpu.memory_space<hbm>>
        tpu.wait_dma2 semaphore(%run_scoped3A : memref<!tpu.dma_semaphore, #tpu.memory_space<semaphore_mem>>) src(%dma_wait3A_20 : memref<200xi32, #tpu.memory_space<hbm>>) dst(%arg6 : memref<200xi32, #tpu.memory_space<vmem>>)
        tpu.yield
      }) : () -> ()
      "tpu.region"() ({
        %run_scoped3A = tpu.sem_alloc : memref<!tpu.dma_semaphore, #tpu.memory_space<semaphore_mem>>
        %dma_start3A = arith.constant 0 : i32
        %dma_start3A_19 = tpu.memref_slice %arg2[%add3A_18, %dma_start3A] : memref<160000x16xf32, #tpu.memory_space<hbm>> -> memref<200x16xf32, #tpu.memory_space<hbm>>
        %dma_start3A_20 = arith.constant 0 : i32
        %dma_start3A_21 = tpu.memref_slice %arg2[%add3A_18, %dma_start3A_20] : memref<160000x16xf32, #tpu.memory_space<hbm>> -> memref<200x16xf32, #tpu.memory_space<hbm>>
        tpu.enqueue_dma source(%dma_start3A_21 : memref<200x16xf32, #tpu.memory_space<hbm>>) target(%arg7 : memref<200x16xf32, #tpu.memory_space<vmem>>) target_semaphore(%run_scoped3A : memref<!tpu.dma_semaphore, #tpu.memory_space<semaphore_mem>>)
        %dma_wait3A = arith.constant 0 : i32
        %dma_wait3A_22 = tpu.memref_slice %arg2[%add3A_18, %dma_wait3A] : memref<160000x16xf32, #tpu.memory_space<hbm>> -> memref<200x16xf32, #tpu.memory_space<hbm>>
        %dma_wait3A_23 = arith.constant 0 : i32
        %dma_wait3A_24 = tpu.memref_slice %arg2[%add3A_18, %dma_wait3A_23] : memref<160000x16xf32, #tpu.memory_space<hbm>> -> memref<200x16xf32, #tpu.memory_space<hbm>>
        tpu.wait_dma2 semaphore(%run_scoped3A : memref<!tpu.dma_semaphore, #tpu.memory_space<semaphore_mem>>) src(%dma_wait3A_24 : memref<200x16xf32, #tpu.memory_space<hbm>>) dst(%arg7 : memref<200x16xf32, #tpu.memory_space<vmem>>)
        tpu.yield
      }) : () -> ()
      "tpu.region"() ({
        %run_scoped3A = tpu.sem_alloc : memref<!tpu.dma_semaphore, #tpu.memory_space<semaphore_mem>>
        %dma_start3A = arith.constant 0 : i32
        %dma_start3A_19 = arith.constant 0 : i32
        %dma_start3A_20 = tpu.memref_slice %arg8[%dma_start3A, %dma_start3A_19] : memref<10112x16xf32, #tpu.memory_space<vmem_shared>> -> memref<10112x16xf32, #tpu.memory_space<vmem_shared>>
        tpu.enqueue_indirect_dma source(%arg7 : memref<200x16xf32, #tpu.memory_space<vmem>>) target(%dma_start3A_20 : memref<10112x16xf32, #tpu.memory_space<vmem_shared>>) offsets(%arg6 : memref<200xi32, #tpu.memory_space<vmem>>) semaphore(%run_scoped3A : memref<!tpu.dma_semaphore, #tpu.memory_space<semaphore_mem>>) {add = true}
        %dma_wait3A = arith.constant 0 : i32
        %dma_wait3A_21 = arith.constant 0 : i32
        %dma_wait3A_22 = tpu.memref_slice %arg8[%dma_wait3A, %dma_wait3A_21] : memref<10112x16xf32, #tpu.memory_space<vmem_shared>> -> memref<10112x16xf32, #tpu.memory_space<vmem_shared>>
        tpu.wait_indirect_dma semaphore(%run_scoped3A : memref<!tpu.dma_semaphore, #tpu.memory_space<semaphore_mem>>) src(%arg7 : memref<200x16xf32, #tpu.memory_space<vmem>>) dst(%dma_wait3A_22 : memref<10112x16xf32, #tpu.memory_space<vmem_shared>>)
        tpu.yield
      }) : () -> ()
    }
    %scan3A_7 = arith.constant 25 : i32
    %barrier3A_8 = arith.constant 0 : index
    tpu.barrier barrier_id(%barrier3A_8)
    %mul3A_9 = arith.constant 632 : i32
    %mul3A_10 = arith.muli %arg1, %mul3A_9 : i32
    %mul3A_11 = arith.constant 632 : i32
    %mul3A_12 = arith.muli %arg1, %mul3A_11 : i32
    "tpu.region"() ({
      %run_scoped3A = tpu.sem_alloc : memref<!tpu.dma_semaphore, #tpu.memory_space<semaphore_mem>>
      %dma_start3A = arith.constant 0 : i32
      %dma_start3A_13 = tpu.memref_slice %arg5[%arg0, %mul3A_12, %dma_start3A] : memref<2x10112x16xf32, #tpu.memory_space<hbm>> -> memref<1x632x16xf32, #tpu.memory_space<hbm>>
      %dma_start3A_14 = tpu.memref_squeeze %dma_start3A_13 : memref<1x632x16xf32, #tpu.memory_space<hbm>> -> memref<632x16xf32, #tpu.memory_space<hbm>>
      %dma_start3A_15 = arith.constant 0 : i32
      %dma_start3A_16 = tpu.memref_slice %arg8[%mul3A_10, %dma_start3A_15] : memref<10112x16xf32, #tpu.memory_space<vmem_shared>> -> memref<632x16xf32, #tpu.memory_space<vmem_shared>>
      tpu.enqueue_dma source(%dma_start3A_16 : memref<632x16xf32, #tpu.memory_space<vmem_shared>>) target(%dma_start3A_14 : memref<632x16xf32, #tpu.memory_space<hbm>>) target_semaphore(%run_scoped3A : memref<!tpu.dma_semaphore, #tpu.memory_space<semaphore_mem>>)
      %dma_wait3A = arith.constant 0 : i32
      %dma_wait3A_17 = tpu.memref_slice %arg5[%arg0, %mul3A_12, %dma_wait3A] : memref<2x10112x16xf32, #tpu.memory_space<hbm>> -> memref<1x632x16xf32, #tpu.memory_space<hbm>>
      %dma_wait3A_18 = tpu.memref_squeeze %dma_wait3A_17 : memref<1x632x16xf32, #tpu.memory_space<hbm>> -> memref<632x16xf32, #tpu.memory_space<hbm>>
      %dma_wait3A_19 = arith.constant 0 : i32
      %dma_wait3A_20 = tpu.memref_slice %arg8[%mul3A_10, %dma_wait3A_19] : memref<10112x16xf32, #tpu.memory_space<vmem_shared>> -> memref<632x16xf32, #tpu.memory_space<vmem_shared>>
      tpu.wait_dma2 semaphore(%run_scoped3A : memref<!tpu.dma_semaphore, #tpu.memory_space<semaphore_mem>>) src(%dma_wait3A_20 : memref<632x16xf32, #tpu.memory_space<vmem_shared>>) dst(%dma_wait3A_18 : memref<632x16xf32, #tpu.memory_space<hbm>>)
      tpu.yield
    }) : () -> ()
    return
  }
}

#map = affine_map<(d0, d1) -> (0, 0)>
#map1 = affine_map<(d0, d1) -> (0)>
#map2 = affine_map<(d0, d1) -> (0, 0, 0)>
module attributes {stable_mosaic.version = 14 : i64} {
  func.func @kfn(%arg0: i32, %arg1: i32, %arg2: memref<160000x128xf32, #tpu.memory_space<hbm>>, %arg3: memref<160000xi32, #tpu.memory_space<hbm>>, %arg4: memref<632x128xf32, #tpu.memory_space<hbm>>, %arg5: memref<2x10112x128xf32, #tpu.memory_space<hbm>>, %arg6: memref<200xi32, #tpu.memory_space<vmem>>, %arg7: memref<200x128xf32, #tpu.memory_space<vmem>>, %arg8: memref<10112x128xf32, #tpu.memory_space<vmem_shared>>) attributes {dimension_semantics = [#tpu.dimension_semantics<core_parallel>, #tpu.dimension_semantics<subcore_parallel>], iteration_bounds = array<i64: 2, 16>, scalar_prefetch = 0 : i64, scratch_operands = 3 : i64, tpu.core_type = #tpu.core_type<sc_vector_subcore>, window_params = [{transform_indices = #map}, {transform_indices = #map1}, {transform_indices = #map}, {transform_indices = #map2}]} {
    %mul3A = arith.constant 2 : i32
    %mul3A_0 = arith.muli %arg1, %mul3A : i32
    %add3A = arith.addi %mul3A_0, %arg0 : i32
    %mul3A_1 = arith.constant 632 : i32
    %mul3A_2 = arith.muli %arg1, %mul3A_1 : i32
    "tpu.region"() ({
      %run_scoped3A = tpu.sem_alloc : memref<!tpu.dma_semaphore, #tpu.memory_space<semaphore_mem>>
      %dma_start3A = arith.constant 0 : i32
      %dma_start3A_13 = tpu.memref_slice %arg8[%mul3A_2, %dma_start3A] : memref<10112x128xf32, #tpu.memory_space<vmem_shared>> -> memref<632x128xf32, #tpu.memory_space<vmem_shared>>
      tpu.enqueue_dma source(%arg4 : memref<632x128xf32, #tpu.memory_space<hbm>>) target(%dma_start3A_13 : memref<632x128xf32, #tpu.memory_space<vmem_shared>>) target_semaphore(%run_scoped3A : memref<!tpu.dma_semaphore, #tpu.memory_space<semaphore_mem>>)
      %dma_wait3A = arith.constant 0 : i32
      %dma_wait3A_14 = tpu.memref_slice %arg8[%mul3A_2, %dma_wait3A] : memref<10112x128xf32, #tpu.memory_space<vmem_shared>> -> memref<632x128xf32, #tpu.memory_space<vmem_shared>>
      tpu.wait_dma2 semaphore(%run_scoped3A : memref<!tpu.dma_semaphore, #tpu.memory_space<semaphore_mem>>) src(%arg4 : memref<632x128xf32, #tpu.memory_space<hbm>>) dst(%dma_wait3A_14 : memref<632x128xf32, #tpu.memory_space<vmem_shared>>)
      tpu.yield
    }) : () -> ()
    %barrier3A = arith.constant 0 : index
    tpu.barrier barrier_id(%barrier3A)
    %scan3A = arith.constant 0 : i32
    %scan3A_3 = arith.constant 0 : i32
    %scan3A_4 = arith.constant 25 : i32
    %scan3A_5 = arith.addi %scan3A_3, %scan3A_4 : i32
    %scan3A_6 = arith.constant 1 : i32
    scf.for %scan3A_13 = %scan3A_3 to %scan3A_5 step %scan3A_6  : i32 {
      %mul3A_14 = arith.constant 5000 : i32
      %mul3A_15 = arith.muli %add3A, %mul3A_14 : i32
      %mul3A_16 = arith.constant 200 : i32
      %mul3A_17 = arith.muli %scan3A_13, %mul3A_16 : i32
      %add3A_18 = arith.addi %mul3A_15, %mul3A_17 : i32
      "tpu.region"() ({
        %run_scoped3A = tpu.sem_alloc : memref<!tpu.dma_semaphore, #tpu.memory_space<semaphore_mem>>
        %dma_start3A = tpu.memref_slice %arg3[%add3A_18] : memref<160000xi32, #tpu.memory_space<hbm>> -> memref<200xi32, #tpu.memory_space<hbm>>
        %dma_start3A_19 = tpu.memref_slice %arg3[%add3A_18] : memref<160000xi32, #tpu.memory_space<hbm>> -> memref<200xi32, #tpu.memory_space<hbm>>
        tpu.enqueue_dma source(%dma_start3A_19 : memref<200xi32, #tpu.memory_space<hbm>>) target(%arg6 : memref<200xi32, #tpu.memory_space<vmem>>) target_semaphore(%run_scoped3A : memref<!tpu.dma_semaphore, #tpu.memory_space<semaphore_mem>>)
        %dma_wait3A = tpu.memref_slice %arg3[%add3A_18] : memref<160000xi32, #tpu.memory_space<hbm>> -> memref<200xi32, #tpu.memory_space<hbm>>
        %dma_wait3A_20 = tpu.memref_slice %arg3[%add3A_18] : memref<160000xi32, #tpu.memory_space<hbm>> -> memref<200xi32, #tpu.memory_space<hbm>>
        tpu.wait_dma2 semaphore(%run_scoped3A : memref<!tpu.dma_semaphore, #tpu.memory_space<semaphore_mem>>) src(%dma_wait3A_20 : memref<200xi32, #tpu.memory_space<hbm>>) dst(%arg6 : memref<200xi32, #tpu.memory_space<vmem>>)
        tpu.yield
      }) : () -> ()
      "tpu.region"() ({
        %run_scoped3A = tpu.sem_alloc : memref<!tpu.dma_semaphore, #tpu.memory_space<semaphore_mem>>
        %dma_start3A = arith.constant 0 : i32
        %dma_start3A_19 = tpu.memref_slice %arg2[%add3A_18, %dma_start3A] : memref<160000x128xf32, #tpu.memory_space<hbm>> -> memref<200x128xf32, #tpu.memory_space<hbm>>
        %dma_start3A_20 = arith.constant 0 : i32
        %dma_start3A_21 = tpu.memref_slice %arg2[%add3A_18, %dma_start3A_20] : memref<160000x128xf32, #tpu.memory_space<hbm>> -> memref<200x128xf32, #tpu.memory_space<hbm>>
        tpu.enqueue_dma source(%dma_start3A_21 : memref<200x128xf32, #tpu.memory_space<hbm>>) target(%arg7 : memref<200x128xf32, #tpu.memory_space<vmem>>) target_semaphore(%run_scoped3A : memref<!tpu.dma_semaphore, #tpu.memory_space<semaphore_mem>>)
        %dma_wait3A = arith.constant 0 : i32
        %dma_wait3A_22 = tpu.memref_slice %arg2[%add3A_18, %dma_wait3A] : memref<160000x128xf32, #tpu.memory_space<hbm>> -> memref<200x128xf32, #tpu.memory_space<hbm>>
        %dma_wait3A_23 = arith.constant 0 : i32
        %dma_wait3A_24 = tpu.memref_slice %arg2[%add3A_18, %dma_wait3A_23] : memref<160000x128xf32, #tpu.memory_space<hbm>> -> memref<200x128xf32, #tpu.memory_space<hbm>>
        tpu.wait_dma2 semaphore(%run_scoped3A : memref<!tpu.dma_semaphore, #tpu.memory_space<semaphore_mem>>) src(%dma_wait3A_24 : memref<200x128xf32, #tpu.memory_space<hbm>>) dst(%arg7 : memref<200x128xf32, #tpu.memory_space<vmem>>)
        tpu.yield
      }) : () -> ()
      "tpu.region"() ({
        %run_scoped3A = tpu.sem_alloc : memref<!tpu.dma_semaphore, #tpu.memory_space<semaphore_mem>>
        %dma_start3A = arith.constant 0 : i32
        %dma_start3A_19 = arith.constant 0 : i32
        %dma_start3A_20 = tpu.memref_slice %arg8[%dma_start3A, %dma_start3A_19] : memref<10112x128xf32, #tpu.memory_space<vmem_shared>> -> memref<10112x128xf32, #tpu.memory_space<vmem_shared>>
        tpu.enqueue_indirect_dma source(%arg7 : memref<200x128xf32, #tpu.memory_space<vmem>>) target(%dma_start3A_20 : memref<10112x128xf32, #tpu.memory_space<vmem_shared>>) offsets(%arg6 : memref<200xi32, #tpu.memory_space<vmem>>) semaphore(%run_scoped3A : memref<!tpu.dma_semaphore, #tpu.memory_space<semaphore_mem>>) {add = true}
        %dma_wait3A = arith.constant 0 : i32
        %dma_wait3A_21 = arith.constant 0 : i32
        %dma_wait3A_22 = tpu.memref_slice %arg8[%dma_wait3A, %dma_wait3A_21] : memref<10112x128xf32, #tpu.memory_space<vmem_shared>> -> memref<10112x128xf32, #tpu.memory_space<vmem_shared>>
        tpu.wait_indirect_dma semaphore(%run_scoped3A : memref<!tpu.dma_semaphore, #tpu.memory_space<semaphore_mem>>) src(%arg7 : memref<200x128xf32, #tpu.memory_space<vmem>>) dst(%dma_wait3A_22 : memref<10112x128xf32, #tpu.memory_space<vmem_shared>>)
        tpu.yield
      }) : () -> ()
    }
    %scan3A_7 = arith.constant 25 : i32
    %barrier3A_8 = arith.constant 0 : index
    tpu.barrier barrier_id(%barrier3A_8)
    %mul3A_9 = arith.constant 632 : i32
    %mul3A_10 = arith.muli %arg1, %mul3A_9 : i32
    %mul3A_11 = arith.constant 632 : i32
    %mul3A_12 = arith.muli %arg1, %mul3A_11 : i32
    "tpu.region"() ({
      %run_scoped3A = tpu.sem_alloc : memref<!tpu.dma_semaphore, #tpu.memory_space<semaphore_mem>>
      %dma_start3A = arith.constant 0 : i32
      %dma_start3A_13 = tpu.memref_slice %arg5[%arg0, %mul3A_12, %dma_start3A] : memref<2x10112x128xf32, #tpu.memory_space<hbm>> -> memref<1x632x128xf32, #tpu.memory_space<hbm>>
      %dma_start3A_14 = tpu.memref_squeeze %dma_start3A_13 : memref<1x632x128xf32, #tpu.memory_space<hbm>> -> memref<632x128xf32, #tpu.memory_space<hbm>>
      %dma_start3A_15 = arith.constant 0 : i32
      %dma_start3A_16 = tpu.memref_slice %arg8[%mul3A_10, %dma_start3A_15] : memref<10112x128xf32, #tpu.memory_space<vmem_shared>> -> memref<632x128xf32, #tpu.memory_space<vmem_shared>>
      tpu.enqueue_dma source(%dma_start3A_16 : memref<632x128xf32, #tpu.memory_space<vmem_shared>>) target(%dma_start3A_14 : memref<632x128xf32, #tpu.memory_space<hbm>>) target_semaphore(%run_scoped3A : memref<!tpu.dma_semaphore, #tpu.memory_space<semaphore_mem>>)
      %dma_wait3A = arith.constant 0 : i32
      %dma_wait3A_17 = tpu.memref_slice %arg5[%arg0, %mul3A_12, %dma_wait3A] : memref<2x10112x128xf32, #tpu.memory_space<hbm>> -> memref<1x632x128xf32, #tpu.memory_space<hbm>>
      %dma_wait3A_18 = tpu.memref_squeeze %dma_wait3A_17 : memref<1x632x128xf32, #tpu.memory_space<hbm>> -> memref<632x128xf32, #tpu.memory_space<hbm>>
      %dma_wait3A_19 = arith.constant 0 : i32
      %dma_wait3A_20 = tpu.memref_slice %arg8[%mul3A_10, %dma_wait3A_19] : memref<10112x128xf32, #tpu.memory_space<vmem_shared>> -> memref<632x128xf32, #tpu.memory_space<vmem_shared>>
      tpu.wait_dma2 semaphore(%run_scoped3A : memref<!tpu.dma_semaphore, #tpu.memory_space<semaphore_mem>>) src(%dma_wait3A_20 : memref<632x128xf32, #tpu.memory_space<vmem_shared>>) dst(%dma_wait3A_18 : memref<632x128xf32, #tpu.memory_space<hbm>>)
      tpu.yield
    }) : () -> ()
    return
  }
}

module attributes {stable_mosaic.version = 14 : i64} {
  func.func @body(%arg0: i32, %arg1: memref<1000x8xf32, #tpu.memory_space<vmem>>, %arg2: memref<8x128xf32, #tpu.memory_space<vmem>>, %arg3: memref<8x128xf32, #tpu.memory_space<vmem>>, %arg4: memref<8x128xf32, #tpu.memory_space<vmem>>, %arg5: memref<8x128xf32, #tpu.memory_space<vmem>>, %arg6: memref<1x128xf32, #tpu.memory_space<vmem>>, %arg7: memref<1x128xf32, #tpu.memory_space<vmem>>, %arg8: memref<1x128xf32, #tpu.memory_space<vmem>>, %arg9: memref<1x128xf32, #tpu.memory_space<vmem>>, %arg10: memref<1000x128xf32, #tpu.memory_space<vmem>>, %arg11: memref<1000x128xf32, #tpu.memory_space<vmem>>, %arg12: memref<1000x128xf32, #tpu.memory_space<vmem>>, %arg13: memref<1000x128xf32, #tpu.memory_space<vmem>>) attributes {dimension_semantics = [#tpu.dimension_semantics<arbitrary>], iteration_bounds = array<i64: 10>, scalar_prefetch = 0 : i64, scratch_operands = 0 : i64, tpu.core_type = #tpu.core_type<tc>, window_params = [{transform_indices = @transform_0, window_bounds = array<i64: 1000, 8>}, {pipeline_mode = #tpu.pipeline_mode<synchronous>, transform_indices = @transform_1, window_bounds = array<i64: 8, 128>}, {pipeline_mode = #tpu.pipeline_mode<synchronous>, transform_indices = @transform_2, window_bounds = array<i64: 8, 128>}, {pipeline_mode = #tpu.pipeline_mode<synchronous>, transform_indices = @transform_3, window_bounds = array<i64: 8, 128>}, {pipeline_mode = #tpu.pipeline_mode<synchronous>, transform_indices = @transform_4, window_bounds = array<i64: 8, 128>}, {pipeline_mode = #tpu.pipeline_mode<synchronous>, transform_indices = @transform_5, window_bounds = array<i64: 1, 128>}, {pipeline_mode = #tpu.pipeline_mode<synchronous>, transform_indices = @transform_6, window_bounds = array<i64: 1, 128>}, {pipeline_mode = #tpu.pipeline_mode<synchronous>, transform_indices = @transform_7, window_bounds = array<i64: 1, 128>}, {pipeline_mode = #tpu.pipeline_mode<synchronous>, transform_indices = @transform_8, window_bounds = array<i64: 1, 128>}, {transform_indices = @transform_9, window_bounds = array<i64: 1000, 128>}, {transform_indices = @transform_10, window_bounds = array<i64: 1000, 128>}, {transform_indices = @transform_11, window_bounds = array<i64: 1000, 128>}, {transform_indices = @transform_12, window_bounds = array<i64: 1000, 128>}]} {
    %get3A = arith.constant 0 : index
    %get3A_0 = arith.constant 0 : index
    %get3A_1 = vector.load %arg1[%get3A, %get3A_0] : memref<1000x8xf32, #tpu.memory_space<vmem>>, vector<1000x8xf32>
    %get3A_2 = arith.constant 0 : index
    %get3A_3 = arith.constant 0 : index
    %get3A_4 = vector.load %arg2[%get3A_2, %get3A_3] : memref<8x128xf32, #tpu.memory_space<vmem>>, vector<8x128xf32>
    %dot_general3A = arith.constant dense<0.000000e+00> : vector<1000x128xf32>
    %dot_general3A_5 = tpu.matmul %get3A_1, %get3A_4, %dot_general3A {dimension_numbers = #tpu.dot_dimension_numbers<[1], [0], [0], [1], [0, 0, 1, 1], [], []>, transpose_lhs_hint = false} : vector<1000x8xf32>, vector<8x128xf32>, vector<1000x128xf32> -> vector<1000x128xf32>
    %get3A_6 = arith.constant 0 : index
    %get3A_7 = arith.constant 0 : index
    %get3A_8 = vector.load %arg6[%get3A_6, %get3A_7] : memref<1x128xf32, #tpu.memory_space<vmem>>, vector<1x128xf32>
    %add3A = vector.broadcast %get3A_8 : vector<1x128xf32> to vector<1000x128xf32>
    %add3A_9 = arith.addf %dot_general3A_5, %add3A : vector<1000x128xf32>
    %swap3A = arith.constant 0 : index
    %swap3A_10 = arith.constant 0 : index
    %swap3A_11 = vector.load %arg10[%swap3A, %swap3A_10] : memref<1000x128xf32, #tpu.memory_space<vmem>>, vector<1000x128xf32>
    tpu.vector_store %arg10[%swap3A, %swap3A_10], %add3A_9 {strides = array<i32>} : memref<1000x128xf32, #tpu.memory_space<vmem>>, vector<1000x128xf32>,
    %get3A_12 = arith.constant 0 : index
    %get3A_13 = arith.constant 0 : index
    %get3A_14 = vector.load %arg3[%get3A_12, %get3A_13] : memref<8x128xf32, #tpu.memory_space<vmem>>, vector<8x128xf32>
    %dot_general3A_15 = arith.constant dense<0.000000e+00> : vector<1000x128xf32>
    %dot_general3A_16 = tpu.matmul %get3A_1, %get3A_14, %dot_general3A_15 {dimension_numbers = #tpu.dot_dimension_numbers<[1], [0], [0], [1], [0, 0, 1, 1], [], []>, transpose_lhs_hint = false} : vector<1000x8xf32>, vector<8x128xf32>, vector<1000x128xf32> -> vector<1000x128xf32>
    %get3A_17 = arith.constant 0 : index
    %get3A_18 = arith.constant 0 : index
    %get3A_19 = vector.load %arg7[%get3A_17, %get3A_18] : memref<1x128xf32, #tpu.memory_space<vmem>>, vector<1x128xf32>
    %add3A_20 = vector.broadcast %get3A_19 : vector<1x128xf32> to vector<1000x128xf32>
    %add3A_21 = arith.addf %dot_general3A_16, %add3A_20 : vector<1000x128xf32>
    %swap3A_22 = arith.constant 0 : index
    %swap3A_23 = arith.constant 0 : index
    %swap3A_24 = vector.load %arg11[%swap3A_22, %swap3A_23] : memref<1000x128xf32, #tpu.memory_space<vmem>>, vector<1000x128xf32>
    tpu.vector_store %arg11[%swap3A_22, %swap3A_23], %add3A_21 {strides = array<i32>} : memref<1000x128xf32, #tpu.memory_space<vmem>>, vector<1000x128xf32>,
    %get3A_25 = arith.constant 0 : index
    %get3A_26 = arith.constant 0 : index
    %get3A_27 = vector.load %arg4[%get3A_25, %get3A_26] : memref<8x128xf32, #tpu.memory_space<vmem>>, vector<8x128xf32>
    %dot_general3A_28 = arith.constant dense<0.000000e+00> : vector<1000x128xf32>
    %dot_general3A_29 = tpu.matmul %get3A_1, %get3A_27, %dot_general3A_28 {dimension_numbers = #tpu.dot_dimension_numbers<[1], [0], [0], [1], [0, 0, 1, 1], [], []>, transpose_lhs_hint = false} : vector<1000x8xf32>, vector<8x128xf32>, vector<1000x128xf32> -> vector<1000x128xf32>
    %get3A_30 = arith.constant 0 : index
    %get3A_31 = arith.constant 0 : index
    %get3A_32 = vector.load %arg8[%get3A_30, %get3A_31] : memref<1x128xf32, #tpu.memory_space<vmem>>, vector<1x128xf32>
    %add3A_33 = vector.broadcast %get3A_32 : vector<1x128xf32> to vector<1000x128xf32>
    %add3A_34 = arith.addf %dot_general3A_29, %add3A_33 : vector<1000x128xf32>
    %swap3A_35 = arith.constant 0 : index
    %swap3A_36 = arith.constant 0 : index
    %swap3A_37 = vector.load %arg12[%swap3A_35, %swap3A_36] : memref<1000x128xf32, #tpu.memory_space<vmem>>, vector<1000x128xf32>
    tpu.vector_store %arg12[%swap3A_35, %swap3A_36], %add3A_34 {strides = array<i32>} : memref<1000x128xf32, #tpu.memory_space<vmem>>, vector<1000x128xf32>,
    %get3A_38 = arith.constant 0 : index
    %get3A_39 = arith.constant 0 : index
    %get3A_40 = vector.load %arg5[%get3A_38, %get3A_39] : memref<8x128xf32, #tpu.memory_space<vmem>>, vector<8x128xf32>
    %dot_general3A_41 = arith.constant dense<0.000000e+00> : vector<1000x128xf32>
    %dot_general3A_42 = tpu.matmul %get3A_1, %get3A_40, %dot_general3A_41 {dimension_numbers = #tpu.dot_dimension_numbers<[1], [0], [0], [1], [0, 0, 1, 1], [], []>, transpose_lhs_hint = false} : vector<1000x8xf32>, vector<8x128xf32>, vector<1000x128xf32> -> vector<1000x128xf32>
    %get3A_43 = arith.constant 0 : index
    %get3A_44 = arith.constant 0 : index
    %get3A_45 = vector.load %arg9[%get3A_43, %get3A_44] : memref<1x128xf32, #tpu.memory_space<vmem>>, vector<1x128xf32>
    %add3A_46 = vector.broadcast %get3A_45 : vector<1x128xf32> to vector<1000x128xf32>
    %add3A_47 = arith.addf %dot_general3A_42, %add3A_46 : vector<1000x128xf32>
    %swap3A_48 = arith.constant 0 : index
    %swap3A_49 = arith.constant 0 : index
    %swap3A_50 = vector.load %arg13[%swap3A_48, %swap3A_49] : memref<1000x128xf32, #tpu.memory_space<vmem>>, vector<1000x128xf32>
    tpu.vector_store %arg13[%swap3A_48, %swap3A_49], %add3A_47 {strides = array<i32>} : memref<1000x128xf32, #tpu.memory_space<vmem>>, vector<1000x128xf32>,
    return
  }
  func.func @transform_0(%arg0: i32) -> (i32, i32) {
    %c0_i32 = arith.constant 0 : i32
    %c0_i32_0 = arith.constant 0 : i32
    return %arg0, %c0_i32 : i32, i32
  }
  func.func @transform_1(%arg0: i32) -> (i32, i32) {
    %c0_i32 = arith.constant 0 : i32
    %c0_i32_0 = arith.constant 0 : i32
    %c0_i32_1 = arith.constant 0 : i32
    return %c0_i32, %c0_i32_0 : i32, i32
  }
  func.func @transform_2(%arg0: i32) -> (i32, i32) {
    %c0_i32 = arith.constant 0 : i32
    %c0_i32_0 = arith.constant 0 : i32
    %c0_i32_1 = arith.constant 0 : i32
    return %c0_i32, %c0_i32_0 : i32, i32
  }
  func.func @transform_3(%arg0: i32) -> (i32, i32) {
    %c0_i32 = arith.constant 0 : i32
    %c0_i32_0 = arith.constant 0 : i32
    %c0_i32_1 = arith.constant 0 : i32
    return %c0_i32, %c0_i32_0 : i32, i32
  }
  func.func @transform_4(%arg0: i32) -> (i32, i32) {
    %c0_i32 = arith.constant 0 : i32
    %c0_i32_0 = arith.constant 0 : i32
    %c0_i32_1 = arith.constant 0 : i32
    return %c0_i32, %c0_i32_0 : i32, i32
  }
  func.func @transform_5(%arg0: i32) -> (i32, i32) {
    %c0_i32 = arith.constant 0 : i32
    %c0_i32_0 = arith.constant 0 : i32
    %c0_i32_1 = arith.constant 0 : i32
    return %c0_i32, %c0_i32_0 : i32, i32
  }
  func.func @transform_6(%arg0: i32) -> (i32, i32) {
    %c0_i32 = arith.constant 0 : i32
    %c0_i32_0 = arith.constant 0 : i32
    %c0_i32_1 = arith.constant 0 : i32
    return %c0_i32, %c0_i32_0 : i32, i32
  }
  func.func @transform_7(%arg0: i32) -> (i32, i32) {
    %c0_i32 = arith.constant 0 : i32
    %c0_i32_0 = arith.constant 0 : i32
    %c0_i32_1 = arith.constant 0 : i32
    return %c0_i32, %c0_i32_0 : i32, i32
  }
  func.func @transform_8(%arg0: i32) -> (i32, i32) {
    %c0_i32 = arith.constant 0 : i32
    %c0_i32_0 = arith.constant 0 : i32
    %c0_i32_1 = arith.constant 0 : i32
    return %c0_i32, %c0_i32_0 : i32, i32
  }
  func.func @transform_9(%arg0: i32) -> (i32, i32) {
    %c0_i32 = arith.constant 0 : i32
    %c0_i32_0 = arith.constant 0 : i32
    return %arg0, %c0_i32 : i32, i32
  }
  func.func @transform_10(%arg0: i32) -> (i32, i32) {
    %c0_i32 = arith.constant 0 : i32
    %c0_i32_0 = arith.constant 0 : i32
    return %arg0, %c0_i32 : i32, i32
  }
  func.func @transform_11(%arg0: i32) -> (i32, i32) {
    %c0_i32 = arith.constant 0 : i32
    %c0_i32_0 = arith.constant 0 : i32
    return %arg0, %c0_i32 : i32, i32
  }
  func.func @transform_12(%arg0: i32) -> (i32, i32) {
    %c0_i32 = arith.constant 0 : i32
    %c0_i32_0 = arith.constant 0 : i32
    return %arg0, %c0_i32 : i32, i32
  }
}

module attributes {stable_mosaic.version = 14 : i64} {
  func.func @body(%arg0: i32, %arg1: memref<2000x16xf32, #tpu.memory_space<vmem>>, %arg2: memref<16x128xf32, #tpu.memory_space<vmem>>, %arg3: memref<2000x128xf32, #tpu.memory_space<vmem>>) attributes {dimension_semantics = [#tpu.dimension_semantics<arbitrary>], iteration_bounds = array<i64: 80>, scalar_prefetch = 0 : i64, scratch_operands = 0 : i64, tpu.core_type = #tpu.core_type<tc>, window_params = [{transform_indices = @transform_0, window_bounds = array<i64: 2000, 16>}, {pipeline_mode = #tpu.pipeline_mode<synchronous>, transform_indices = @transform_1, window_bounds = array<i64: 16, 128>}, {transform_indices = @transform_2, window_bounds = array<i64: 2000, 128>}]} {
    %get3A = arith.constant 0 : index
    %get3A_0 = arith.constant 0 : index
    %get3A_1 = vector.load %arg1[%get3A, %get3A_0] : memref<2000x16xf32, #tpu.memory_space<vmem>>, vector<2000x16xf32>
    %get3A_2 = arith.constant 0 : index
    %get3A_3 = arith.constant 0 : index
    %get3A_4 = vector.load %arg2[%get3A_2, %get3A_3] : memref<16x128xf32, #tpu.memory_space<vmem>>, vector<16x128xf32>
    %dot_general3A = arith.constant dense<0.000000e+00> : vector<2000x128xf32>
    %dot_general3A_5 = tpu.matmul %get3A_1, %get3A_4, %dot_general3A {dimension_numbers = #tpu.dot_dimension_numbers<[1], [0], [0], [1], [0, 0, 1, 1], [], []>, transpose_lhs_hint = false} : vector<2000x16xf32>, vector<16x128xf32>, vector<2000x128xf32> -> vector<2000x128xf32>
    %swap3A = arith.constant 0 : index
    %swap3A_6 = arith.constant 0 : index
    %swap3A_7 = vector.load %arg3[%swap3A, %swap3A_6] : memref<2000x128xf32, #tpu.memory_space<vmem>>, vector<2000x128xf32>
    tpu.vector_store %arg3[%swap3A, %swap3A_6], %dot_general3A_5 {strides = array<i32>} : memref<2000x128xf32, #tpu.memory_space<vmem>>, vector<2000x128xf32>,
    return
  }
  func.func @transform_0(%arg0: i32) -> (i32, i32) {
    %c0_i32 = arith.constant 0 : i32
    %c0_i32_0 = arith.constant 0 : i32
    return %arg0, %c0_i32 : i32, i32
  }
  func.func @transform_1(%arg0: i32) -> (i32, i32) {
    %c0_i32 = arith.constant 0 : i32
    %c0_i32_0 = arith.constant 0 : i32
    %c0_i32_1 = arith.constant 0 : i32
    return %c0_i32, %c0_i32_0 : i32, i32
  }
  func.func @transform_2(%arg0: i32) -> (i32, i32) {
    %c0_i32 = arith.constant 0 : i32
    %c0_i32_0 = arith.constant 0 : i32
    return %arg0, %c0_i32 : i32, i32
  }
}

module attributes {stable_mosaic.version = 14 : i64} {
  func.func @body(%arg0: i32, %arg1: memref<2000x128xf32, #tpu.memory_space<vmem>>, %arg2: memref<2000x128xf32, #tpu.memory_space<vmem>>, %arg3: memref<2000x128xf32, #tpu.memory_space<vmem>>, %arg4: memref<2000x128xf32, #tpu.memory_space<vmem>>, %arg5: memref<2000x144xf32, #tpu.memory_space<vmem>>) attributes {dimension_semantics = [#tpu.dimension_semantics<arbitrary>], iteration_bounds = array<i64: 80>, scalar_prefetch = 0 : i64, scratch_operands = 0 : i64, tpu.core_type = #tpu.core_type<tc>, window_params = [{transform_indices = @transform_0, window_bounds = array<i64: 2000, 128>}, {transform_indices = @transform_1, window_bounds = array<i64: 2000, 128>}, {transform_indices = @transform_2, window_bounds = array<i64: 2000, 128>}, {transform_indices = @transform_3, window_bounds = array<i64: 2000, 128>}, {transform_indices = @transform_4, window_bounds = array<i64: 2000, 144>}]} {
    %get3A = arith.constant 0 : index
    %get3A_0 = arith.constant 0 : index
    %get3A_1 = vector.load %arg1[%get3A, %get3A_0] : memref<2000x128xf32, #tpu.memory_space<vmem>>, vector<2000x128xf32>
    %get3A_2 = arith.constant 0 : index
    %get3A_3 = arith.constant 0 : index
    %get3A_4 = vector.load %arg2[%get3A_2, %get3A_3] : memref<2000x128xf32, #tpu.memory_space<vmem>>, vector<2000x128xf32>
    %get3A_5 = arith.constant 0 : index
    %get3A_6 = arith.constant 0 : index
    %get3A_7 = vector.load %arg4[%get3A_5, %get3A_6] : memref<2000x128xf32, #tpu.memory_space<vmem>>, vector<2000x128xf32>
    %add3A = arith.addf %get3A_4, %get3A_7 : vector<2000x128xf32>
    %slice3A = vector.extract_strided_slice %get3A_1 {offsets = [0, 0], sizes = [2000, 64], strides = [1, 1]} : vector<2000x128xf32> to vector<2000x64xf32>
    %slice3A_8 = vector.extract_strided_slice %add3A {offsets = [0, 0], sizes = [2000, 64], strides = [1, 1]} : vector<2000x128xf32> to vector<2000x64xf32>
    %mul3A = arith.mulf %slice3A, %slice3A_8 : vector<2000x64xf32>
    %reduce_sum3A = arith.constant dense<0.000000e+00> : vector<2000xf32>
    %reduce_sum3A_9 = vector.multi_reduction <add>, %mul3A, %reduce_sum3A [1] : vector<2000x64xf32> to vector<2000xf32>
    %broadcast_in_dim3A = vector.shape_cast %reduce_sum3A_9 : vector<2000xf32> to vector<2000x1xf32>
    %mul3A_10 = arith.constant 1.250000e-01 : f32
    %mul3A_11 = vector.broadcast %mul3A_10 : f32 to vector<2000x1xf32>
    %mul3A_12 = arith.mulf %broadcast_in_dim3A, %mul3A_11 : vector<2000x1xf32>
    %slice3A_13 = vector.extract_strided_slice %get3A_1 {offsets = [0, 64], sizes = [2000, 64], strides = [1, 1]} : vector<2000x128xf32> to vector<2000x64xf32>
    %slice3A_14 = vector.extract_strided_slice %add3A {offsets = [0, 64], sizes = [2000, 64], strides = [1, 1]} : vector<2000x128xf32> to vector<2000x64xf32>
    %mul3A_15 = arith.mulf %slice3A_13, %slice3A_14 : vector<2000x64xf32>
    %reduce_sum3A_16 = arith.constant dense<0.000000e+00> : vector<2000xf32>
    %reduce_sum3A_17 = vector.multi_reduction <add>, %mul3A_15, %reduce_sum3A_16 [1] : vector<2000x64xf32> to vector<2000xf32>
    %broadcast_in_dim3A_18 = vector.shape_cast %reduce_sum3A_17 : vector<2000xf32> to vector<2000x1xf32>
    %mul3A_19 = arith.constant 1.250000e-01 : f32
    %mul3A_20 = vector.broadcast %mul3A_19 : f32 to vector<2000x1xf32>
    %mul3A_21 = arith.mulf %broadcast_in_dim3A_18, %mul3A_20 : vector<2000x1xf32>
    %exp3A = math.exp %mul3A_12 : vector<2000x1xf32>
    %exp3A_22 = math.exp %mul3A_21 : vector<2000x1xf32>
    %get3A_23 = arith.constant 0 : index
    %get3A_24 = arith.constant 0 : index
    %get3A_25 = vector.load %arg3[%get3A_23, %get3A_24] : memref<2000x128xf32, #tpu.memory_space<vmem>>, vector<2000x128xf32>
    %get3A_26 = arith.constant 0 : index
    %get3A_27 = arith.constant 0 : index
    %get3A_28 = vector.load %arg4[%get3A_26, %get3A_27] : memref<2000x128xf32, #tpu.memory_space<vmem>>, vector<2000x128xf32>
    %add3A_29 = arith.addf %get3A_25, %get3A_28 : vector<2000x128xf32>
    %slice3A_30 = vector.extract_strided_slice %add3A_29 {offsets = [0, 0], sizes = [2000, 64], strides = [1, 1]} : vector<2000x128xf32> to vector<2000x64xf32>
    %mul3A_31 = vector.broadcast %exp3A : vector<2000x1xf32> to vector<2000x64xf32>
    %mul3A_32 = arith.mulf %mul3A_31, %slice3A_30 : vector<2000x64xf32>
    %slice3A_33 = vector.extract_strided_slice %add3A_29 {offsets = [0, 64], sizes = [2000, 64], strides = [1, 1]} : vector<2000x128xf32> to vector<2000x64xf32>
    %mul3A_34 = vector.broadcast %exp3A_22 : vector<2000x1xf32> to vector<2000x64xf32>
    %mul3A_35 = arith.mulf %mul3A_34, %slice3A_33 : vector<2000x64xf32>
    %broadcast_in_dim3A_36 = arith.constant 0.000000e+00 : f32
    %broadcast_in_dim3A_37 = vector.broadcast %broadcast_in_dim3A_36 : f32 to vector<2000x14xf32>
    %concatenate3A = tpu.concatenate %mul3A_32, %mul3A_35, %exp3A, %exp3A_22, %broadcast_in_dim3A_37 in 1 : vector<2000x64xf32>, vector<2000x64xf32>, vector<2000x1xf32>, vector<2000x1xf32>, vector<2000x14xf32> -> vector<2000x144xf32>
    %swap3A = arith.constant 0 : index
    %swap3A_38 = arith.constant 0 : index
    %swap3A_39 = vector.load %arg5[%swap3A, %swap3A_38] : memref<2000x144xf32, #tpu.memory_space<vmem>>, vector<2000x144xf32>
    tpu.vector_store %arg5[%swap3A, %swap3A_38], %concatenate3A {strides = array<i32>} : memref<2000x144xf32, #tpu.memory_space<vmem>>, vector<2000x144xf32>,
    return
  }
  func.func @transform_0(%arg0: i32) -> (i32, i32) {
    %c0_i32 = arith.constant 0 : i32
    %c0_i32_0 = arith.constant 0 : i32
    return %arg0, %c0_i32 : i32, i32
  }
  func.func @transform_1(%arg0: i32) -> (i32, i32) {
    %c0_i32 = arith.constant 0 : i32
    %c0_i32_0 = arith.constant 0 : i32
    return %arg0, %c0_i32 : i32, i32
  }
  func.func @transform_2(%arg0: i32) -> (i32, i32) {
    %c0_i32 = arith.constant 0 : i32
    %c0_i32_0 = arith.constant 0 : i32
    return %arg0, %c0_i32 : i32, i32
  }
  func.func @transform_3(%arg0: i32) -> (i32, i32) {
    %c0_i32 = arith.constant 0 : i32
    %c0_i32_0 = arith.constant 0 : i32
    return %arg0, %c0_i32 : i32, i32
  }
  func.func @transform_4(%arg0: i32) -> (i32, i32) {
    %c0_i32 = arith.constant 0 : i32
    %c0_i32_0 = arith.constant 0 : i32
    return %arg0, %c0_i32 : i32, i32
  }
}

module attributes {stable_mosaic.version = 14 : i64} {
  func.func @body(%arg0: memref<128x128xf32, #tpu.memory_space<vmem>>, %arg1: memref<384x128xf32, #tpu.memory_space<vmem>>, %arg2: memref<384x128xf32, #tpu.memory_space<vmem>>, %arg3: memref<1x384xf32, #tpu.memory_space<vmem>>, %arg4: memref<1x384xf32, #tpu.memory_space<vmem>>, %arg5: memref<128x128xf32, #tpu.memory_space<vmem>>) attributes {dimension_semantics = [], scalar_prefetch = 0 : i64, scratch_operands = 0 : i64, tpu.core_type = #tpu.core_type<tc>} {
    %get3A = arith.constant 0 : index
    %get3A_0 = arith.constant 0 : index
    %get3A_1 = vector.load %arg0[%get3A, %get3A_0] : memref<128x128xf32, #tpu.memory_space<vmem>>, vector<128x128xf32>
    %get3A_2 = arith.constant 0 : index
    %get3A_3 = arith.constant 0 : index
    %get3A_4 = vector.load %arg1[%get3A_2, %get3A_3] : memref<384x128xf32, #tpu.memory_space<vmem>>, vector<384x128xf32>
    %dot_general3A = arith.constant dense<0.000000e+00> : vector<128x384xf32>
    %dot_general3A_5 = tpu.matmul %get3A_1, %get3A_4, %dot_general3A {dimension_numbers = #tpu.dot_dimension_numbers<[1], [1], [0], [0], [0, 0, 1, 0], [], []>, transpose_lhs_hint = false} : vector<128x128xf32>, vector<384x128xf32>, vector<128x384xf32> -> vector<128x384xf32>
    %get3A_6 = arith.constant 0 : index
    %get3A_7 = arith.constant 0 : index
    %get3A_8 = vector.load %arg3[%get3A_6, %get3A_7] : memref<1x384xf32, #tpu.memory_space<vmem>>, vector<1x384xf32>
    %add3A = vector.broadcast %get3A_8 : vector<1x384xf32> to vector<128x384xf32>
    %add3A_9 = arith.addf %dot_general3A_5, %add3A : vector<128x384xf32>
    %get3A_10 = arith.constant 0 : index
    %get3A_11 = arith.constant 0 : index
    %get3A_12 = vector.load %arg2[%get3A_10, %get3A_11] : memref<384x128xf32, #tpu.memory_space<vmem>>, vector<384x128xf32>
    %dot_general3A_13 = arith.constant dense<0.000000e+00> : vector<128x384xf32>
    %dot_general3A_14 = tpu.matmul %get3A_1, %get3A_12, %dot_general3A_13 {dimension_numbers = #tpu.dot_dimension_numbers<[1], [1], [0], [0], [0, 0, 1, 0], [], []>, transpose_lhs_hint = false} : vector<128x128xf32>, vector<384x128xf32>, vector<128x384xf32> -> vector<128x384xf32>
    %get3A_15 = arith.constant 0 : index
    %get3A_16 = arith.constant 0 : index
    %get3A_17 = vector.load %arg4[%get3A_15, %get3A_16] : memref<1x384xf32, #tpu.memory_space<vmem>>, vector<1x384xf32>
    %add3A_18 = vector.broadcast %get3A_17 : vector<1x384xf32> to vector<128x384xf32>
    %add3A_19 = arith.addf %dot_general3A_14, %add3A_18 : vector<128x384xf32>
    %slice3A = vector.extract_strided_slice %add3A_9 {offsets = [0, 0], sizes = [128, 128], strides = [1, 1]} : vector<128x384xf32> to vector<128x128xf32>
    %slice3A_20 = vector.extract_strided_slice %add3A_9 {offsets = [0, 128], sizes = [128, 128], strides = [1, 1]} : vector<128x384xf32> to vector<128x128xf32>
    %slice3A_21 = vector.extract_strided_slice %add3A_9 {offsets = [0, 256], sizes = [128, 128], strides = [1, 1]} : vector<128x384xf32> to vector<128x128xf32>
    %slice3A_22 = vector.extract_strided_slice %add3A_19 {offsets = [0, 0], sizes = [128, 128], strides = [1, 1]} : vector<128x384xf32> to vector<128x128xf32>
    %slice3A_23 = vector.extract_strided_slice %add3A_19 {offsets = [0, 128], sizes = [128, 128], strides = [1, 1]} : vector<128x384xf32> to vector<128x128xf32>
    %slice3A_24 = vector.extract_strided_slice %add3A_19 {offsets = [0, 256], sizes = [128, 128], strides = [1, 1]} : vector<128x384xf32> to vector<128x128xf32>
    %add3A_25 = arith.addf %slice3A, %slice3A_22 : vector<128x128xf32>
    %neg3A = arith.constant 0.000000e+00 : f32
    %neg3A_26 = vector.broadcast %neg3A : f32 to vector<128x128xf32>
    %neg3A_27 = arith.subf %neg3A_26, %add3A_25 : vector<128x128xf32>
    %exp3A = math.exp %neg3A_27 : vector<128x128xf32>
    %add3A_28 = arith.constant 1.000000e+00 : f32
    %add3A_29 = vector.broadcast %add3A_28 : f32 to vector<128x128xf32>
    %add3A_30 = arith.addf %add3A_29, %exp3A : vector<128x128xf32>
    %div3A = arith.constant 1.000000e+00 : f32
    %div3A_31 = vector.broadcast %div3A : f32 to vector<128x128xf32>
    %div3A_32 = arith.divf %div3A_31, %add3A_30 : vector<128x128xf32>
    %add3A_33 = arith.addf %slice3A_20, %slice3A_23 : vector<128x128xf32>
    %neg3A_34 = arith.constant 0.000000e+00 : f32
    %neg3A_35 = vector.broadcast %neg3A_34 : f32 to vector<128x128xf32>
    %neg3A_36 = arith.subf %neg3A_35, %add3A_33 : vector<128x128xf32>
    %exp3A_37 = math.exp %neg3A_36 : vector<128x128xf32>
    %add3A_38 = arith.constant 1.000000e+00 : f32
    %add3A_39 = vector.broadcast %add3A_38 : f32 to vector<128x128xf32>
    %add3A_40 = arith.addf %add3A_39, %exp3A_37 : vector<128x128xf32>
    %div3A_41 = arith.constant 1.000000e+00 : f32
    %div3A_42 = vector.broadcast %div3A_41 : f32 to vector<128x128xf32>
    %div3A_43 = arith.divf %div3A_42, %add3A_40 : vector<128x128xf32>
    %mul3A = arith.mulf %div3A_32, %slice3A_24 : vector<128x128xf32>
    %add3A_44 = arith.addf %slice3A_21, %mul3A : vector<128x128xf32>
    %tanh3A = math.tanh %add3A_44 : vector<128x128xf32>
    %sub3A = arith.constant 1.000000e+00 : f32
    %sub3A_45 = vector.broadcast %sub3A : f32 to vector<128x128xf32>
    %sub3A_46 = arith.subf %sub3A_45, %div3A_43 : vector<128x128xf32>
    %mul3A_47 = arith.mulf %sub3A_46, %tanh3A : vector<128x128xf32>
    %mul3A_48 = arith.mulf %div3A_43, %get3A_1 : vector<128x128xf32>
    %add3A_49 = arith.addf %mul3A_47, %mul3A_48 : vector<128x128xf32>
    %swap3A = arith.constant 0 : index
    %swap3A_50 = arith.constant 0 : index
    %swap3A_51 = vector.load %arg5[%swap3A, %swap3A_50] : memref<128x128xf32, #tpu.memory_space<vmem>>, vector<128x128xf32>
    tpu.vector_store %arg5[%swap3A, %swap3A_50], %add3A_49 {strides = array<i32>} : memref<128x128xf32, #tpu.memory_space<vmem>>, vector<128x128xf32>,
    return
  }
}

module attributes {stable_mosaic.version = 14 : i64} {
  func.func @body(%arg0: i32, %arg1: memref<1x1000x144xf32, #tpu.memory_space<vmem>>, %arg2: memref<1x1000x144xf32, #tpu.memory_space<vmem>>, %arg3: memref<1000x128xf32, #tpu.memory_space<vmem>>, %arg4: memref<1x128xf32, #tpu.memory_space<vmem>>, %arg5: memref<1x128xf32, #tpu.memory_space<vmem>>, %arg6: memref<1000x128xf32, #tpu.memory_space<vmem>>) attributes {dimension_semantics = [#tpu.dimension_semantics<arbitrary>], iteration_bounds = array<i64: 10>, scalar_prefetch = 0 : i64, scratch_operands = 0 : i64, tpu.core_type = #tpu.core_type<tc>, window_params = [{transform_indices = @transform_0, window_bounds = array<i64: 1, 1000, 144>}, {transform_indices = @transform_1, window_bounds = array<i64: 1, 1000, 144>}, {transform_indices = @transform_2, window_bounds = array<i64: 1000, 128>}, {pipeline_mode = #tpu.pipeline_mode<synchronous>, transform_indices = @transform_3, window_bounds = array<i64: 1, 128>}, {pipeline_mode = #tpu.pipeline_mode<synchronous>, transform_indices = @transform_4, window_bounds = array<i64: 1, 128>}, {transform_indices = @transform_5, window_bounds = array<i64: 1000, 128>}]} {
    %get3A = arith.constant 0 : index
    %get3A_0 = arith.constant 0 : index
    %get3A_1 = arith.constant 0 : index
    %get3A_2 = vector.load %arg1[%get3A, %get3A_0, %get3A_1] : memref<1x1000x144xf32, #tpu.memory_space<vmem>>, vector<1x1000x144xf32>
    %get3A_3 = vector.shape_cast %get3A_2 : vector<1x1000x144xf32> to vector<1000x144xf32>
    %get3A_4 = arith.constant 0 : index
    %get3A_5 = arith.constant 0 : index
    %get3A_6 = arith.constant 0 : index
    %get3A_7 = vector.load %arg2[%get3A_4, %get3A_5, %get3A_6] : memref<1x1000x144xf32, #tpu.memory_space<vmem>>, vector<1x1000x144xf32>
    %get3A_8 = vector.shape_cast %get3A_7 : vector<1x1000x144xf32> to vector<1000x144xf32>
    %add3A = arith.addf %get3A_3, %get3A_8 : vector<1000x144xf32>
    %slice3A = vector.extract_strided_slice %add3A {offsets = [0, 0], sizes = [1000, 128], strides = [1, 1]} : vector<1000x144xf32> to vector<1000x128xf32>
    %slice3A_9 = vector.extract_strided_slice %add3A {offsets = [0, 128], sizes = [1000, 1], strides = [1, 1]} : vector<1000x144xf32> to vector<1000x1xf32>
    %slice3A_10 = vector.extract_strided_slice %add3A {offsets = [0, 129], sizes = [1000, 1], strides = [1, 1]} : vector<1000x144xf32> to vector<1000x1xf32>
    %broadcast_in_dim3A = vector.shape_cast %slice3A_9 : vector<1000x1xf32> to vector<1000x1xf32>
    %broadcast_in_dim3A_11 = vector.broadcast %broadcast_in_dim3A : vector<1000x1xf32> to vector<1000x64xf32>
    %broadcast_in_dim3A_12 = vector.shape_cast %slice3A_10 : vector<1000x1xf32> to vector<1000x1xf32>
    %broadcast_in_dim3A_13 = vector.broadcast %broadcast_in_dim3A_12 : vector<1000x1xf32> to vector<1000x64xf32>
    %concatenate3A = tpu.concatenate %broadcast_in_dim3A_11, %broadcast_in_dim3A_13 in 1 : vector<1000x64xf32>, vector<1000x64xf32> -> vector<1000x128xf32>
    %gt3A = arith.constant 0.000000e+00 : f32
    %gt3A_14 = vector.broadcast %gt3A : f32 to vector<1000x128xf32>
    %gt3A_15 = arith.cmpf ogt, %concatenate3A, %gt3A_14 : vector<1000x128xf32>
    %max3A = arith.constant 1.000000e-30 : f32
    %max3A_16 = vector.broadcast %max3A : f32 to vector<1000x128xf32>
    %max3A_17 = arith.maximumf %concatenate3A, %max3A_16 : vector<1000x128xf32>
    %div3A = arith.divf %slice3A, %max3A_17 : vector<1000x128xf32>
    %jit3A = arith.constant 0.000000e+00 : f32
    %broadcast_in_dim3A_18 = vector.broadcast %jit3A : f32 to vector<1000x128xf32>
    %select_n3A = arith.select %gt3A_15, %div3A, %broadcast_in_dim3A_18 : vector<1000x128xi1>, vector<1000x128xf32>
    %get3A_19 = arith.constant 0 : index
    %get3A_20 = arith.constant 0 : index
    %get3A_21 = vector.load %arg3[%get3A_19, %get3A_20] : memref<1000x128xf32, #tpu.memory_space<vmem>>, vector<1000x128xf32>
    %add3A_22 = arith.addf %select_n3A, %get3A_21 : vector<1000x128xf32>
    %get3A_23 = arith.constant 0 : index
    %get3A_24 = arith.constant 0 : index
    %get3A_25 = vector.load %arg4[%get3A_23, %get3A_24] : memref<1x128xf32, #tpu.memory_space<vmem>>, vector<1x128xf32>
    %get3A_26 = arith.constant 0 : index
    %get3A_27 = arith.constant 0 : index
    %get3A_28 = vector.load %arg5[%get3A_26, %get3A_27] : memref<1x128xf32, #tpu.memory_space<vmem>>, vector<1x128xf32>
    %reduce_sum3A = arith.constant dense<0.000000e+00> : vector<1000xf32>
    %reduce_sum3A_29 = vector.multi_reduction <add>, %add3A_22, %reduce_sum3A [1] : vector<1000x128xf32> to vector<1000xf32>
    %broadcast_in_dim3A_30 = vector.shape_cast %reduce_sum3A_29 : vector<1000xf32> to vector<1000x1xf32>
    %div3A_31 = arith.constant 1.280000e+02 : f32
    %div3A_32 = vector.broadcast %div3A_31 : f32 to vector<1000x1xf32>
    %div3A_33 = arith.divf %broadcast_in_dim3A_30, %div3A_32 : vector<1000x1xf32>
    %sub3A = vector.broadcast %div3A_33 : vector<1000x1xf32> to vector<1000x128xf32>
    %sub3A_34 = arith.subf %add3A_22, %sub3A : vector<1000x128xf32>
    %integer_pow3A = arith.mulf %sub3A_34, %sub3A_34 : vector<1000x128xf32>
    %reduce_sum3A_35 = arith.constant dense<0.000000e+00> : vector<1000xf32>
    %reduce_sum3A_36 = vector.multi_reduction <add>, %integer_pow3A, %reduce_sum3A_35 [1] : vector<1000x128xf32> to vector<1000xf32>
    %broadcast_in_dim3A_37 = vector.shape_cast %reduce_sum3A_36 : vector<1000xf32> to vector<1000x1xf32>
    %div3A_38 = arith.constant 1.280000e+02 : f32
    %div3A_39 = vector.broadcast %div3A_38 : f32 to vector<1000x1xf32>
    %div3A_40 = arith.divf %broadcast_in_dim3A_37, %div3A_39 : vector<1000x1xf32>
    %sub3A_41 = vector.broadcast %div3A_33 : vector<1000x1xf32> to vector<1000x128xf32>
    %sub3A_42 = arith.subf %add3A_22, %sub3A_41 : vector<1000x128xf32>
    %add3A_43 = arith.constant 9.99999974E-6 : f32
    %add3A_44 = vector.broadcast %add3A_43 : f32 to vector<1000x1xf32>
    %add3A_45 = arith.addf %div3A_40, %add3A_44 : vector<1000x1xf32>
    %rsqrt3A = math.rsqrt %add3A_45 : vector<1000x1xf32>
    %mul3A = vector.broadcast %rsqrt3A : vector<1000x1xf32> to vector<1000x128xf32>
    %mul3A_46 = arith.mulf %sub3A_42, %mul3A : vector<1000x128xf32>
    %mul3A_47 = vector.broadcast %get3A_25 : vector<1x128xf32> to vector<1000x128xf32>
    %mul3A_48 = arith.mulf %mul3A_46, %mul3A_47 : vector<1000x128xf32>
    %add3A_49 = vector.broadcast %get3A_28 : vector<1x128xf32> to vector<1000x128xf32>
    %add3A_50 = arith.addf %mul3A_48, %add3A_49 : vector<1000x128xf32>
    %max3A_51 = arith.constant 0.000000e+00 : f32
    %max3A_52 = vector.broadcast %max3A_51 : f32 to vector<1000x128xf32>
    %max3A_53 = arith.maximumf %add3A_50, %max3A_52 : vector<1000x128xf32>
    %swap3A = arith.constant 0 : index
    %swap3A_54 = arith.constant 0 : index
    %swap3A_55 = vector.load %arg6[%swap3A, %swap3A_54] : memref<1000x128xf32, #tpu.memory_space<vmem>>, vector<1000x128xf32>
    tpu.vector_store %arg6[%swap3A, %swap3A_54], %max3A_53 {strides = array<i32>} : memref<1000x128xf32, #tpu.memory_space<vmem>>, vector<1000x128xf32>,
    return
  }
  func.func @transform_0(%arg0: i32) -> (i32, i32, i32) {
    %c0_i32 = arith.constant 0 : i32
    %c0_i32_0 = arith.constant 0 : i32
    %c0_i32_1 = arith.constant 0 : i32
    return %c0_i32, %arg0, %c0_i32_0 : i32, i32, i32
  }
  func.func @transform_1(%arg0: i32) -> (i32, i32, i32) {
    %c1_i32 = arith.constant 1 : i32
    %c0_i32 = arith.constant 0 : i32
    %c0_i32_0 = arith.constant 0 : i32
    return %c1_i32, %arg0, %c0_i32 : i32, i32, i32
  }
  func.func @transform_2(%arg0: i32) -> (i32, i32) {
    %c0_i32 = arith.constant 0 : i32
    %c0_i32_0 = arith.constant 0 : i32
    return %arg0, %c0_i32 : i32, i32
  }
  func.func @transform_3(%arg0: i32) -> (i32, i32) {
    %c0_i32 = arith.constant 0 : i32
    %c0_i32_0 = arith.constant 0 : i32
    %c0_i32_1 = arith.constant 0 : i32
    return %c0_i32, %c0_i32_0 : i32, i32
  }
  func.func @transform_4(%arg0: i32) -> (i32, i32) {
    %c0_i32 = arith.constant 0 : i32
    %c0_i32_0 = arith.constant 0 : i32
    %c0_i32_1 = arith.constant 0 : i32
    return %c0_i32, %c0_i32_0 : i32, i32
  }
  func.func @transform_5(%arg0: i32) -> (i32, i32) {
    %c0_i32 = arith.constant 0 : i32
    %c0_i32_0 = arith.constant 0 : i32
    return %arg0, %c0_i32 : i32, i32
  }
}

module attributes {stable_mosaic.version = 14 : i64} {
  func.func @body(%arg0: i32, %arg1: memref<1000x128xf32, #tpu.memory_space<vmem>>, %arg2: memref<128x128xf32, #tpu.memory_space<vmem>>, %arg3: memref<1x1000x16xf32, #tpu.memory_space<vmem>>, %arg4: memref<1x1000x16xf32, #tpu.memory_space<vmem>>, %arg5: memref<1000x128xf32, #tpu.memory_space<vmem>>) attributes {dimension_semantics = [#tpu.dimension_semantics<arbitrary>], iteration_bounds = array<i64: 10>, scalar_prefetch = 0 : i64, scratch_operands = 0 : i64, tpu.core_type = #tpu.core_type<tc>, window_params = [{transform_indices = @transform_0, window_bounds = array<i64: 1000, 128>}, {pipeline_mode = #tpu.pipeline_mode<synchronous>, transform_indices = @transform_1, window_bounds = array<i64: 128, 128>}, {transform_indices = @transform_2, window_bounds = array<i64: 1, 1000, 16>}, {transform_indices = @transform_3, window_bounds = array<i64: 1, 1000, 16>}, {transform_indices = @transform_4, window_bounds = array<i64: 1000, 128>}]} {
    %get3A = arith.constant 0 : index
    %get3A_0 = arith.constant 0 : index
    %get3A_1 = arith.constant 0 : index
    %get3A_2 = vector.load %arg3[%get3A, %get3A_0, %get3A_1] : memref<1x1000x16xf32, #tpu.memory_space<vmem>>, vector<1x1000x16xf32>
    %get3A_3 = vector.shape_cast %get3A_2 : vector<1x1000x16xf32> to vector<1000x16xf32>
    %slice3A = vector.extract_strided_slice %get3A_3 {offsets = [0, 0], sizes = [1000, 1], strides = [1, 1]} : vector<1000x16xf32> to vector<1000x1xf32>
    %get3A_4 = arith.constant 0 : index
    %get3A_5 = arith.constant 0 : index
    %get3A_6 = arith.constant 0 : index
    %get3A_7 = vector.load %arg4[%get3A_4, %get3A_5, %get3A_6] : memref<1x1000x16xf32, #tpu.memory_space<vmem>>, vector<1x1000x16xf32>
    %get3A_8 = vector.shape_cast %get3A_7 : vector<1x1000x16xf32> to vector<1000x16xf32>
    %slice3A_9 = vector.extract_strided_slice %get3A_8 {offsets = [0, 0], sizes = [1000, 1], strides = [1, 1]} : vector<1000x16xf32> to vector<1000x1xf32>
    %add3A = arith.addf %slice3A, %slice3A_9 : vector<1000x1xf32>
    %add3A_10 = arith.constant 1.000000e+00 : f32
    %add3A_11 = vector.broadcast %add3A_10 : f32 to vector<1000x1xf32>
    %add3A_12 = arith.addf %add3A, %add3A_11 : vector<1000x1xf32>
    %rsqrt3A = math.rsqrt %add3A_12 : vector<1000x1xf32>
    %get3A_13 = arith.constant 0 : index
    %get3A_14 = arith.constant 0 : index
    %get3A_15 = vector.load %arg1[%get3A_13, %get3A_14] : memref<1000x128xf32, #tpu.memory_space<vmem>>, vector<1000x128xf32>
    %get3A_16 = arith.constant 0 : index
    %get3A_17 = arith.constant 0 : index
    %get3A_18 = vector.load %arg2[%get3A_16, %get3A_17] : memref<128x128xf32, #tpu.memory_space<vmem>>, vector<128x128xf32>
    %dot_general3A = arith.constant dense<0.000000e+00> : vector<1000x128xf32>
    %dot_general3A_19 = tpu.matmul %get3A_15, %get3A_18, %dot_general3A {dimension_numbers = #tpu.dot_dimension_numbers<[1], [0], [0], [1], [0, 0, 1, 1], [], []>, transpose_lhs_hint = false} : vector<1000x128xf32>, vector<128x128xf32>, vector<1000x128xf32> -> vector<1000x128xf32>
    %mul3A = vector.broadcast %rsqrt3A : vector<1000x1xf32> to vector<1000x128xf32>
    %mul3A_20 = arith.mulf %dot_general3A_19, %mul3A : vector<1000x128xf32>
    %swap3A = arith.constant 0 : index
    %swap3A_21 = arith.constant 0 : index
    %swap3A_22 = vector.load %arg5[%swap3A, %swap3A_21] : memref<1000x128xf32, #tpu.memory_space<vmem>>, vector<1000x128xf32>
    tpu.vector_store %arg5[%swap3A, %swap3A_21], %mul3A_20 {strides = array<i32>} : memref<1000x128xf32, #tpu.memory_space<vmem>>, vector<1000x128xf32>,
    return
  }
  func.func @transform_0(%arg0: i32) -> (i32, i32) {
    %c0_i32 = arith.constant 0 : i32
    %c0_i32_0 = arith.constant 0 : i32
    return %arg0, %c0_i32 : i32, i32
  }
  func.func @transform_1(%arg0: i32) -> (i32, i32) {
    %c0_i32 = arith.constant 0 : i32
    %c0_i32_0 = arith.constant 0 : i32
    %c0_i32_1 = arith.constant 0 : i32
    return %c0_i32, %c0_i32_0 : i32, i32
  }
  func.func @transform_2(%arg0: i32) -> (i32, i32, i32) {
    %c0_i32 = arith.constant 0 : i32
    %c0_i32_0 = arith.constant 0 : i32
    %c0_i32_1 = arith.constant 0 : i32
    return %c0_i32, %arg0, %c0_i32_0 : i32, i32, i32
  }
  func.func @transform_3(%arg0: i32) -> (i32, i32, i32) {
    %c1_i32 = arith.constant 1 : i32
    %c0_i32 = arith.constant 0 : i32
    %c0_i32_0 = arith.constant 0 : i32
    return %c1_i32, %arg0, %c0_i32 : i32, i32, i32
  }
  func.func @transform_4(%arg0: i32) -> (i32, i32) {
    %c0_i32 = arith.constant 0 : i32
    %c0_i32_0 = arith.constant 0 : i32
    return %arg0, %c0_i32 : i32, i32
  }
}

module attributes {stable_mosaic.version = 14 : i64} {
  func.func @body(%arg0: i32, %arg1: memref<2000x128xf32, #tpu.memory_space<vmem>>, %arg2: memref<2000x1xf32, #tpu.memory_space<vmem>>, %arg3: memref<2000x128xf32, #tpu.memory_space<vmem>>) attributes {dimension_semantics = [#tpu.dimension_semantics<arbitrary>], iteration_bounds = array<i64: 80>, scalar_prefetch = 0 : i64, scratch_operands = 0 : i64, tpu.core_type = #tpu.core_type<tc>, window_params = [{transform_indices = @transform_0, window_bounds = array<i64: 2000, 128>}, {transform_indices = @transform_1, window_bounds = array<i64: 2000, 1>}, {transform_indices = @transform_2, window_bounds = array<i64: 2000, 128>}]} {
    %get3A = arith.constant 0 : index
    %get3A_0 = arith.constant 0 : index
    %get3A_1 = vector.load %arg1[%get3A, %get3A_0] : memref<2000x128xf32, #tpu.memory_space<vmem>>, vector<2000x128xf32>
    %get3A_2 = arith.constant 0 : index
    %get3A_3 = arith.constant 0 : index
    %get3A_4 = vector.load %arg2[%get3A_2, %get3A_3] : memref<2000x1xf32, #tpu.memory_space<vmem>>, vector<2000x1xf32>
    %mul3A = vector.broadcast %get3A_4 : vector<2000x1xf32> to vector<2000x128xf32>
    %mul3A_5 = arith.mulf %get3A_1, %mul3A : vector<2000x128xf32>
    %swap3A = arith.constant 0 : index
    %swap3A_6 = arith.constant 0 : index
    %swap3A_7 = vector.load %arg3[%swap3A, %swap3A_6] : memref<2000x128xf32, #tpu.memory_space<vmem>>, vector<2000x128xf32>
    tpu.vector_store %arg3[%swap3A, %swap3A_6], %mul3A_5 {strides = array<i32>} : memref<2000x128xf32, #tpu.memory_space<vmem>>, vector<2000x128xf32>,
    return
  }
  func.func @transform_0(%arg0: i32) -> (i32, i32) {
    %c0_i32 = arith.constant 0 : i32
    %c0_i32_0 = arith.constant 0 : i32
    return %arg0, %c0_i32 : i32, i32
  }
  func.func @transform_1(%arg0: i32) -> (i32, i32) {
    %c0_i32 = arith.constant 0 : i32
    %c0_i32_0 = arith.constant 0 : i32
    return %arg0, %c0_i32 : i32, i32
  }
  func.func @transform_2(%arg0: i32) -> (i32, i32) {
    %c0_i32 = arith.constant 0 : i32
    %c0_i32_0 = arith.constant 0 : i32
    return %arg0, %c0_i32 : i32, i32
  }
}

module attributes {stable_mosaic.version = 14 : i64} {
  func.func @body(%arg0: i32, %arg1: memref<1x1000x128xf32, #tpu.memory_space<vmem>>, %arg2: memref<1x1000x128xf32, #tpu.memory_space<vmem>>, %arg3: memref<1000x128xf32, #tpu.memory_space<vmem>>, %arg4: memref<1x1000x16xf32, #tpu.memory_space<vmem>>, %arg5: memref<1x1000x16xf32, #tpu.memory_space<vmem>>, %arg6: memref<1x128xf32, #tpu.memory_space<vmem>>, %arg7: memref<1x128xf32, #tpu.memory_space<vmem>>, %arg8: memref<1x128xf32, #tpu.memory_space<vmem>>, %arg9: memref<1x128xf32, #tpu.memory_space<vmem>>) attributes {dimension_semantics = [#tpu.dimension_semantics<arbitrary>], iteration_bounds = array<i64: 10>, scalar_prefetch = 0 : i64, scratch_operands = 0 : i64, tpu.core_type = #tpu.core_type<tc>, window_params = [{transform_indices = @transform_0, window_bounds = array<i64: 1, 1000, 128>}, {transform_indices = @transform_1, window_bounds = array<i64: 1, 1000, 128>}, {transform_indices = @transform_2, window_bounds = array<i64: 1000, 128>}, {transform_indices = @transform_3, window_bounds = array<i64: 1, 1000, 16>}, {transform_indices = @transform_4, window_bounds = array<i64: 1, 1000, 16>}, {pipeline_mode = #tpu.pipeline_mode<synchronous>, transform_indices = @transform_5, window_bounds = array<i64: 1, 128>}, {pipeline_mode = #tpu.pipeline_mode<synchronous>, transform_indices = @transform_6, window_bounds = array<i64: 1, 128>}, {pipeline_mode = #tpu.pipeline_mode<synchronous>, transform_indices = @transform_7, window_bounds = array<i64: 1, 128>}, {pipeline_mode = #tpu.pipeline_mode<synchronous>, transform_indices = @transform_8, window_bounds = array<i64: 1, 128>}]} {
    %get3A = arith.constant 0 : index
    %get3A_0 = arith.constant 0 : index
    %get3A_1 = arith.constant 0 : index
    %get3A_2 = vector.load %arg4[%get3A, %get3A_0, %get3A_1] : memref<1x1000x16xf32, #tpu.memory_space<vmem>>, vector<1x1000x16xf32>
    %get3A_3 = vector.shape_cast %get3A_2 : vector<1x1000x16xf32> to vector<1000x16xf32>
    %slice3A = vector.extract_strided_slice %get3A_3 {offsets = [0, 0], sizes = [1000, 1], strides = [1, 1]} : vector<1000x16xf32> to vector<1000x1xf32>
    %get3A_4 = arith.constant 0 : index
    %get3A_5 = arith.constant 0 : index
    %get3A_6 = arith.constant 0 : index
    %get3A_7 = vector.load %arg5[%get3A_4, %get3A_5, %get3A_6] : memref<1x1000x16xf32, #tpu.memory_space<vmem>>, vector<1x1000x16xf32>
    %get3A_8 = vector.shape_cast %get3A_7 : vector<1x1000x16xf32> to vector<1000x16xf32>
    %slice3A_9 = vector.extract_strided_slice %get3A_8 {offsets = [0, 0], sizes = [1000, 1], strides = [1, 1]} : vector<1000x16xf32> to vector<1000x1xf32>
    %add3A = arith.addf %slice3A, %slice3A_9 : vector<1000x1xf32>
    %add3A_10 = arith.constant 1.000000e+00 : f32
    %add3A_11 = vector.broadcast %add3A_10 : f32 to vector<1000x1xf32>
    %add3A_12 = arith.addf %add3A, %add3A_11 : vector<1000x1xf32>
    %rsqrt3A = math.rsqrt %add3A_12 : vector<1000x1xf32>
    %get3A_13 = arith.constant 0 : index
    %get3A_14 = arith.constant 0 : index
    %get3A_15 = arith.constant 0 : index
    %get3A_16 = vector.load %arg1[%get3A_13, %get3A_14, %get3A_15] : memref<1x1000x128xf32, #tpu.memory_space<vmem>>, vector<1x1000x128xf32>
    %get3A_17 = vector.shape_cast %get3A_16 : vector<1x1000x128xf32> to vector<1000x128xf32>
    %get3A_18 = arith.constant 0 : index
    %get3A_19 = arith.constant 0 : index
    %get3A_20 = arith.constant 0 : index
    %get3A_21 = vector.load %arg2[%get3A_18, %get3A_19, %get3A_20] : memref<1x1000x128xf32, #tpu.memory_space<vmem>>, vector<1x1000x128xf32>
    %get3A_22 = vector.shape_cast %get3A_21 : vector<1x1000x128xf32> to vector<1000x128xf32>
    %add3A_23 = arith.addf %get3A_17, %get3A_22 : vector<1000x128xf32>
    %get3A_24 = arith.constant 0 : index
    %get3A_25 = arith.constant 0 : index
    %get3A_26 = vector.load %arg3[%get3A_24, %get3A_25] : memref<1000x128xf32, #tpu.memory_space<vmem>>, vector<1000x128xf32>
    %add3A_27 = arith.addf %add3A_23, %get3A_26 : vector<1000x128xf32>
    %mul3A = vector.broadcast %rsqrt3A : vector<1000x1xf32> to vector<1000x128xf32>
    %mul3A_28 = arith.mulf %mul3A, %add3A_27 : vector<1000x128xf32>
    %get3A_29 = arith.constant 0 : index
    %get3A_30 = arith.constant 0 : index
    %get3A_31 = vector.load %arg6[%get3A_29, %get3A_30] : memref<1x128xf32, #tpu.memory_space<vmem>>, vector<1x128xf32>
    %get3A_32 = arith.constant 0 : index
    %get3A_33 = arith.constant 0 : index
    %get3A_34 = vector.load %arg7[%get3A_32, %get3A_33] : memref<1x128xf32, #tpu.memory_space<vmem>>, vector<1x128xf32>
    %reduce_sum3A = arith.constant dense<0.000000e+00> : vector<1000xf32>
    %reduce_sum3A_35 = vector.multi_reduction <add>, %mul3A_28, %reduce_sum3A [1] : vector<1000x128xf32> to vector<1000xf32>
    %broadcast_in_dim3A = vector.shape_cast %reduce_sum3A_35 : vector<1000xf32> to vector<1000x1xf32>
    %div3A = arith.constant 1.280000e+02 : f32
    %div3A_36 = vector.broadcast %div3A : f32 to vector<1000x1xf32>
    %div3A_37 = arith.divf %broadcast_in_dim3A, %div3A_36 : vector<1000x1xf32>
    %sub3A = vector.broadcast %div3A_37 : vector<1000x1xf32> to vector<1000x128xf32>
    %sub3A_38 = arith.subf %mul3A_28, %sub3A : vector<1000x128xf32>
    %integer_pow3A = arith.mulf %sub3A_38, %sub3A_38 : vector<1000x128xf32>
    %reduce_sum3A_39 = arith.constant dense<0.000000e+00> : vector<1000xf32>
    %reduce_sum3A_40 = vector.multi_reduction <add>, %integer_pow3A, %reduce_sum3A_39 [1] : vector<1000x128xf32> to vector<1000xf32>
    %broadcast_in_dim3A_41 = vector.shape_cast %reduce_sum3A_40 : vector<1000xf32> to vector<1000x1xf32>
    %div3A_42 = arith.constant 1.280000e+02 : f32
    %div3A_43 = vector.broadcast %div3A_42 : f32 to vector<1000x1xf32>
    %div3A_44 = arith.divf %broadcast_in_dim3A_41, %div3A_43 : vector<1000x1xf32>
    %sub3A_45 = vector.broadcast %div3A_37 : vector<1000x1xf32> to vector<1000x128xf32>
    %sub3A_46 = arith.subf %mul3A_28, %sub3A_45 : vector<1000x128xf32>
    %add3A_47 = arith.constant 9.99999974E-6 : f32
    %add3A_48 = vector.broadcast %add3A_47 : f32 to vector<1000x1xf32>
    %add3A_49 = arith.addf %div3A_44, %add3A_48 : vector<1000x1xf32>
    %rsqrt3A_50 = math.rsqrt %add3A_49 : vector<1000x1xf32>
    %mul3A_51 = vector.broadcast %rsqrt3A_50 : vector<1000x1xf32> to vector<1000x128xf32>
    %mul3A_52 = arith.mulf %sub3A_46, %mul3A_51 : vector<1000x128xf32>
    %mul3A_53 = vector.broadcast %get3A_31 : vector<1x128xf32> to vector<1000x128xf32>
    %mul3A_54 = arith.mulf %mul3A_52, %mul3A_53 : vector<1000x128xf32>
    %add3A_55 = vector.broadcast %get3A_34 : vector<1x128xf32> to vector<1000x128xf32>
    %add3A_56 = arith.addf %mul3A_54, %add3A_55 : vector<1000x128xf32>
    %max3A = arith.constant 0.000000e+00 : f32
    %max3A_57 = vector.broadcast %max3A : f32 to vector<1000x128xf32>
    %max3A_58 = arith.maximumf %add3A_56, %max3A_57 : vector<1000x128xf32>
    %reduce_sum3A_59 = arith.constant dense<0.000000e+00> : vector<128xf32>
    %reduce_sum3A_60 = vector.multi_reduction <add>, %max3A_58, %reduce_sum3A_59 [0] : vector<1000x128xf32> to vector<128xf32>
    %broadcast_in_dim3A_61 = vector.shape_cast %reduce_sum3A_60 : vector<128xf32> to vector<1x128xf32>
    %reduce_max3A = arith.constant dense<0xFF800000> : vector<128xf32>
    %reduce_max3A_62 = vector.multi_reduction <maximumf>, %max3A_58, %reduce_max3A [0] : vector<1000x128xf32> to vector<128xf32>
    %broadcast_in_dim3A_63 = vector.shape_cast %reduce_max3A_62 : vector<128xf32> to vector<1x128xf32>
    %eq3A = arith.constant 0 : i32
    %eq3A_64 = arith.cmpi eq, %arg0, %eq3A : i32
    %convert_element_type3A = arith.extui %eq3A_64 : i1 to i32
    %cond3A = arith.constant 0 : i32
    %cond3A_65 = arith.cmpi ne, %convert_element_type3A, %cond3A : i32
    scf.if %cond3A_65 {
      %swap3A = arith.constant 0 : index
      %swap3A_70 = arith.constant 0 : index
      %swap3A_71 = vector.load %arg8[%swap3A, %swap3A_70] : memref<1x128xf32, #tpu.memory_space<vmem>>, vector<1x128xf32>
      tpu.vector_store %arg8[%swap3A, %swap3A_70], %broadcast_in_dim3A_61 {strides = array<i32>} : memref<1x128xf32, #tpu.memory_space<vmem>>, vector<1x128xf32>,
      %swap3A_72 = arith.constant 0 : index
      %swap3A_73 = arith.constant 0 : index
      %swap3A_74 = vector.load %arg9[%swap3A_72, %swap3A_73] : memref<1x128xf32, #tpu.memory_space<vmem>>, vector<1x128xf32>
      tpu.vector_store %arg9[%swap3A_72, %swap3A_73], %broadcast_in_dim3A_63 {strides = array<i32>} : memref<1x128xf32, #tpu.memory_space<vmem>>, vector<1x128xf32>,
    } else {
    }
    %gt3A = arith.constant 0 : i32
    %gt3A_66 = arith.cmpi sgt, %arg0, %gt3A : i32
    %convert_element_type3A_67 = arith.extui %gt3A_66 : i1 to i32
    %cond3A_68 = arith.constant 0 : i32
    %cond3A_69 = arith.cmpi ne, %convert_element_type3A_67, %cond3A_68 : i32
    scf.if %cond3A_69 {
      %get3A_70 = arith.constant 0 : index
      %get3A_71 = arith.constant 0 : index
      %get3A_72 = vector.load %arg8[%get3A_70, %get3A_71] : memref<1x128xf32, #tpu.memory_space<vmem>>, vector<1x128xf32>
      %add3A_73 = arith.addf %get3A_72, %broadcast_in_dim3A_61 : vector<1x128xf32>
      %swap3A = arith.constant 0 : index
      %swap3A_74 = arith.constant 0 : index
      %swap3A_75 = vector.load %arg8[%swap3A, %swap3A_74] : memref<1x128xf32, #tpu.memory_space<vmem>>, vector<1x128xf32>
      tpu.vector_store %arg8[%swap3A, %swap3A_74], %add3A_73 {strides = array<i32>} : memref<1x128xf32, #tpu.memory_space<vmem>>, vector<1x128xf32>,
      %get3A_76 = arith.constant 0 : index
      %get3A_77 = arith.constant 0 : index
      %get3A_78 = vector.load %arg9[%get3A_76, %get3A_77] : memref<1x128xf32, #tpu.memory_space<vmem>>, vector<1x128xf32>
      %max3A_79 = arith.maximumf %get3A_78, %broadcast_in_dim3A_63 : vector<1x128xf32>
      %swap3A_80 = arith.constant 0 : index
      %swap3A_81 = arith.constant 0 : index
      %swap3A_82 = vector.load %arg9[%swap3A_80, %swap3A_81] : memref<1x128xf32, #tpu.memory_space<vmem>>, vector<1x128xf32>
      tpu.vector_store %arg9[%swap3A_80, %swap3A_81], %max3A_79 {strides = array<i32>} : memref<1x128xf32, #tpu.memory_space<vmem>>, vector<1x128xf32>,
    } else {
    }
    return
  }
  func.func @transform_0(%arg0: i32) -> (i32, i32, i32) {
    %c0_i32 = arith.constant 0 : i32
    %c0_i32_0 = arith.constant 0 : i32
    %c0_i32_1 = arith.constant 0 : i32
    return %c0_i32, %arg0, %c0_i32_0 : i32, i32, i32
  }
  func.func @transform_1(%arg0: i32) -> (i32, i32, i32) {
    %c1_i32 = arith.constant 1 : i32
    %c0_i32 = arith.constant 0 : i32
    %c0_i32_0 = arith.constant 0 : i32
    return %c1_i32, %arg0, %c0_i32 : i32, i32, i32
  }
  func.func @transform_2(%arg0: i32) -> (i32, i32) {
    %c0_i32 = arith.constant 0 : i32
    %c0_i32_0 = arith.constant 0 : i32
    return %arg0, %c0_i32 : i32, i32
  }
  func.func @transform_3(%arg0: i32) -> (i32, i32, i32) {
    %c0_i32 = arith.constant 0 : i32
    %c0_i32_0 = arith.constant 0 : i32
    %c0_i32_1 = arith.constant 0 : i32
    return %c0_i32, %arg0, %c0_i32_0 : i32, i32, i32
  }
  func.func @transform_4(%arg0: i32) -> (i32, i32, i32) {
    %c1_i32 = arith.constant 1 : i32
    %c0_i32 = arith.constant 0 : i32
    %c0_i32_0 = arith.constant 0 : i32
    return %c1_i32, %arg0, %c0_i32 : i32, i32, i32
  }
  func.func @transform_5(%arg0: i32) -> (i32, i32) {
    %c0_i32 = arith.constant 0 : i32
    %c0_i32_0 = arith.constant 0 : i32
    %c0_i32_1 = arith.constant 0 : i32
    return %c0_i32, %c0_i32_0 : i32, i32
  }
  func.func @transform_6(%arg0: i32) -> (i32, i32) {
    %c0_i32 = arith.constant 0 : i32
    %c0_i32_0 = arith.constant 0 : i32
    %c0_i32_1 = arith.constant 0 : i32
    return %c0_i32, %c0_i32_0 : i32, i32
  }
  func.func @transform_7(%arg0: i32) -> (i32, i32) {
    %c0_i32 = arith.constant 0 : i32
    %c0_i32_0 = arith.constant 0 : i32
    %c0_i32_1 = arith.constant 0 : i32
    return %c0_i32, %c0_i32_0 : i32, i32
  }
  func.func @transform_8(%arg0: i32) -> (i32, i32) {
    %c0_i32 = arith.constant 0 : i32
    %c0_i32_0 = arith.constant 0 : i32
    %c0_i32_1 = arith.constant 0 : i32
    return %c0_i32, %c0_i32_0 : i32, i32
  }
}

module attributes {stable_mosaic.version = 14 : i64} {
  func.func @body(%arg0: memref<1x128xf32, #tpu.memory_space<vmem>>, %arg1: memref<1x128xf32, #tpu.memory_space<vmem>>, %arg2: memref<256x64xf32, #tpu.memory_space<vmem>>, %arg3: memref<1x64xf32, #tpu.memory_space<vmem>>, %arg4: memref<1x64xf32, #tpu.memory_space<vmem>>, %arg5: memref<1x64xf32, #tpu.memory_space<vmem>>, %arg6: memref<64x1xf32, #tpu.memory_space<vmem>>, %arg7: memref<1x1xf32, #tpu.memory_space<vmem>>, %arg8: memref<1x1xf32, #tpu.memory_space<vmem>>) attributes {dimension_semantics = [], scalar_prefetch = 0 : i64, scratch_operands = 0 : i64, tpu.core_type = #tpu.core_type<tc>} {
    %get3A = arith.constant 0 : index
    %get3A_0 = arith.constant 0 : index
    %get3A_1 = vector.load %arg0[%get3A, %get3A_0] : memref<1x128xf32, #tpu.memory_space<vmem>>, vector<1x128xf32>
    %mul3A = arith.constant 9.99999974E-5 : f32
    %mul3A_2 = vector.broadcast %mul3A : f32 to vector<1x128xf32>
    %mul3A_3 = arith.mulf %get3A_1, %mul3A_2 : vector<1x128xf32>
    %get3A_4 = arith.constant 0 : index
    %get3A_5 = arith.constant 0 : index
    %get3A_6 = vector.load %arg1[%get3A_4, %get3A_5] : memref<1x128xf32, #tpu.memory_space<vmem>>, vector<1x128xf32>
    %concatenate3A = tpu.concatenate %mul3A_3, %get3A_6 in 1 : vector<1x128xf32>, vector<1x128xf32> -> vector<1x256xf32>
    %get3A_7 = arith.constant 0 : index
    %get3A_8 = arith.constant 0 : index
    %get3A_9 = vector.load %arg2[%get3A_7, %get3A_8] : memref<256x64xf32, #tpu.memory_space<vmem>>, vector<256x64xf32>
    %dot_general3A = arith.constant dense<0.000000e+00> : vector<1x64xf32>
    %dot_general3A_10 = tpu.matmul %concatenate3A, %get3A_9, %dot_general3A {dimension_numbers = #tpu.dot_dimension_numbers<[1], [0], [0], [1], [0, 0, 1, 1], [], []>, transpose_lhs_hint = false} : vector<1x256xf32>, vector<256x64xf32>, vector<1x64xf32> -> vector<1x64xf32>
    %get3A_11 = arith.constant 0 : index
    %get3A_12 = arith.constant 0 : index
    %get3A_13 = vector.load %arg3[%get3A_11, %get3A_12] : memref<1x64xf32, #tpu.memory_space<vmem>>, vector<1x64xf32>
    %add3A = arith.addf %dot_general3A_10, %get3A_13 : vector<1x64xf32>
    %get3A_14 = arith.constant 0 : index
    %get3A_15 = arith.constant 0 : index
    %get3A_16 = vector.load %arg4[%get3A_14, %get3A_15] : memref<1x64xf32, #tpu.memory_space<vmem>>, vector<1x64xf32>
    %get3A_17 = arith.constant 0 : index
    %get3A_18 = arith.constant 0 : index
    %get3A_19 = vector.load %arg5[%get3A_17, %get3A_18] : memref<1x64xf32, #tpu.memory_space<vmem>>, vector<1x64xf32>
    %reduce_sum3A = arith.constant dense<0.000000e+00> : vector<1xf32>
    %reduce_sum3A_20 = vector.multi_reduction <add>, %add3A, %reduce_sum3A [1] : vector<1x64xf32> to vector<1xf32>
    %broadcast_in_dim3A = vector.shape_cast %reduce_sum3A_20 : vector<1xf32> to vector<1x1xf32>
    %div3A = arith.constant 6.400000e+01 : f32
    %div3A_21 = vector.broadcast %div3A : f32 to vector<1x1xf32>
    %div3A_22 = arith.divf %broadcast_in_dim3A, %div3A_21 : vector<1x1xf32>
    %sub3A = vector.broadcast %div3A_22 : vector<1x1xf32> to vector<1x64xf32>
    %sub3A_23 = arith.subf %add3A, %sub3A : vector<1x64xf32>
    %integer_pow3A = arith.mulf %sub3A_23, %sub3A_23 : vector<1x64xf32>
    %reduce_sum3A_24 = arith.constant dense<0.000000e+00> : vector<1xf32>
    %reduce_sum3A_25 = vector.multi_reduction <add>, %integer_pow3A, %reduce_sum3A_24 [1] : vector<1x64xf32> to vector<1xf32>
    %broadcast_in_dim3A_26 = vector.shape_cast %reduce_sum3A_25 : vector<1xf32> to vector<1x1xf32>
    %div3A_27 = arith.constant 6.400000e+01 : f32
    %div3A_28 = vector.broadcast %div3A_27 : f32 to vector<1x1xf32>
    %div3A_29 = arith.divf %broadcast_in_dim3A_26, %div3A_28 : vector<1x1xf32>
    %sub3A_30 = vector.broadcast %div3A_22 : vector<1x1xf32> to vector<1x64xf32>
    %sub3A_31 = arith.subf %add3A, %sub3A_30 : vector<1x64xf32>
    %add3A_32 = arith.constant 9.99999974E-6 : f32
    %add3A_33 = vector.broadcast %add3A_32 : f32 to vector<1x1xf32>
    %add3A_34 = arith.addf %div3A_29, %add3A_33 : vector<1x1xf32>
    %rsqrt3A = math.rsqrt %add3A_34 : vector<1x1xf32>
    %mul3A_35 = vector.broadcast %rsqrt3A : vector<1x1xf32> to vector<1x64xf32>
    %mul3A_36 = arith.mulf %sub3A_31, %mul3A_35 : vector<1x64xf32>
    %mul3A_37 = arith.mulf %mul3A_36, %get3A_16 : vector<1x64xf32>
    %add3A_38 = arith.addf %mul3A_37, %get3A_19 : vector<1x64xf32>
    %max3A = arith.constant 0.000000e+00 : f32
    %max3A_39 = vector.broadcast %max3A : f32 to vector<1x64xf32>
    %max3A_40 = arith.maximumf %add3A_38, %max3A_39 : vector<1x64xf32>
    %get3A_41 = arith.constant 0 : index
    %get3A_42 = arith.constant 0 : index
    %get3A_43 = vector.load %arg6[%get3A_41, %get3A_42] : memref<64x1xf32, #tpu.memory_space<vmem>>, vector<64x1xf32>
    %dot_general3A_44 = arith.constant dense<0.000000e+00> : vector<1x1xf32>
    %dot_general3A_45 = tpu.matmul %max3A_40, %get3A_43, %dot_general3A_44 {dimension_numbers = #tpu.dot_dimension_numbers<[1], [0], [0], [1], [0, 0, 1, 1], [], []>, transpose_lhs_hint = false} : vector<1x64xf32>, vector<64x1xf32>, vector<1x1xf32> -> vector<1x1xf32>
    %get3A_46 = arith.constant 0 : index
    %get3A_47 = arith.constant 0 : index
    %get3A_48 = vector.load %arg7[%get3A_46, %get3A_47] : memref<1x1xf32, #tpu.memory_space<vmem>>, vector<1x1xf32>
    %add3A_49 = arith.addf %dot_general3A_45, %get3A_48 : vector<1x1xf32>
    %swap3A = arith.constant 0 : index
    %swap3A_50 = arith.constant 0 : index
    %swap3A_51 = vector.load %arg8[%swap3A, %swap3A_50] : memref<1x1xf32, #tpu.memory_space<vmem>>, vector<1x1xf32>
    tpu.vector_store %arg8[%swap3A, %swap3A_50], %add3A_49 {strides = array<i32>} : memref<1x1xf32, #tpu.memory_space<vmem>>, vector<1x1xf32>,
    return
  }
}

</mosaic_0001>

<sc_bundles>
// kernel: kernel.16.cloned.1.call-start
scs
__scs_entry_jumppad:
0x0: {  	(pc) =	sbr.rel $0x88, $3  }
0x1: {  	(tag) =	ssettag $0x0;
	lr =	simm.s32 $0x1  }
0x2: {  	[smem:$0x3F83] =	sst lr;
	_ =	strace $0xD0000000  }
0x3: {  	_ = 	snop  }
0x4: {  	_ = 	snop  }
0x5: {  	_ = 	snop  }
0x6: {  	_ = 	snop  }
0x7: {  	_ = 	snop  }
__scs_overlays_trampoline_lowered:
0x8: {  	[smem:$0x3F92] =	sst s0  }
0x9: {  	[smem:$0x3F93] =	sst s1  }
0xa: {  	[smem:$0x3F94] =	sst s2  }
0xb: {  	[smem:$0x3F95] =	sst s3  }
0xc: {  	[smem:$0x3F96] =	sst s4  }
0xd: {  	[smem:$0x3F97] =	sst s5  }
0xe: {  	[smem:$0x3F98] =	sst s6  }
0xf: {  	[smem:$0x3F99] =	sst s7  }
0x10: {  	[smem:$0x3F9A] =	sst s8  }
0x11: {  	[smem:$0x3F9B] =	sst s9;
	s0 =	simm.s32 @!p0 $0x0  }
0x12: {  	s1 =	sld [smem:$0x3F81];
	s0 =	simm.s32 @p0 $0x1  }
0x13: {  	[smem:$0x3F9C] =	sst s0;
	s0 =	simm.s32 @!p1 $0x0  }
0x14: {  	s2 =	sld [smem:$0x3F80];
	s0 =	simm.s32 @p1 $0x1  }
0x15: {  	[smem:$0x3F9D] =	sst s0;
	s0 =	simm.s32 @!p2 $0x0  }
0x16: {  	s3 =	sld [smem:$0x3FDB];
	s0 =	simm.s32 @p2 $0x1  }
0x17: {  	s4 =	simm.s32 $0x1BF5;
	[smem:$0x3F9F] =	sst s0  }
0x18: {  	s0 =	sld [smem:$0x3F82];
	_ =	swait.ge [sflag:s4], $0x0  }
0x19: {  	s7 =	sld [smem:$0x3F83]  }
0x1a: {  	s8 =	sadd.s32 $0xFFFFE003, lr  }
0x1b: {  	s9 =	sadd.s32 $0xFFFFFEF7, lr;
	s5 =	simm.s32 $0xFFFFFFFF;
	p2 =	slt.u32 s8, $0xFFFFF086  }
0x1c: {  	p1 =	slt.u32 s9, $0xF7A;
	s5 =	simm.s32 @!p2 $0x0  }
0x1d: {  	s5 =	simm.s32 @p1 $0x1;
	p0 =	seq.s32 s7, s2  }
0x1e: {  	s7 =	smul.u32 @!p0 $0xF7A, s2;
	p2 =	seq.s32 @!p0 s5, $0x0  }
0x1f: {  	s9 =	smul.u32 $0xF7A, s1;
	s8 =	simm.s32 @!p0 $0x1BF5;
	p2 =	por !p2, p0  }
0x20: {  	[sflag:s8] =	ssyncset.s32 @!p0 $0xFFFFF086;
	s6 =	sadd.s32 @!p0 s3, s7;
	s7 =	simm.s32 @!p0 $0x108  }
0x21: {  	s3 =	sadd.s32 s3, s9;
	s6 =	sadd.s32 @!p0 $0x88, s6;
	s7 =	simm.s32 @p2 $0x1082  }
0x22: {  	[simem:s7], [sflag:s8] =	dma.local @!p0 [hbm:s6], $0xF7A  }
0x23: {  	s9 =	sor.u32 $0xD0000000, s2;
	s6 =	simm.s32 $0x108;
	_ =	swait.ge @!p0 [sflag:s8], $0x0  }
0x24: {  	s3 =	sadd.s32 $0x88, s3;
	s6 =	simm.s32 @!p1 $0x1082;
	[sflag:s4] =	ssyncset.s32 $0xFFFFF086  }
0x25: {  	[simem:s6], [sflag:s4] =	dma.local [hbm:s3], $0xF7A  }
0x26: {  	[smem:$0x3F83] =	sst s1;
	(tag) =	ssettag s2;
	_ =	strace s9  }
0x27: {  	s1 =	sld [smem:$0x3F93]  }
0x28: {  	s2 =	sld [smem:$0x3F94]  }
0x29: {  	s4 =	sld [smem:$0x3F96]  }
0x2a: {  	p0 =	seq.s32 s5, $0x0;
	s5 =	sld [smem:$0x3F97]  }
0x2b: {  	s6 =	sld [smem:$0x3F98]  }
0x2c: {  	s7 =	sld [smem:$0x3F99]  }
0x2d: {  	s3 =	simm.s32 $0x108;
	s8 =	sld [smem:$0x3F9A]  }
0x2e: {  	s3 =	simm.s32 @!p0 $0x1082;
	s9 =	sld [smem:$0x3F9B]  }
0x2f: {  	lr =	sadd.s32 s0, s3;
	s0 =	sld [smem:$0x3F92]  }
0x30: {  	s3 =	sld [smem:$0x3F95]  }
0x31: {  	[smem:$0x3F9E] =	sst s10  }
0x32: {  	s10 =	sld [smem:$0x3F9C];
	_ =	sdelay $0x3  }
0x33: {  	p0 =	seq.s32 s10, $0x1;
	s10 =	sld [smem:$0x3F9E];
	_ =	sdelay $0x3  }
0x34: {  	[smem:$0x3F9E] =	sst s10  }
0x35: {  	s10 =	sld [smem:$0x3F9D];
	_ =	sdelay $0x3  }
0x36: {  	p1 =	seq.s32 s10, $0x1;
	s10 =	sld [smem:$0x3F9E];
	_ =	sdelay $0x3  }
0x37: {  	[smem:$0x3F9E] =	sst s10  }
0x38: {  	s10 =	sld [smem:$0x3F9F]  }
0x39: {  	_ = 	snop;
	(pc) =	sbr.ind lr, $3  }
0x3a: {  	_ = 	snop  }
0x3b: {  	_ = 	snop  }
0x3c: {  	p2 =	seq.s32 s10, $0x1;
	s10 =	sld [smem:$0x3F9E]  }
0x3d: {  	_ =	shalt  }
0x3e: {  	_ =	shalt  }
0x3f: {  	_ =	shalt  }
0x40: {  	_ =	shalt  }
0x41: {  	_ =	shalt  }
0x42: {  	_ =	shalt  }
0x43: {  	_ =	shalt  }
0x44: {  	_ =	shalt  }
0x45: {  	_ =	shalt  }
0x46: {  	_ =	shalt  }
0x47: {  	_ =	shalt  }
0x48: {  	_ =	shalt  }
0x49: {  	_ =	shalt  }
0x4a: {  	_ =	shalt  }
0x4b: {  	_ =	shalt  }
0x4c: {  	_ =	shalt  }
0x4d: {  	_ =	shalt  }
0x4e: {  	_ =	shalt  }
0x4f: {  	_ =	shalt  }
0x50: {  	_ =	shalt  }
0x51: {  	_ =	shalt  }
0x52: {  	_ =	shalt  }
0x53: {  	_ =	shalt  }
0x54: {  	_ =	shalt  }
0x55: {  	_ =	shalt  }
0x56: {  	_ =	shalt  }
0x57: {  	_ =	shalt  }
0x58: {  	_ =	shalt  }
0x59: {  	_ =	shalt  }
0x5a: {  	_ =	shalt  }
0x5b: {  	_ =	shalt  }
0x5c: {  	_ =	shalt  }
0x5d: {  	_ =	shalt  }
0x5e: {  	_ =	shalt  }
0x5f: {  	_ =	shalt  }
0x60: {  	_ =	shalt  }
0x61: {  	_ =	shalt  }
0x62: {  	_ =	shalt  }
0x63: {  	_ =	shalt  }
0x64: {  	_ =	shalt  }
0x65: {  	_ =	shalt  }
0x66: {  	_ =	shalt  }
0x67: {  	_ =	shalt  }
0x68: {  	_ =	shalt  }
0x69: {  	_ =	shalt  }
0x6a: {  	_ =	shalt  }
0x6b: {  	_ =	shalt  }
0x6c: {  	_ =	shalt  }
0x6d: {  	_ =	shalt  }
0x6e: {  	_ =	shalt  }
0x6f: {  	_ =	shalt  }
0x70: {  	_ =	shalt  }
0x71: {  	_ =	shalt  }
0x72: {  	_ =	shalt  }
0x73: {  	_ =	shalt  }
0x74: {  	_ =	shalt  }
0x75: {  	_ =	shalt  }
0x76: {  	_ =	shalt  }
0x77: {  	_ =	shalt  }
0x78: {  	_ =	shalt  }
0x79: {  	_ =	shalt  }
0x7a: {  	_ =	shalt  }
0x7b: {  	_ =	shalt  }
0x7c: {  	_ =	shalt  }
0x7d: {  	_ =	shalt  }
0x7e: {  	_ =	shalt  }
0x7f: {  	_ =	shalt  }
0x80: {  	_ =	shalt  }
0x81: {  	_ =	shalt  }
0x82: {  	_ =	shalt  }
0x83: {  	_ =	shalt  }
0x84: {  	_ =	shalt  }
0x85: {  	_ =	shalt  }
0x86: {  	_ =	shalt  }
0x87: {  	_ =	shalt  }
.Lfunc_end0:
.L_simem_size_0:
called_computation_lowered:
.L_overlay_start_0:
0x88: {  	s2 =	sld [smem:$0x3FD9]  }
0x89: {  	s3 =	sld [smem:$0x3FFE];
	_ =	sdelay $0x1  }
0x8a: {  	s1 =	srdreg.scid  }
0x8b: {  	s0 =	sand.u32 $0x1, s1  }
0x8c: {  	s16 =	sshll.u32 s0, $0xA;
	s2 =	sadd.s32 s3, s2  }
0x8d: {  	s2 =	sadd.s32 s2, s16  }
0x8e: {  	[smem:$0x3FAA] =	sst s2  }
0x8f: {  	_ = 	snop  }
0x90: {  	(tm) =	ssettm $0x1  }
0x91: {  	s17 =	sld [smem:$0x3FFB];
	_ =	sdelay $0x3  }
0x92: {  	_ =	strace s17  }
0x93: {  	s2 =	sld [smem:$0x3FFC];
	_ =	sdelay $0x3  }
0x94: {  	_ =	strace s2  }
0x95: {  	s2 =	sld [smem:$0x3FFD];
	_ =	sdelay $0x3  }
0x96: {  	_ =	strace s2  }
0x97: {  	_ =	strace $0x8FFFFFFF  }
0x98: {  	s18 =	sld [smem:$0x3FDB];
	_ =	sdelay $0x1  }
0x99: {  	s19 =	simm.s32 $_scs_section_size  }
0x9a: {  	s4 =	simm.s32 $_size__tile_overlayer_lowered;
	s5 =	simm.s32 $_tile_overlayer_lowered  }
0x9b: {  	s22 =	simm.s32 $0x1BFF;
	s21 =	sshll.u32 s5, $0x1;
	s2 =	sadd.s32 s19, s18  }
0x9c: {  	s6 =	simm.s32 $0x0;
	s20 =	sshll.u32 s4, $0x1;
	s4 =	sadd.s32 s21, s2  }
0x9d: {  	[timem:s6], [sflag:s22] =	dma.local [hbm:s4], s20  }
0x9e: {  	_ =	swait.ge [sflag:s22], s20  }
0x9f: {  	s3 =	ssub.s32 $0x0, s20;
	[sflag:s22] =	ssyncset.done $0x0  }
0xa0: {  	[sflag:s22] =	ssyncadd.s32 s3;
	_ =	sdelay $0x1  }
0xa1: {  	s23 =	simm.s32 $0x1B8B  }
0xa2: {  	_ =	swait.ge [sflag:s23], $0x1  }
0xa3: {  	[sflag:s23] =	ssyncset.done $0x0  }
0xa4: {  	s25 =	simm.s32 $0x1B8E;
	s24 =	sld [smem:$0x3FFE];
	[sflag:s23] =	ssyncadd.s32 $0xFFFFFFFF  }
0xa5: {  	s26 =	simm.s32 $execute0_lowered;
	[smem:$0x3FD2] =	sst s25  }
0xa6: {  	s4 =	sshll.u32 s26, $0x1;
	_ =	strace $0x80000046;
	[dreg:$0x1] =	wrdreg $0xFFFFFFFF  }
0xa7: {  	s28 =	simm.s32 $_size_execute0_lowered;
	s2 =	sadd.s32 s2, s4;
	[dreg:$0x0] =	wrdreg $0x0  }
0xa8: {  	s4 =	sshll.u32 s28, $0x1;
	[dreg:$0x2] =	wrdreg s2  }
0xa9: {  	[dreg:$0x3] =	wrdreg s4  }
0xaa: {  	[dreg:$0x4] =	wrdreg $0xC0  }
0xab: {  	_ =	task [dreg:s6], $0x5FFFF  }
0xac: {  	[dreg:$0x1] =	wrdreg $0xFFFFFFFF  }
0xad: {  	[dreg:$0x0] =	wrdreg $0x60  }
0xae: {  	[dreg:$0x2] =	wrdreg s24  }
0xaf: {  	[dreg:$0x3] =	wrdreg $0xA  }
0xb0: {  	_ =	task.clear_ibuf [dreg:s6], $0x4FFFF;
	_ =	strace $0x90000046  }
0xb1: {  	s29 =	simm.s32 $0xA;
	_ =	strace $0x80000048  }
0xb2: {  	_ =	swait.ge [sflag:s29], $0x1  }
0xb3: {  	[sflag:s29] =	ssyncadd.s32 $0xFFFFFFFF  }
0xb4: {  	_ =	strace $0x90000048  }
0xb5: {  	_ =	sfence  }
0xb6: {  	s30 =	sld [smem:$0x0];
	_ =	sdelay $0x2  }
0xb7: {  	s31 =	sshll.u32 s1, $0xD;
	s1 =	sshrl.u32 s1, $0x2  }
0xb8: {  	s3 =	sand.u32 $0x4000, s31;
	s1 =	sadd.s32 s1, s30  }
0xb9: {  	s0 =	sor.u32 s3, s0;
	s1 =	sshll.u32 s1, $0x11  }
0xba: {  	s0 =	sor.u32 s1, s0  }
0xbb: {  	s0 =	sadd.s32 $0x8F2B, s0  }
0xbc: {  	[sflag:s0] =	ssyncadd.remote.s32 $0x1  }
0xbd: {  	_ =	sfence.sel $0xFFFF  }
0xbe: {  	[dreg:$0x0] =	wrdreg $0xFFFFFFFF;
	(pc) =	sbr.abs _section_cstart, $3  }
0xbf: {  	[dreg:$0x1] =	wrdreg $0xFFFFFFFF  }
0xc0: {  	_ =	task.clear_ibuf [dreg:s6], $0x2FFFF;
	_ =	strace $0x9FFFFFFF  }
0xc1: {  	(tm) =	ssettm $0x7FFFFFFF  }
tec
execute0_lowered:
.L_overlay_start_1:
0x0: {  	(tag) =	ssettag $0x1  }
0x1: {  	s6 =	rddreg [dreg:$0x0]  }
0x2: {  	s0 =	rddreg [dreg:$0x1];
	s2 =	simm.s32 $0x0;
	s3 =	srdreg.scid  }
0x3: {  	s1 =	stileid.u32;
	s12 =	simm.s32 $0x4;
	s13 =	simm.s32 $0xC8  }
0x4: {  	s14 =	simm.s32 $0x100;
	s15 =	simm.s32 $0x6500;
	s16 =	simm.s32 $0x6600  }
0x5: {  	s17 =	simm.s32 $0xCA00;
	s18 =	simm.s32 $0xCB00;
	s19 =	simm.s32 $0x1  }
0x6: {  	s20 =	simm.s32 $0x2;
	s21 =	simm.s32 $0x3;
	s8 =	smul.u32 $0x2710, s1  }
0x7: {  	s22 =	simm.s32 $0x0;
	s7 =	sand.u32 $0x1, s3;
	s10 =	smul.u32 $0x27100, s1  }
0x8: {  	[smem:$0x7FF] =	sst s2;
	s3 =	sadd.s32 $0x6000, s6;
	s9 =	smul.u32 $0x1388, s7  }
0x9: {  	s4 =	sadd.s32 $0x37200, s6;
	s11 =	ssub.s32 $0x2, s7;
	s7 =	smul.u32 $0x13880, s7  }
0xa: {  	s5 =	sadd.s32 $0x5E400, s6;
	_ =	strace $0x80000047;
	s29 =	sadd.s32 s10, s6  }
0xb: {  	s30 =	sshrl.u32 s11, $0x1;
	s8 =	sadd.s32 s9, s8;
	s9 =	sadd.s32 s7, s29  }
0xc: {  	s10 =	ssub.s32 s11, s30;
	s8 =	sshrl.u32 s8, $0x3;
	s7 =	sadd.s32 $0x31D800, s9  }
0xd: {  	s31 =	sadd.s32 s8, s6;
	s6 =	smax.u32 s10, $0x1;
	s8 =	sadd.s32 $0xAC800, s9  }
0xe: {  	s9 =	sadd.s32 $0x58E800, s9;
	s10 =	sadd.s32 $0x32200, s31;
	s11 =	sadd.s32 $0x2D200, s31  }
.LBB2_1:
0xf: {  	[tilespmem:s2], [sflag:$0x4] =	stream.linear.gather [hbm4b:s11+s2], $0xC8, $0x38;
	[tilespmem:$0x12F00] =	vst v63  }
0x10: {  	_ =	swait.ge [sflag:s12], $0xC8  }
0x11: {  	[sflag:s12] =	ssyncset.done $0x0  }
0x12: {  	[sflag:s12] =	ssyncadd.s32 $0xFFFFFF38  }
0x13: {  	[tilespmem:s14], [sflag:$0x1] =	stream.indirect.gather [hbm4b:s3+s13], $0x80, s2, s13, $0xb8;
	[tilespmem:$0x12F00] =	vst v63  }
0x14: {  	_ = 	snop  }
0x15: {  	[tilespmem:s15], [sflag:$0x4] =	stream.linear.gather [hbm4b:s10+s2], $0xC8, $0x38;
	[tilespmem:$0x12F00] =	vst v63  }
0x16: {  	_ =	swait.ge [sflag:s12], $0xC8  }
0x17: {  	[sflag:s12] =	ssyncset.done $0x0  }
0x18: {  	[sflag:s12] =	ssyncadd.s32 $0xFFFFFF38  }
0x19: {  	[tilespmem:s16], [sflag:$0x2] =	stream.indirect.gather [hbm4b:s4+s13], $0x80, s15, s13, $0xb8;
	[tilespmem:$0x12F00] =	vst v63  }
0x1a: {  	_ = 	snop  }
0x1b: {  	[tilespmem:s17], [sflag:$0x4] =	stream.linear.gather [hbm4b:s11+s2], $0xC8, $0x38;
	[tilespmem:$0x12F00] =	vst v63  }
0x1c: {  	_ =	swait.ge [sflag:s12], $0xC8  }
0x1d: {  	[sflag:s12] =	ssyncset.done $0x0  }
0x1e: {  	[sflag:s12] =	ssyncadd.s32 $0xFFFFFF38  }
0x1f: {  	[tilespmem:s18], [sflag:$0x3] =	stream.indirect.gather [hbm4b:s5+s13], $0x80, s17, s13, $0xb8;
	[tilespmem:$0x12F00] =	vst v63  }
0x20: {  	_ =	swait.ge [sflag:s19], $0x6400  }
0x21: {  	[sflag:s19] =	ssyncset.done $0x0  }
0x22: {  	s23 =	sadd.s32 $0x0, s8;
	[sflag:s19] =	ssyncadd.s32 $0xFFFF9C00  }
0x23: {  	[hbm4b:s23+s2] =	stream.linear.scatter [tilespmem:s14], [sflag:$0x4], $0x6400, $0x38;
	[tilespmem:$0x12F00] =	vst v63  }
0x24: {  	_ =	swait.ge [sflag:s12], $0x6400  }
0x25: {  	[sflag:s12] =	ssyncset.done $0x0  }
0x26: {  	[sflag:s12] =	ssyncadd.s32 $0xFFFF9C00  }
0x27: {  	_ =	swait.ge [sflag:s20], $0x6400  }
0x28: {  	[sflag:s20] =	ssyncset.done $0x0  }
0x29: {  	s30 =	sadd.s32 $0x0, s7;
	[sflag:s20] =	ssyncadd.s32 $0xFFFF9C00  }
0x2a: {  	[hbm4b:s30+s2] =	stream.linear.scatter [tilespmem:s16], [sflag:$0x4], $0x6400, $0x38;
	[tilespmem:$0x12F00] =	vst v63  }
0x2b: {  	_ =	swait.ge [sflag:s12], $0x6400  }
0x2c: {  	[sflag:s12] =	ssyncset.done $0x0  }
0x2d: {  	[sflag:s12] =	ssyncadd.s32 $0xFFFF9C00  }
0x2e: {  	_ =	swait.ge [sflag:s21], $0x6400  }
0x2f: {  	[sflag:s21] =	ssyncset.done $0x0  }
0x30: {  	s31 =	sadd.s32 $0x0, s9;
	[sflag:s21] =	ssyncadd.s32 $0xFFFF9C00  }
0x31: {  	[hbm4b:s31+s2] =	stream.linear.scatter [tilespmem:s18], [sflag:$0x4], $0x6400, $0x38;
	[tilespmem:$0x12F00] =	vst v63  }
0x32: {  	s24 =	smov.u32 s10;
	_ =	swait.ge [sflag:s12], $0x6400  }
0x33: {  	s25 =	smov.u32 s11;
	s23 =	simm.s32 $0xC80;
	[sflag:s12] =	ssyncset.done $0x0  }
.LBB2_2:
0x34: {  	[sflag:s12] =	ssyncadd.s32 $0xFFFF9C00  }
0x35: {  	s24 =	sadd.s32 $0x19, s24;
	s25 =	sadd.s32 $0x19, s25;
	s26 =	smov.u32 s23  }
0x36: {  	[tilespmem:s2], [sflag:$0x4] =	stream.linear.gather [hbm4b:s25+s2], $0xC8, $0x38;
	[tilespmem:$0x12F00] =	vst v63  }
0x37: {  	p0 =	sne.s32 s23, $0x12C00;
	s23 =	sadd.s32 $0xC80, s23;
	_ =	swait.ge [sflag:s12], $0xC8  }
0x38: {  	[sflag:s12] =	ssyncset.done $0x0  }
0x39: {  	[sflag:s12] =	ssyncadd.s32 $0xFFFFFF38  }
0x3a: {  	[tilespmem:s14], [sflag:$0x1] =	stream.indirect.gather [hbm4b:s3+s13], $0x80, s2, s13, $0xb8;
	[tilespmem:$0x12F00] =	vst v63  }
0x3b: {  	_ = 	snop  }
0x3c: {  	[tilespmem:s15], [sflag:$0x4] =	stream.linear.gather [hbm4b:s24+s2], $0xC8, $0x38;
	[tilespmem:$0x12F00] =	vst v63  }
0x3d: {  	_ =	swait.ge [sflag:s12], $0xC8  }
0x3e: {  	[sflag:s12] =	ssyncset.done $0x0  }
0x3f: {  	[sflag:s12] =	ssyncadd.s32 $0xFFFFFF38  }
0x40: {  	[tilespmem:s16], [sflag:$0x2] =	stream.indirect.gather [hbm4b:s4+s13], $0x80, s15, s13, $0xb8;
	[tilespmem:$0x12F00] =	vst v63  }
0x41: {  	_ = 	snop  }
0x42: {  	[tilespmem:s17], [sflag:$0x4] =	stream.linear.gather [hbm4b:s25+s2], $0xC8, $0x38;
	[tilespmem:$0x12F00] =	vst v63  }
0x43: {  	_ =	swait.ge [sflag:s12], $0xC8  }
0x44: {  	[sflag:s12] =	ssyncset.done $0x0  }
0x45: {  	[sflag:s12] =	ssyncadd.s32 $0xFFFFFF38  }
0x46: {  	[tilespmem:s18], [sflag:$0x3] =	stream.indirect.gather [hbm4b:s5+s13], $0x80, s17, s13, $0xb8;
	[tilespmem:$0x12F00] =	vst v63  }
0x47: {  	_ =	swait.ge [sflag:s19], $0x6400  }
0x48: {  	[sflag:s19] =	ssyncset.done $0x0  }
0x49: {  	s28 =	sadd.s32 s26, s8;
	[sflag:s19] =	ssyncadd.s32 $0xFFFF9C00  }
0x4a: {  	[hbm4b:s28+s2] =	stream.linear.scatter [tilespmem:s14], [sflag:$0x4], $0x6400, $0x38;
	[tilespmem:$0x12F00] =	vst v63  }
0x4b: {  	_ =	swait.ge [sflag:s12], $0x6400  }
0x4c: {  	[sflag:s12] =	ssyncset.done $0x0  }
0x4d: {  	[sflag:s12] =	ssyncadd.s32 $0xFFFF9C00  }
0x4e: {  	_ =	swait.ge [sflag:s20], $0x6400  }
0x4f: {  	[sflag:s20] =	ssyncset.done $0x0  }
0x50: {  	s28 =	sadd.s32 s26, s7;
	[sflag:s20] =	ssyncadd.s32 $0xFFFF9C00  }
0x51: {  	[hbm4b:s28+s2] =	stream.linear.scatter [tilespmem:s16], [sflag:$0x4], $0x6400, $0x38;
	[tilespmem:$0x12F00] =	vst v63  }
0x52: {  	_ =	swait.ge [sflag:s12], $0x6400  }
0x53: {  	[sflag:s12] =	ssyncset.done $0x0  }
0x54: {  	[sflag:s12] =	ssyncadd.s32 $0xFFFF9C00  }
0x55: {  	_ =	swait.ge [sflag:s21], $0x6400  }
.Ltmp0:
0x56: {  	[sflag:s21] =	ssyncset.done $0x0;
	(pc) =	sbr.rel @p0 .LBB2_2-.Ltmp0, $4  }
0x57: {  	s26 =	sadd.s32 s26, s9;
	[sflag:s21] =	ssyncadd.s32 $0xFFFF9C00  }
0x58: {  	[hbm4b:s26+s2] =	stream.linear.scatter [tilespmem:s18], [sflag:$0x4], $0x6400, $0x38;
	[tilespmem:$0x12F00] =	vst v63  }
0x59: {  	_ =	swait.ge [sflag:s12], $0x6400  }
0x5a: {  	[sflag:s12] =	ssyncset.done $0x0  }
0x5b: {  	s22 =	sadd.s32 $0x1, s22  }
0x5c: {  	p0 =	sne.s32 s22, s6  }
.Ltmp1:
0x5d: {  	_ = 	snop;
	(pc) =	sbr.rel @p0 .LBB2_1-.Ltmp1, $2  }
0x5e: {  	_ =	sdelay $0x2  }
0x5f: {  	[sflag:s12] =	ssyncadd.s32 $0xFFFF9C00  }
0x60: {  	_ =	sfence.sel $0x180000  }
0x61: {  	[bflag:$0x0] =	sbarrier.arrive $0xFFFF  }
0x62: {  	p0 =	sne.s32 s1, $0x0;
	_ =	strace $0x90000047  }
0x63: {  	s0 =	sadd.s32 @!p0 $0x100000, s0;
	[bflag:$0x2] =	sbarrier.arrive $0xFFFF  }
0x64: {  	[sflag:s0] =	ssyncadd.tile.s32 @!p0 $0x1;
	_ =	shalt  }
.Lfunc_end2:
_tile_overlayer_lowered:
.L_overlay_start_2:
0x65: {  	(tag) =	ssettag $0x2  }
0x66: {  	s0 =	rddreg [dreg:$0x0];
	s2 =	stileid.u32  }
0x67: {  	s1 =	rddreg [dreg:$0x1];
	p0 =	sne.s32 s2, $0x0  }
0x68: {  	s3 =	rddreg [dreg:$0x2];
	[bflag:$0x3] =	sbarrier.arrive $0xFFFF;
	s2 =	simm.s32 @!p0 $0x1C04  }
0x69: {  	[timem:s3], [sflag:s2] =	dma.local @!p0 [hbm:s0], s1  }
0x6a: {  	s0 =	simm.s32 @!p0 $0x4  }
0x6b: {  	_ =	swait.ge @!p0 [sflag:s0], s1  }
0x6c: {  	s1 =	ssub.s32 @!p0 $0x0, s1;
	[sflag:s0] =	ssyncset.done @!p0 $0x0  }
0x6d: {  	[sflag:s0] =	ssyncadd.s32 @!p0 s1  }
0x6e: {  	[bflag:$0x3] =	sbarrier.arrive $0xFFFF  }
0x6f: {  	_ =	shalt  }

// kernel: kernel.19.cloned.1.call-start
scs
__scs_entry_jumppad:
0x0: {  	(pc) =	sbr.rel $0x88, $3  }
0x1: {  	(tag) =	ssettag $0x0;
	lr =	simm.s32 $0x1  }
0x2: {  	[smem:$0x3F83] =	sst lr;
	_ =	strace $0xD0000000  }
0x3: {  	_ = 	snop  }
0x4: {  	_ = 	snop  }
0x5: {  	_ = 	snop  }
0x6: {  	_ = 	snop  }
0x7: {  	_ = 	snop  }
__scs_overlays_trampoline_lowered:
0x8: {  	[smem:$0x3F92] =	sst s0  }
0x9: {  	[smem:$0x3F93] =	sst s1  }
0xa: {  	[smem:$0x3F94] =	sst s2  }
0xb: {  	[smem:$0x3F95] =	sst s3  }
0xc: {  	[smem:$0x3F96] =	sst s4  }
0xd: {  	[smem:$0x3F97] =	sst s5  }
0xe: {  	[smem:$0x3F98] =	sst s6  }
0xf: {  	[smem:$0x3F99] =	sst s7  }
0x10: {  	[smem:$0x3F9A] =	sst s8  }
0x11: {  	[smem:$0x3F9B] =	sst s9;
	s0 =	simm.s32 @!p0 $0x0  }
0x12: {  	s1 =	sld [smem:$0x3F81];
	s0 =	simm.s32 @p0 $0x1  }
0x13: {  	[smem:$0x3F9C] =	sst s0;
	s0 =	simm.s32 @!p1 $0x0  }
0x14: {  	s2 =	sld [smem:$0x3F80];
	s0 =	simm.s32 @p1 $0x1  }
0x15: {  	[smem:$0x3F9D] =	sst s0;
	s0 =	simm.s32 @!p2 $0x0  }
0x16: {  	s3 =	sld [smem:$0x3FDB];
	s0 =	simm.s32 @p2 $0x1  }
0x17: {  	s4 =	simm.s32 $0x1BF5;
	[smem:$0x3F9F] =	sst s0  }
0x18: {  	s0 =	sld [smem:$0x3F82];
	_ =	swait.ge [sflag:s4], $0x0  }
0x19: {  	s7 =	sld [smem:$0x3F83]  }
0x1a: {  	s8 =	sadd.s32 $0xFFFFE003, lr  }
0x1b: {  	s9 =	sadd.s32 $0xFFFFFEF7, lr;
	s5 =	simm.s32 $0xFFFFFFFF;
	p2 =	slt.u32 s8, $0xFFFFF086  }
0x1c: {  	p1 =	slt.u32 s9, $0xF7A;
	s5 =	simm.s32 @!p2 $0x0  }
0x1d: {  	s5 =	simm.s32 @p1 $0x1;
	p0 =	seq.s32 s7, s2  }
0x1e: {  	s7 =	smul.u32 @!p0 $0xF7A, s2;
	p2 =	seq.s32 @!p0 s5, $0x0  }
0x1f: {  	s9 =	smul.u32 $0xF7A, s1;
	s8 =	simm.s32 @!p0 $0x1BF5;
	p2 =	por !p2, p0  }
0x20: {  	[sflag:s8] =	ssyncset.s32 @!p0 $0xFFFFF086;
	s6 =	sadd.s32 @!p0 s3, s7;
	s7 =	simm.s32 @!p0 $0x108  }
0x21: {  	s3 =	sadd.s32 s3, s9;
	s6 =	sadd.s32 @!p0 $0x88, s6;
	s7 =	simm.s32 @p2 $0x1082  }
0x22: {  	[simem:s7], [sflag:s8] =	dma.local @!p0 [hbm:s6], $0xF7A  }
0x23: {  	s9 =	sor.u32 $0xD0000000, s2;
	s6 =	simm.s32 $0x108;
	_ =	swait.ge @!p0 [sflag:s8], $0x0  }
0x24: {  	s3 =	sadd.s32 $0x88, s3;
	s6 =	simm.s32 @!p1 $0x1082;
	[sflag:s4] =	ssyncset.s32 $0xFFFFF086  }
0x25: {  	[simem:s6], [sflag:s4] =	dma.local [hbm:s3], $0xF7A  }
0x26: {  	[smem:$0x3F83] =	sst s1;
	(tag) =	ssettag s2;
	_ =	strace s9  }
0x27: {  	s1 =	sld [smem:$0x3F93]  }
0x28: {  	s2 =	sld [smem:$0x3F94]  }
0x29: {  	s4 =	sld [smem:$0x3F96]  }
0x2a: {  	p0 =	seq.s32 s5, $0x0;
	s5 =	sld [smem:$0x3F97]  }
0x2b: {  	s6 =	sld [smem:$0x3F98]  }
0x2c: {  	s7 =	sld [smem:$0x3F99]  }
0x2d: {  	s3 =	simm.s32 $0x108;
	s8 =	sld [smem:$0x3F9A]  }
0x2e: {  	s3 =	simm.s32 @!p0 $0x1082;
	s9 =	sld [smem:$0x3F9B]  }
0x2f: {  	lr =	sadd.s32 s0, s3;
	s0 =	sld [smem:$0x3F92]  }
0x30: {  	s3 =	sld [smem:$0x3F95]  }
0x31: {  	[smem:$0x3F9E] =	sst s10  }
0x32: {  	s10 =	sld [smem:$0x3F9C];
	_ =	sdelay $0x3  }
0x33: {  	p0 =	seq.s32 s10, $0x1;
	s10 =	sld [smem:$0x3F9E];
	_ =	sdelay $0x3  }
0x34: {  	[smem:$0x3F9E] =	sst s10  }
0x35: {  	s10 =	sld [smem:$0x3F9D];
	_ =	sdelay $0x3  }
0x36: {  	p1 =	seq.s32 s10, $0x1;
	s10 =	sld [smem:$0x3F9E];
	_ =	sdelay $0x3  }
0x37: {  	[smem:$0x3F9E] =	sst s10  }
0x38: {  	s10 =	sld [smem:$0x3F9F]  }
0x39: {  	_ = 	snop;
	(pc) =	sbr.ind lr, $3  }
0x3a: {  	_ = 	snop  }
0x3b: {  	_ = 	snop  }
0x3c: {  	p2 =	seq.s32 s10, $0x1;
	s10 =	sld [smem:$0x3F9E]  }
0x3d: {  	_ =	shalt  }
0x3e: {  	_ =	shalt  }
0x3f: {  	_ =	shalt  }
0x40: {  	_ =	shalt  }
0x41: {  	_ =	shalt  }
0x42: {  	_ =	shalt  }
0x43: {  	_ =	shalt  }
0x44: {  	_ =	shalt  }
0x45: {  	_ =	shalt  }
0x46: {  	_ =	shalt  }
0x47: {  	_ =	shalt  }
0x48: {  	_ =	shalt  }
0x49: {  	_ =	shalt  }
0x4a: {  	_ =	shalt  }
0x4b: {  	_ =	shalt  }
0x4c: {  	_ =	shalt  }
0x4d: {  	_ =	shalt  }
0x4e: {  	_ =	shalt  }
0x4f: {  	_ =	shalt  }
0x50: {  	_ =	shalt  }
0x51: {  	_ =	shalt  }
0x52: {  	_ =	shalt  }
0x53: {  	_ =	shalt  }
0x54: {  	_ =	shalt  }
0x55: {  	_ =	shalt  }
0x56: {  	_ =	shalt  }
0x57: {  	_ =	shalt  }
0x58: {  	_ =	shalt  }
0x59: {  	_ =	shalt  }
0x5a: {  	_ =	shalt  }
0x5b: {  	_ =	shalt  }
0x5c: {  	_ =	shalt  }
0x5d: {  	_ =	shalt  }
0x5e: {  	_ =	shalt  }
0x5f: {  	_ =	shalt  }
0x60: {  	_ =	shalt  }
0x61: {  	_ =	shalt  }
0x62: {  	_ =	shalt  }
0x63: {  	_ =	shalt  }
0x64: {  	_ =	shalt  }
0x65: {  	_ =	shalt  }
0x66: {  	_ =	shalt  }
0x67: {  	_ =	shalt  }
0x68: {  	_ =	shalt  }
0x69: {  	_ =	shalt  }
0x6a: {  	_ =	shalt  }
0x6b: {  	_ =	shalt  }
0x6c: {  	_ =	shalt  }
0x6d: {  	_ =	shalt  }
0x6e: {  	_ =	shalt  }
0x6f: {  	_ =	shalt  }
0x70: {  	_ =	shalt  }
0x71: {  	_ =	shalt  }
0x72: {  	_ =	shalt  }
0x73: {  	_ =	shalt  }
0x74: {  	_ =	shalt  }
0x75: {  	_ =	shalt  }
0x76: {  	_ =	shalt  }
0x77: {  	_ =	shalt  }
0x78: {  	_ =	shalt  }
0x79: {  	_ =	shalt  }
0x7a: {  	_ =	shalt  }
0x7b: {  	_ =	shalt  }
0x7c: {  	_ =	shalt  }
0x7d: {  	_ =	shalt  }
0x7e: {  	_ =	shalt  }
0x7f: {  	_ =	shalt  }
0x80: {  	_ =	shalt  }
0x81: {  	_ =	shalt  }
0x82: {  	_ =	shalt  }
0x83: {  	_ =	shalt  }
0x84: {  	_ =	shalt  }
0x85: {  	_ =	shalt  }
0x86: {  	_ =	shalt  }
0x87: {  	_ =	shalt  }
.Lfunc_end0:
.L_simem_size_0:
called_computation.1_lowered:
.L_overlay_start_0:
0x88: {  	s2 =	sld [smem:$0x3FD9]  }
0x89: {  	s3 =	sld [smem:$0x3FFE];
	_ =	sdelay $0x1  }
0x8a: {  	s1 =	srdreg.scid  }
0x8b: {  	s0 =	sand.u32 $0x1, s1  }
0x8c: {  	s17 =	sshll.u32 s0, $0xA;
	s2 =	sadd.s32 s3, s2  }
0x8d: {  	s2 =	sadd.s32 s2, s17  }
0x8e: {  	[smem:$0x3FAA] =	sst s2  }
0x8f: {  	_ = 	snop  }
0x90: {  	(tm) =	ssettm $0x1  }
0x91: {  	s18 =	sld [smem:$0x3FFB];
	_ =	sdelay $0x3  }
0x92: {  	_ =	strace s18  }
0x93: {  	s2 =	sld [smem:$0x3FFC];
	_ =	sdelay $0x3  }
0x94: {  	_ =	strace s2  }
0x95: {  	s2 =	sld [smem:$0x3FFD];
	_ =	sdelay $0x3  }
0x96: {  	_ =	strace s2  }
0x97: {  	_ =	strace $0x8FFFFFFF  }
0x98: {  	s19 =	sld [smem:$0x3FDB];
	_ =	sdelay $0x1  }
0x99: {  	s20 =	simm.s32 $_scs_section_size  }
0x9a: {  	s4 =	simm.s32 $_size__tile_overlayer_lowered;
	s5 =	simm.s32 $_tile_overlayer_lowered  }
0x9b: {  	s6 =	simm.s32 $0x1BFF;
	s21 =	sshll.u32 s5, $0x1;
	s3 =	sadd.s32 s20, s19  }
0x9c: {  	s22 =	simm.s32 $0x0;
	s4 =	sshll.u32 s4, $0x1;
	s5 =	sadd.s32 s21, s3  }
0x9d: {  	[timem:s22], [sflag:s6] =	dma.local [hbm:s5], s4  }
0x9e: {  	_ =	swait.ge [sflag:s6], s4  }
0x9f: {  	s4 =	ssub.s32 $0x0, s4;
	[sflag:s6] =	ssyncset.done $0x0  }
0xa0: {  	[sflag:s6] =	ssyncadd.s32 s4;
	_ =	sdelay $0x1  }
0xa1: {  	s23 =	simm.s32 $0x1B8B  }
0xa2: {  	_ =	swait.ge [sflag:s23], $0x1  }
0xa3: {  	[sflag:s23] =	ssyncset.done $0x0  }
0xa4: {  	[sflag:s23] =	ssyncadd.s32 $0xFFFFFFFF  }
0xa5: {  	s4 =	sld [smem:$0x0]  }
0xa6: {  	s5 =	sand.u32 $0xFFFFFFFE, s1  }
0xa7: {  	p0 =	sne.s32 s1, s5  }
0xa8: {  	s5 =	sshll.u32 @p0 s5, $0xE  }
0xa9: {  	s5 =	sadd.s32 @p0 $0x11B8D, s5;
	s6 =	sshll.u32 @p0 s4, $0x11  }
0xaa: {  	s5 =	sor.u32 @p0 s6, s5  }
0xab: {  	[sflag:s5] =	ssyncadd.remote.s32 @p0 $0x1;
	_ =	sdelay $0x1  }
0xac: {  	s5 =	simm.s32 @p0 $0x1B8D  }
0xad: {  	_ =	swait.eq @p0 [sflag:s5], $0x1  }
0xae: {  	[sflag:s5] =	ssyncadd.s32 @p0 $0xFFFFFFFF  }
0xaf: {  	s6 =	sshll.u32 @!p0 s1, $0xE  }
0xb0: {  	s6 =	sor.u32 @!p0 $0x4000, s6;
	s5 =	simm.s32 @!p0 $0x1B8D  }
0xb1: {  	s4 =	sshll.u32 @!p0 s4, $0x11;
	s6 =	sadd.s32 @!p0 $0x11B8D, s6;
	_ =	swait.eq @!p0 [sflag:s5], $0x1  }
0xb2: {  	s4 =	sor.u32 @!p0 s4, s6;
	[sflag:s5] =	ssyncadd.s32 @!p0 $0xFFFFFFFF  }
0xb3: {  	s25 =	simm.s32 $0x1B8E;
	s24 =	sld [smem:$0x3FFE];
	[sflag:s4] =	ssyncadd.remote.s32 @!p0 $0x1  }
0xb4: {  	s26 =	simm.s32 $execute0_lowered;
	[smem:$0x3FD2] =	sst s25  }
0xb5: {  	s5 =	sshll.u32 s26, $0x1;
	_ =	strace $0x80000049;
	[dreg:$0x1] =	wrdreg $0xFFFFFFFF  }
0xb6: {  	s28 =	simm.s32 $_size_execute0_lowered;
	s3 =	sadd.s32 s3, s5;
	[dreg:$0x0] =	wrdreg $0x0  }
0xb7: {  	s5 =	sshll.u32 s28, $0x1;
	[dreg:$0x2] =	wrdreg s3  }
0xb8: {  	[dreg:$0x3] =	wrdreg s5  }
0xb9: {  	[dreg:$0x4] =	wrdreg $0xC0  }
0xba: {  	_ =	task [dreg:s22], $0x5FFFF  }
0xbb: {  	[dreg:$0x1] =	wrdreg $0xFFFFFFFF  }
0xbc: {  	[dreg:$0x0] =	wrdreg $0x60  }
0xbd: {  	[dreg:$0x2] =	wrdreg s24  }
0xbe: {  	[dreg:$0x3] =	wrdreg $0xD480  }
0xbf: {  	[dreg:$0x4] =	wrdreg $0x9  }
0xc0: {  	_ =	task.clear_ibuf [dreg:s22], $0x5FFFF;
	_ =	strace $0x90000049  }
0xc1: {  	s29 =	simm.s32 $0x9;
	_ =	strace $0x8000004B  }
0xc2: {  	_ =	swait.ge [sflag:s29], $0x1  }
0xc3: {  	[sflag:s29] =	ssyncadd.s32 $0xFFFFFFFF  }
0xc4: {  	_ =	strace $0x9000004B  }
0xc5: {  	_ =	sfence  }
0xc6: {  	s30 =	sld [smem:$0x0];
	_ =	sdelay $0x2  }
0xc7: {  	s31 =	sshll.u32 s1, $0xD;
	s1 =	sshrl.u32 s1, $0x2  }
0xc8: {  	s4 =	sand.u32 $0x4000, s31;
	s1 =	sadd.s32 s1, s30  }
0xc9: {  	s0 =	sor.u32 s4, s0;
	s1 =	sshll.u32 s1, $0x11  }
0xca: {  	s0 =	sor.u32 s1, s0  }
0xcb: {  	s0 =	sadd.s32 $0x8F2B, s0  }
0xcc: {  	[sflag:s0] =	ssyncadd.remote.s32 $0x1  }
0xcd: {  	_ =	sfence.sel $0xFFFF  }
0xce: {  	[dreg:$0x0] =	wrdreg $0xFFFFFFFF;
	(pc) =	sbr.abs _section_cstart, $3  }
0xcf: {  	[dreg:$0x1] =	wrdreg $0xFFFFFFFF  }
0xd0: {  	_ =	task.clear_ibuf [dreg:s22], $0x2FFFF;
	_ =	strace $0x9FFFFFFF  }
0xd1: {  	(tm) =	ssettm $0x7FFFFFFF  }
tec
execute0_lowered:
.L_overlay_start_1:
0x0: {  	(tag) =	ssettag $0x1  }
0x1: {  	s0 =	stileid.u32  }
0x2: {  	s1 =	srdreg.scid;
	s4 =	smul.u32 $0x2710, s0  }
0x3: {  	s6 =	rddreg [dreg:$0x0];
	s8 =	smul.u32 $0x2780, s0  }
0x4: {  	s2 =	rddreg [dreg:$0x1];
	s5 =	sand.u32 $0x1, s1;
	s10 =	smul.u32 $0x4E20, s0  }
0x5: {  	s3 =	simm.s32 $0x0;
	s1 =	rddreg [dreg:$0x2];
	s7 =	smul.u32 $0x1388, s5  }
0x6: {  	[smem:$0x7FF] =	sst s3;
	s12 =	sshll.u32 s0, $0x6;
	s9 =	smul.u32 $0x27800, s5  }
0x7: {  	_ =	strace $0x8000004A;
	s29 =	ssub.s32 $0x2, s5;
	s13 =	smul.u32 $0x2710, s5  }
0x8: {  	s5 =	sor.u32 $0x1C01, s12;
	s12 =	simm.s32 $0xC8;
	s26 =	sadd.s32 s10, s6  }
0x9: {  	s11 =	sshrl.u32 s29, $0x1;
	s30 =	sadd.s32 s8, s2;
	s4 =	sadd.s32 s7, s4  }
0xa: {  	s25 =	sadd.s32 s8, s9;
	s31 =	sadd.s32 s13, s26;
	s10 =	sshrl.u32 s30, $0x3  }
0xb: {  	s13 =	simm.s32 $0x0;
	s4 =	sshrl.u32 s4, $0x3;
	s7 =	sshrl.u32 s25, $0x3  }
0xc: {  	s8 =	sadd.s32 $0xCE1800, s31;
	s28 =	sadd.s32 s4, s6;
	s4 =	sadd.s32 $0xA7A800, s6  }
0xd: {  	s6 =	sadd.s32 s7, s6;
	s7 =	ssub.s32 s29, s11;
	s11 =	simm.s32 $0x1  }
0xe: {  	s6 =	sadd.s32 $0xA7AE00, s6;
	s7 =	smax.u32 s7, $0x1;
	s9 =	sadd.s32 $0xA75800, s28  }
.LBB2_1:
0xf: {  	[spmem:s10], [sflag:s5] =	dma.local [hbm:s4], $0x4F0  }
0x10: {  	_ =	swait.ge [sflag:s11], $0x4F0  }
0x11: {  	[sflag:s11] =	ssyncset.done $0x0  }
0x12: {  	[sflag:s11] =	ssyncadd.s32 $0xFFFFFB10  }
0x13: {  	s14 =	sadd.s32 $0x0, s9;
	[bflag:$0x0] =	sbarrier.arrive $0xFFFF  }
0x14: {  	[tilespmem:s3], [sflag:$0x1] =	stream.linear.gather [hbm4b:s14+s3], $0xC8, $0x38;
	[tilespmem:$0x34C8] =	vst v63  }
0x15: {  	_ =	swait.ge [sflag:s11], $0xC8  }
0x16: {  	[sflag:s11] =	ssyncset.done $0x0  }
0x17: {  	[sflag:s11] =	ssyncadd.s32 $0xFFFFFF38  }
0x18: {  	[tilespmem:s12], [sflag:$0x1] =	stream.linear.gather [hbm4b:s8+s3], $0xC80, $0x38;
	[tilespmem:$0x34C8] =	vst v63  }
0x19: {  	_ =	swait.ge [sflag:s11], $0xC80  }
0x1a: {  	[sflag:s11] =	ssyncset.done $0x0  }
0x1b: {  	[sflag:s11] =	ssyncadd.s32 $0xFFFFF380  }
0x1c: {  	[spmem:s2] =	stream.indirect.scatter.add.f32 [tilespmem:s12], [sflag:$0x1], $0x10, s3, s12, $0xb8;
	[tilespmem:$0x34C8] =	vst v63  }
0x1d: {  	s15 =	simm.s32 $0x19;
	_ =	swait.ge [sflag:s11], $0xC80  }
0x1e: {  	s16 =	simm.s32 $0x32;
	s14 =	sadd.s32 $0x190, s8;
	[sflag:s11] =	ssyncset.done $0x0  }
.LBB2_2:
0x1f: {  	s17 =	sadd.s32 s15, s9  }
0x20: {  	[sflag:s11] =	ssyncadd.s32 $0xFFFFF380;
	s15 =	smov.u32 s16;
	s18 =	sadd.s32 $0x19, s16  }
0x21: {  	[tilespmem:s3], [sflag:$0x1] =	stream.linear.gather [hbm4b:s17+s3], $0xC8, $0x38;
	[tilespmem:$0x34C8] =	vst v63  }
0x22: {  	p0 =	sne.s32 s16, $0x258;
	_ =	swait.ge [sflag:s11], $0xC8  }
0x23: {  	[sflag:s11] =	ssyncset.done $0x0  }
0x24: {  	[sflag:s11] =	ssyncadd.s32 $0xFFFFFF38  }
0x25: {  	[tilespmem:s12], [sflag:$0x1] =	stream.linear.gather [hbm4b:s14+s3], $0xC80, $0x38;
	[tilespmem:$0x34C8] =	vst v63  }
0x26: {  	_ =	swait.ge [sflag:s11], $0xC80  }
.Ltmp0:
0x27: {  	[sflag:s11] =	ssyncset.done $0x0;
	(pc) =	sbr.rel @p0 .LBB2_2-.Ltmp0, $4  }
0x28: {  	[sflag:s11] =	ssyncadd.s32 $0xFFFFF380  }
0x29: {  	[spmem:s2] =	stream.indirect.scatter.add.f32 [tilespmem:s12], [sflag:$0x1], $0x10, s3, s12, $0xb8;
	[tilespmem:$0x34C8] =	vst v63  }
0x2a: {  	_ =	swait.ge [sflag:s11], $0xC80  }
0x2b: {  	s16 =	smov.u32 s18;
	s14 =	sadd.s32 $0x190, s14;
	[sflag:s11] =	ssyncset.done $0x0  }
0x2c: {  	s15 =	sadd.s32 s15, s9;
	[sflag:s11] =	ssyncadd.s32 $0xFFFFF380  }
0x2d: {  	[tilespmem:s3], [sflag:$0x1] =	stream.linear.gather [hbm4b:s15+s3], $0xC8, $0x38;
	[tilespmem:$0x34C8] =	vst v63  }
0x2e: {  	_ =	swait.ge [sflag:s11], $0xC8  }
0x2f: {  	[sflag:s11] =	ssyncset.done $0x0  }
0x30: {  	[sflag:s11] =	ssyncadd.s32 $0xFFFFFF38  }
0x31: {  	[tilespmem:s12], [sflag:$0x1] =	stream.linear.gather [hbm4b:s14+s3], $0xC80, $0x38;
	[tilespmem:$0x34C8] =	vst v63  }
0x32: {  	_ =	swait.ge [sflag:s11], $0xC80  }
0x33: {  	[sflag:s11] =	ssyncset.done $0x0  }
0x34: {  	[sflag:s11] =	ssyncadd.s32 $0xFFFFF380  }
0x35: {  	[spmem:s2] =	stream.indirect.scatter.add.f32 [tilespmem:s12], [sflag:$0x1], $0x10, s3, s12, $0xb8;
	[tilespmem:$0x34C8] =	vst v63  }
0x36: {  	_ =	swait.ge [sflag:s11], $0xC80  }
0x37: {  	s13 =	sadd.s32 $0x1, s13;
	[sflag:s11] =	ssyncset.done $0x0  }
0x38: {  	p0 =	sne.s32 s13, s7;
	[sflag:s11] =	ssyncadd.s32 $0xFFFFF380  }
.Ltmp1:
0x39: {  	[bflag:$0x0] =	sbarrier.arrive $0xFFFF;
	(pc) =	sbr.rel @p0 .LBB2_1-.Ltmp1, $4  }
0x3a: {  	[hbm:s6], [sflag:s5] =	dma.local [spmem:s10], $0x4F0  }
0x3b: {  	_ =	swait.ge [sflag:s11], $0x4F0  }
0x3c: {  	[sflag:s11] =	ssyncset.done $0x0  }
0x3d: {  	[sflag:s11] =	ssyncadd.s32 $0xFFFFFB10  }
0x3e: {  	_ =	sfence.sel $0x180000  }
0x3f: {  	[bflag:$0x0] =	sbarrier.arrive $0xFFFF  }
0x40: {  	p0 =	sne.s32 s0, $0x0;
	_ =	strace $0x9000004A  }
0x41: {  	s0 =	sadd.s32 @!p0 $0x100000, s1;
	[bflag:$0x2] =	sbarrier.arrive $0xFFFF  }
0x42: {  	[sflag:s0] =	ssyncadd.tile.s32 @!p0 $0x1;
	_ =	shalt  }
.Lfunc_end2:
_tile_overlayer_lowered:
.L_overlay_start_2:
0x43: {  	(tag) =	ssettag $0x2  }
0x44: {  	s0 =	rddreg [dreg:$0x0];
	s2 =	stileid.u32  }
0x45: {  	s1 =	rddreg [dreg:$0x1];
	p0 =	sne.s32 s2, $0x0  }
0x46: {  	s3 =	rddreg [dreg:$0x2];
	[bflag:$0x3] =	sbarrier.arrive $0xFFFF;
	s2 =	simm.s32 @!p0 $0x1C01  }
0x47: {  	[timem:s3], [sflag:s2] =	dma.local @!p0 [hbm:s0], s1  }
0x48: {  	s0 =	simm.s32 @!p0 $0x1  }
0x49: {  	_ =	swait.ge @!p0 [sflag:s0], s1  }
0x4a: {  	s1 =	ssub.s32 @!p0 $0x0, s1;
	[sflag:s0] =	ssyncset.done @!p0 $0x0  }
0x4b: {  	[sflag:s0] =	ssyncadd.s32 @!p0 s1  }
0x4c: {  	[bflag:$0x3] =	sbarrier.arrive $0xFFFF  }
0x4d: {  	_ =	shalt  }

// kernel: kernel.22.cloned.1.call-start
scs
__scs_entry_jumppad:
0x0: {  	(pc) =	sbr.rel $0x88, $3  }
0x1: {  	(tag) =	ssettag $0x0;
	lr =	simm.s32 $0x1  }
0x2: {  	[smem:$0x3F83] =	sst lr;
	_ =	strace $0xD0000000  }
0x3: {  	_ = 	snop  }
0x4: {  	_ = 	snop  }
0x5: {  	_ = 	snop  }
0x6: {  	_ = 	snop  }
0x7: {  	_ = 	snop  }
__scs_overlays_trampoline_lowered:
0x8: {  	[smem:$0x3F92] =	sst s0  }
0x9: {  	[smem:$0x3F93] =	sst s1  }
0xa: {  	[smem:$0x3F94] =	sst s2  }
0xb: {  	[smem:$0x3F95] =	sst s3  }
0xc: {  	[smem:$0x3F96] =	sst s4  }
0xd: {  	[smem:$0x3F97] =	sst s5  }
0xe: {  	[smem:$0x3F98] =	sst s6  }
0xf: {  	[smem:$0x3F99] =	sst s7  }
0x10: {  	[smem:$0x3F9A] =	sst s8  }
0x11: {  	[smem:$0x3F9B] =	sst s9;
	s0 =	simm.s32 @!p0 $0x0  }
0x12: {  	s1 =	sld [smem:$0x3F81];
	s0 =	simm.s32 @p0 $0x1  }
0x13: {  	[smem:$0x3F9C] =	sst s0;
	s0 =	simm.s32 @!p1 $0x0  }
0x14: {  	s2 =	sld [smem:$0x3F80];
	s0 =	simm.s32 @p1 $0x1  }
0x15: {  	[smem:$0x3F9D] =	sst s0;
	s0 =	simm.s32 @!p2 $0x0  }
0x16: {  	s3 =	sld [smem:$0x3FDB];
	s0 =	simm.s32 @p2 $0x1  }
0x17: {  	s4 =	simm.s32 $0x1BF5;
	[smem:$0x3F9F] =	sst s0  }
0x18: {  	s0 =	sld [smem:$0x3F82];
	_ =	swait.ge [sflag:s4], $0x0  }
0x19: {  	s7 =	sld [smem:$0x3F83]  }
0x1a: {  	s8 =	sadd.s32 $0xFFFFE003, lr  }
0x1b: {  	s9 =	sadd.s32 $0xFFFFFEF7, lr;
	s5 =	simm.s32 $0xFFFFFFFF;
	p2 =	slt.u32 s8, $0xFFFFF086  }
0x1c: {  	p1 =	slt.u32 s9, $0xF7A;
	s5 =	simm.s32 @!p2 $0x0  }
0x1d: {  	s5 =	simm.s32 @p1 $0x1;
	p0 =	seq.s32 s7, s2  }
0x1e: {  	s7 =	smul.u32 @!p0 $0xF7A, s2;
	p2 =	seq.s32 @!p0 s5, $0x0  }
0x1f: {  	s9 =	smul.u32 $0xF7A, s1;
	s8 =	simm.s32 @!p0 $0x1BF5;
	p2 =	por !p2, p0  }
0x20: {  	[sflag:s8] =	ssyncset.s32 @!p0 $0xFFFFF086;
	s6 =	sadd.s32 @!p0 s3, s7;
	s7 =	simm.s32 @!p0 $0x108  }
0x21: {  	s3 =	sadd.s32 s3, s9;
	s6 =	sadd.s32 @!p0 $0x88, s6;
	s7 =	simm.s32 @p2 $0x1082  }
0x22: {  	[simem:s7], [sflag:s8] =	dma.local @!p0 [hbm:s6], $0xF7A  }
0x23: {  	s9 =	sor.u32 $0xD0000000, s2;
	s6 =	simm.s32 $0x108;
	_ =	swait.ge @!p0 [sflag:s8], $0x0  }
0x24: {  	s3 =	sadd.s32 $0x88, s3;
	s6 =	simm.s32 @!p1 $0x1082;
	[sflag:s4] =	ssyncset.s32 $0xFFFFF086  }
0x25: {  	[simem:s6], [sflag:s4] =	dma.local [hbm:s3], $0xF7A  }
0x26: {  	[smem:$0x3F83] =	sst s1;
	(tag) =	ssettag s2;
	_ =	strace s9  }
0x27: {  	s1 =	sld [smem:$0x3F93]  }
0x28: {  	s2 =	sld [smem:$0x3F94]  }
0x29: {  	s4 =	sld [smem:$0x3F96]  }
0x2a: {  	p0 =	seq.s32 s5, $0x0;
	s5 =	sld [smem:$0x3F97]  }
0x2b: {  	s6 =	sld [smem:$0x3F98]  }
0x2c: {  	s7 =	sld [smem:$0x3F99]  }
0x2d: {  	s3 =	simm.s32 $0x108;
	s8 =	sld [smem:$0x3F9A]  }
0x2e: {  	s3 =	simm.s32 @!p0 $0x1082;
	s9 =	sld [smem:$0x3F9B]  }
0x2f: {  	lr =	sadd.s32 s0, s3;
	s0 =	sld [smem:$0x3F92]  }
0x30: {  	s3 =	sld [smem:$0x3F95]  }
0x31: {  	[smem:$0x3F9E] =	sst s10  }
0x32: {  	s10 =	sld [smem:$0x3F9C];
	_ =	sdelay $0x3  }
0x33: {  	p0 =	seq.s32 s10, $0x1;
	s10 =	sld [smem:$0x3F9E];
	_ =	sdelay $0x3  }
0x34: {  	[smem:$0x3F9E] =	sst s10  }
0x35: {  	s10 =	sld [smem:$0x3F9D];
	_ =	sdelay $0x3  }
0x36: {  	p1 =	seq.s32 s10, $0x1;
	s10 =	sld [smem:$0x3F9E];
	_ =	sdelay $0x3  }
0x37: {  	[smem:$0x3F9E] =	sst s10  }
0x38: {  	s10 =	sld [smem:$0x3F9F]  }
0x39: {  	_ = 	snop;
	(pc) =	sbr.ind lr, $3  }
0x3a: {  	_ = 	snop  }
0x3b: {  	_ = 	snop  }
0x3c: {  	p2 =	seq.s32 s10, $0x1;
	s10 =	sld [smem:$0x3F9E]  }
0x3d: {  	_ =	shalt  }
0x3e: {  	_ =	shalt  }
0x3f: {  	_ =	shalt  }
0x40: {  	_ =	shalt  }
0x41: {  	_ =	shalt  }
0x42: {  	_ =	shalt  }
0x43: {  	_ =	shalt  }
0x44: {  	_ =	shalt  }
0x45: {  	_ =	shalt  }
0x46: {  	_ =	shalt  }
0x47: {  	_ =	shalt  }
0x48: {  	_ =	shalt  }
0x49: {  	_ =	shalt  }
0x4a: {  	_ =	shalt  }
0x4b: {  	_ =	shalt  }
0x4c: {  	_ =	shalt  }
0x4d: {  	_ =	shalt  }
0x4e: {  	_ =	shalt  }
0x4f: {  	_ =	shalt  }
0x50: {  	_ =	shalt  }
0x51: {  	_ =	shalt  }
0x52: {  	_ =	shalt  }
0x53: {  	_ =	shalt  }
0x54: {  	_ =	shalt  }
0x55: {  	_ =	shalt  }
0x56: {  	_ =	shalt  }
0x57: {  	_ =	shalt  }
0x58: {  	_ =	shalt  }
0x59: {  	_ =	shalt  }
0x5a: {  	_ =	shalt  }
0x5b: {  	_ =	shalt  }
0x5c: {  	_ =	shalt  }
0x5d: {  	_ =	shalt  }
0x5e: {  	_ =	shalt  }
0x5f: {  	_ =	shalt  }
0x60: {  	_ =	shalt  }
0x61: {  	_ =	shalt  }
0x62: {  	_ =	shalt  }
0x63: {  	_ =	shalt  }
0x64: {  	_ =	shalt  }
0x65: {  	_ =	shalt  }
0x66: {  	_ =	shalt  }
0x67: {  	_ =	shalt  }
0x68: {  	_ =	shalt  }
0x69: {  	_ =	shalt  }
0x6a: {  	_ =	shalt  }
0x6b: {  	_ =	shalt  }
0x6c: {  	_ =	shalt  }
0x6d: {  	_ =	shalt  }
0x6e: {  	_ =	shalt  }
0x6f: {  	_ =	shalt  }
0x70: {  	_ =	shalt  }
0x71: {  	_ =	shalt  }
0x72: {  	_ =	shalt  }
0x73: {  	_ =	shalt  }
0x74: {  	_ =	shalt  }
0x75: {  	_ =	shalt  }
0x76: {  	_ =	shalt  }
0x77: {  	_ =	shalt  }
0x78: {  	_ =	shalt  }
0x79: {  	_ =	shalt  }
0x7a: {  	_ =	shalt  }
0x7b: {  	_ =	shalt  }
0x7c: {  	_ =	shalt  }
0x7d: {  	_ =	shalt  }
0x7e: {  	_ =	shalt  }
0x7f: {  	_ =	shalt  }
0x80: {  	_ =	shalt  }
0x81: {  	_ =	shalt  }
0x82: {  	_ =	shalt  }
0x83: {  	_ =	shalt  }
0x84: {  	_ =	shalt  }
0x85: {  	_ =	shalt  }
0x86: {  	_ =	shalt  }
0x87: {  	_ =	shalt  }
.Lfunc_end0:
.L_simem_size_0:
called_computation.2_lowered:
.L_overlay_start_0:
0x88: {  	s2 =	sld [smem:$0x3FD9]  }
0x89: {  	s3 =	sld [smem:$0x3FFE];
	_ =	sdelay $0x1  }
0x8a: {  	s1 =	srdreg.scid  }
0x8b: {  	s0 =	sand.u32 $0x1, s1  }
0x8c: {  	s17 =	sshll.u32 s0, $0xA;
	s2 =	sadd.s32 s3, s2  }
0x8d: {  	s2 =	sadd.s32 s2, s17  }
0x8e: {  	[smem:$0x3FAA] =	sst s2  }
0x8f: {  	_ = 	snop  }
0x90: {  	(tm) =	ssettm $0x1  }
0x91: {  	s18 =	sld [smem:$0x3FFB];
	_ =	sdelay $0x3  }
0x92: {  	_ =	strace s18  }
0x93: {  	s2 =	sld [smem:$0x3FFC];
	_ =	sdelay $0x3  }
0x94: {  	_ =	strace s2  }
0x95: {  	s2 =	sld [smem:$0x3FFD];
	_ =	sdelay $0x3  }
0x96: {  	_ =	strace s2  }
0x97: {  	_ =	strace $0x8FFFFFFF  }
0x98: {  	s19 =	sld [smem:$0x3FDB];
	_ =	sdelay $0x1  }
0x99: {  	s20 =	simm.s32 $_scs_section_size  }
0x9a: {  	s4 =	simm.s32 $_size__tile_overlayer_lowered;
	s5 =	simm.s32 $_tile_overlayer_lowered  }
0x9b: {  	s6 =	simm.s32 $0x1BFF;
	s21 =	sshll.u32 s5, $0x1;
	s3 =	sadd.s32 s20, s19  }
0x9c: {  	s22 =	simm.s32 $0x0;
	s4 =	sshll.u32 s4, $0x1;
	s5 =	sadd.s32 s21, s3  }
0x9d: {  	[timem:s22], [sflag:s6] =	dma.local [hbm:s5], s4  }
0x9e: {  	_ =	swait.ge [sflag:s6], s4  }
0x9f: {  	s4 =	ssub.s32 $0x0, s4;
	[sflag:s6] =	ssyncset.done $0x0  }
0xa0: {  	[sflag:s6] =	ssyncadd.s32 s4;
	_ =	sdelay $0x1  }
0xa1: {  	s23 =	simm.s32 $0x1B8B  }
0xa2: {  	_ =	swait.ge [sflag:s23], $0x1  }
0xa3: {  	[sflag:s23] =	ssyncset.done $0x0  }
0xa4: {  	[sflag:s23] =	ssyncadd.s32 $0xFFFFFFFF  }
0xa5: {  	s4 =	sld [smem:$0x0]  }
0xa6: {  	s5 =	sand.u32 $0xFFFFFFFE, s1  }
0xa7: {  	p0 =	sne.s32 s1, s5  }
0xa8: {  	s5 =	sshll.u32 @p0 s5, $0xE  }
0xa9: {  	s5 =	sadd.s32 @p0 $0x11B8D, s5;
	s6 =	sshll.u32 @p0 s4, $0x11  }
0xaa: {  	s5 =	sor.u32 @p0 s6, s5  }
0xab: {  	[sflag:s5] =	ssyncadd.remote.s32 @p0 $0x1;
	_ =	sdelay $0x1  }
0xac: {  	s5 =	simm.s32 @p0 $0x1B8D  }
0xad: {  	_ =	swait.eq @p0 [sflag:s5], $0x1  }
0xae: {  	[sflag:s5] =	ssyncadd.s32 @p0 $0xFFFFFFFF  }
0xaf: {  	s6 =	sshll.u32 @!p0 s1, $0xE  }
0xb0: {  	s6 =	sor.u32 @!p0 $0x4000, s6;
	s5 =	simm.s32 @!p0 $0x1B8D  }
0xb1: {  	s4 =	sshll.u32 @!p0 s4, $0x11;
	s6 =	sadd.s32 @!p0 $0x11B8D, s6;
	_ =	swait.eq @!p0 [sflag:s5], $0x1  }
0xb2: {  	s4 =	sor.u32 @!p0 s4, s6;
	[sflag:s5] =	ssyncadd.s32 @!p0 $0xFFFFFFFF  }
0xb3: {  	s25 =	simm.s32 $0x1B8E;
	s24 =	sld [smem:$0x3FFE];
	[sflag:s4] =	ssyncadd.remote.s32 @!p0 $0x1  }
0xb4: {  	s26 =	simm.s32 $execute0_lowered;
	[smem:$0x3FD2] =	sst s25  }
0xb5: {  	s5 =	sshll.u32 s26, $0x1;
	_ =	strace $0x8000004C;
	[dreg:$0x1] =	wrdreg $0xFFFFFFFF  }
0xb6: {  	s28 =	simm.s32 $_size_execute0_lowered;
	s3 =	sadd.s32 s3, s5;
	[dreg:$0x0] =	wrdreg $0x0  }
0xb7: {  	s5 =	sshll.u32 s28, $0x1;
	[dreg:$0x2] =	wrdreg s3  }
0xb8: {  	[dreg:$0x3] =	wrdreg s5  }
0xb9: {  	[dreg:$0x4] =	wrdreg $0xC0  }
0xba: {  	_ =	task [dreg:s22], $0x5FFFF  }
0xbb: {  	[dreg:$0x1] =	wrdreg $0xFFFFFFFF  }
0xbc: {  	[dreg:$0x0] =	wrdreg $0x60  }
0xbd: {  	[dreg:$0x2] =	wrdreg s24  }
0xbe: {  	[dreg:$0x3] =	wrdreg $0x71480  }
0xbf: {  	[dreg:$0x4] =	wrdreg $0xA  }
0xc0: {  	_ =	task.clear_ibuf [dreg:s22], $0x5FFFF;
	_ =	strace $0x9000004C  }
0xc1: {  	s29 =	simm.s32 $0xA;
	_ =	strace $0x8000004E  }
0xc2: {  	_ =	swait.ge [sflag:s29], $0x1  }
0xc3: {  	[sflag:s29] =	ssyncadd.s32 $0xFFFFFFFF  }
0xc4: {  	_ =	strace $0x9000004E  }
0xc5: {  	_ =	sfence  }
0xc6: {  	s30 =	sld [smem:$0x0];
	_ =	sdelay $0x2  }
0xc7: {  	s31 =	sshll.u32 s1, $0xD;
	s1 =	sshrl.u32 s1, $0x2  }
0xc8: {  	s4 =	sand.u32 $0x4000, s31;
	s1 =	sadd.s32 s1, s30  }
0xc9: {  	s0 =	sor.u32 s4, s0;
	s1 =	sshll.u32 s1, $0x11  }
0xca: {  	s0 =	sor.u32 s1, s0  }
0xcb: {  	s0 =	sadd.s32 $0x8F2B, s0  }
0xcc: {  	[sflag:s0] =	ssyncadd.remote.s32 $0x1  }
0xcd: {  	_ =	sfence.sel $0xFFFF  }
0xce: {  	[dreg:$0x0] =	wrdreg $0xFFFFFFFF;
	(pc) =	sbr.abs _section_cstart, $3  }
0xcf: {  	[dreg:$0x1] =	wrdreg $0xFFFFFFFF  }
0xd0: {  	_ =	task.clear_ibuf [dreg:s22], $0x2FFFF;
	_ =	strace $0x9FFFFFFF  }
0xd1: {  	(tm) =	ssettm $0x7FFFFFFF  }
tec
execute0_lowered:
.L_overlay_start_1:
0x0: {  	(tag) =	ssettag $0x1  }
0x1: {  	s0 =	stileid.u32  }
0x2: {  	s1 =	srdreg.scid;
	s4 =	smul.u32 $0x2710, s0  }
0x3: {  	s6 =	rddreg [dreg:$0x0];
	s8 =	smul.u32 $0x16380, s0  }
0x4: {  	s2 =	rddreg [dreg:$0x1];
	s5 =	sand.u32 $0x1, s1;
	s10 =	smul.u32 $0x2BF20, s0  }
0x5: {  	s3 =	simm.s32 $0x0;
	s1 =	rddreg [dreg:$0x2];
	s7 =	smul.u32 $0x1388, s5  }
0x6: {  	[smem:$0x7FF] =	sst s3;
	s12 =	sshll.u32 s0, $0x6;
	s9 =	smul.u32 $0x163800, s5  }
0x7: {  	_ =	strace $0x8000004D;
	s29 =	ssub.s32 $0x2, s5;
	s13 =	smul.u32 $0x15F90, s5  }
0x8: {  	s5 =	sor.u32 $0x1C01, s12;
	s12 =	simm.s32 $0xC8;
	s26 =	sadd.s32 s10, s6  }
0x9: {  	s11 =	sshrl.u32 s29, $0x1;
	s30 =	sadd.s32 s8, s2;
	s4 =	sadd.s32 s7, s4  }
0xa: {  	s25 =	sadd.s32 s8, s9;
	s31 =	sadd.s32 s13, s26;
	s10 =	sshrl.u32 s30, $0x3  }
0xb: {  	s13 =	simm.s32 $0x0;
	s4 =	sshrl.u32 s4, $0x3;
	s7 =	sshrl.u32 s25, $0x3  }
0xc: {  	s8 =	sadd.s32 $0xD2FA00, s31;
	s28 =	sadd.s32 s4, s6;
	s4 =	sadd.s32 $0x6000, s6  }
0xd: {  	s6 =	sadd.s32 s7, s6;
	s7 =	ssub.s32 s29, s11;
	s11 =	simm.s32 $0x1  }
0xe: {  	s6 =	sadd.s32 $0xA84C00, s6;
	s7 =	smax.u32 s7, $0x1;
	s9 =	sadd.s32 $0x32200, s28  }
.LBB2_1:
0xf: {  	[spmem:s10], [sflag:s5] =	dma.local [hbm:s4], $0x2C70  }
0x10: {  	_ =	swait.ge [sflag:s11], $0x2C70  }
0x11: {  	[sflag:s11] =	ssyncset.done $0x0  }
0x12: {  	[sflag:s11] =	ssyncadd.s32 $0xFFFFD390  }
0x13: {  	s14 =	sadd.s32 $0x0, s9;
	[bflag:$0x0] =	sbarrier.arrive $0xFFFF  }
0x14: {  	[tilespmem:s3], [sflag:$0x1] =	stream.linear.gather [hbm4b:s14+s3], $0xC8, $0x38;
	[tilespmem:$0x1D4C8] =	vst v63  }
0x15: {  	_ =	swait.ge [sflag:s11], $0xC8  }
0x16: {  	[sflag:s11] =	ssyncset.done $0x0  }
0x17: {  	[sflag:s11] =	ssyncadd.s32 $0xFFFFFF38  }
0x18: {  	[tilespmem:s12], [sflag:$0x1] =	stream.linear.gather [hbm4b:s8+s3], $0x7080, $0x38;
	[tilespmem:$0x1D4C8] =	vst v63  }
0x19: {  	_ =	swait.ge [sflag:s11], $0x7080  }
0x1a: {  	[sflag:s11] =	ssyncset.done $0x0  }
0x1b: {  	[sflag:s11] =	ssyncadd.s32 $0xFFFF8F80  }
0x1c: {  	[spmem:s2] =	stream.indirect.scatter.add.f32 [tilespmem:s12], [sflag:$0x1], $0x90, s3, s12, $0xb8;
	[tilespmem:$0x1D4C8] =	vst v63  }
0x1d: {  	s15 =	simm.s32 $0x19;
	_ =	swait.ge [sflag:s11], $0x7080  }
0x1e: {  	s16 =	simm.s32 $0x32;
	s14 =	sadd.s32 $0xE10, s8;
	[sflag:s11] =	ssyncset.done $0x0  }
.LBB2_2:
0x1f: {  	s17 =	sadd.s32 s15, s9  }
0x20: {  	[sflag:s11] =	ssyncadd.s32 $0xFFFF8F80;
	s15 =	smov.u32 s16;
	s18 =	sadd.s32 $0x19, s16  }
0x21: {  	[tilespmem:s3], [sflag:$0x1] =	stream.linear.gather [hbm4b:s17+s3], $0xC8, $0x38;
	[tilespmem:$0x1D4C8] =	vst v63  }
0x22: {  	p0 =	sne.s32 s16, $0x258;
	_ =	swait.ge [sflag:s11], $0xC8  }
0x23: {  	[sflag:s11] =	ssyncset.done $0x0  }
0x24: {  	[sflag:s11] =	ssyncadd.s32 $0xFFFFFF38  }
0x25: {  	[tilespmem:s12], [sflag:$0x1] =	stream.linear.gather [hbm4b:s14+s3], $0x7080, $0x38;
	[tilespmem:$0x1D4C8] =	vst v63  }
0x26: {  	_ =	swait.ge [sflag:s11], $0x7080  }
.Ltmp0:
0x27: {  	[sflag:s11] =	ssyncset.done $0x0;
	(pc) =	sbr.rel @p0 .LBB2_2-.Ltmp0, $4  }
0x28: {  	[sflag:s11] =	ssyncadd.s32 $0xFFFF8F80  }
0x29: {  	[spmem:s2] =	stream.indirect.scatter.add.f32 [tilespmem:s12], [sflag:$0x1], $0x90, s3, s12, $0xb8;
	[tilespmem:$0x1D4C8] =	vst v63  }
0x2a: {  	_ =	swait.ge [sflag:s11], $0x7080  }
0x2b: {  	s16 =	smov.u32 s18;
	s14 =	sadd.s32 $0xE10, s14;
	[sflag:s11] =	ssyncset.done $0x0  }
0x2c: {  	s15 =	sadd.s32 s15, s9;
	[sflag:s11] =	ssyncadd.s32 $0xFFFF8F80  }
0x2d: {  	[tilespmem:s3], [sflag:$0x1] =	stream.linear.gather [hbm4b:s15+s3], $0xC8, $0x38;
	[tilespmem:$0x1D4C8] =	vst v63  }
0x2e: {  	_ =	swait.ge [sflag:s11], $0xC8  }
0x2f: {  	[sflag:s11] =	ssyncset.done $0x0  }
0x30: {  	[sflag:s11] =	ssyncadd.s32 $0xFFFFFF38  }
0x31: {  	[tilespmem:s12], [sflag:$0x1] =	stream.linear.gather [hbm4b:s14+s3], $0x7080, $0x38;
	[tilespmem:$0x1D4C8] =	vst v63  }
0x32: {  	_ =	swait.ge [sflag:s11], $0x7080  }
0x33: {  	[sflag:s11] =	ssyncset.done $0x0  }
0x34: {  	[sflag:s11] =	ssyncadd.s32 $0xFFFF8F80  }
0x35: {  	[spmem:s2] =	stream.indirect.scatter.add.f32 [tilespmem:s12], [sflag:$0x1], $0x90, s3, s12, $0xb8;
	[tilespmem:$0x1D4C8] =	vst v63  }
0x36: {  	_ =	swait.ge [sflag:s11], $0x7080  }
0x37: {  	s13 =	sadd.s32 $0x1, s13;
	[sflag:s11] =	ssyncset.done $0x0  }
0x38: {  	p0 =	sne.s32 s13, s7;
	[sflag:s11] =	ssyncadd.s32 $0xFFFF8F80  }
.Ltmp1:
0x39: {  	[bflag:$0x0] =	sbarrier.arrive $0xFFFF;
	(pc) =	sbr.rel @p0 .LBB2_1-.Ltmp1, $4  }
0x3a: {  	[hbm:s6], [sflag:s5] =	dma.local [spmem:s10], $0x2C70  }
0x3b: {  	_ =	swait.ge [sflag:s11], $0x2C70  }
0x3c: {  	[sflag:s11] =	ssyncset.done $0x0  }
0x3d: {  	[sflag:s11] =	ssyncadd.s32 $0xFFFFD390  }
0x3e: {  	_ =	sfence.sel $0x180000  }
0x3f: {  	[bflag:$0x0] =	sbarrier.arrive $0xFFFF  }
0x40: {  	p0 =	sne.s32 s0, $0x0;
	_ =	strace $0x9000004D  }
0x41: {  	s0 =	sadd.s32 @!p0 $0x100000, s1;
	[bflag:$0x2] =	sbarrier.arrive $0xFFFF  }
0x42: {  	[sflag:s0] =	ssyncadd.tile.s32 @!p0 $0x1;
	_ =	shalt  }
.Lfunc_end2:
_tile_overlayer_lowered:
.L_overlay_start_2:
0x43: {  	(tag) =	ssettag $0x2  }
0x44: {  	s0 =	rddreg [dreg:$0x0];
	s2 =	stileid.u32  }
0x45: {  	s1 =	rddreg [dreg:$0x1];
	p0 =	sne.s32 s2, $0x0  }
0x46: {  	s3 =	rddreg [dreg:$0x2];
	[bflag:$0x3] =	sbarrier.arrive $0xFFFF;
	s2 =	simm.s32 @!p0 $0x1C01  }
0x47: {  	[timem:s3], [sflag:s2] =	dma.local @!p0 [hbm:s0], s1  }
0x48: {  	s0 =	simm.s32 @!p0 $0x1  }
0x49: {  	_ =	swait.ge @!p0 [sflag:s0], s1  }
0x4a: {  	s1 =	ssub.s32 @!p0 $0x0, s1;
	[sflag:s0] =	ssyncset.done @!p0 $0x0  }
0x4b: {  	[sflag:s0] =	ssyncadd.s32 @!p0 s1  }
0x4c: {  	[bflag:$0x3] =	sbarrier.arrive $0xFFFF  }
0x4d: {  	_ =	shalt  }

// kernel: kernel.25.cloned.1.call-start
scs
__scs_entry_jumppad:
0x0: {  	(pc) =	sbr.rel $0x88, $3  }
0x1: {  	(tag) =	ssettag $0x0;
	lr =	simm.s32 $0x1  }
0x2: {  	[smem:$0x3F83] =	sst lr;
	_ =	strace $0xD0000000  }
0x3: {  	_ = 	snop  }
0x4: {  	_ = 	snop  }
0x5: {  	_ = 	snop  }
0x6: {  	_ = 	snop  }
0x7: {  	_ = 	snop  }
__scs_overlays_trampoline_lowered:
0x8: {  	[smem:$0x3F92] =	sst s0  }
0x9: {  	[smem:$0x3F93] =	sst s1  }
0xa: {  	[smem:$0x3F94] =	sst s2  }
0xb: {  	[smem:$0x3F95] =	sst s3  }
0xc: {  	[smem:$0x3F96] =	sst s4  }
0xd: {  	[smem:$0x3F97] =	sst s5  }
0xe: {  	[smem:$0x3F98] =	sst s6  }
0xf: {  	[smem:$0x3F99] =	sst s7  }
0x10: {  	[smem:$0x3F9A] =	sst s8  }
0x11: {  	[smem:$0x3F9B] =	sst s9;
	s0 =	simm.s32 @!p0 $0x0  }
0x12: {  	s1 =	sld [smem:$0x3F81];
	s0 =	simm.s32 @p0 $0x1  }
0x13: {  	[smem:$0x3F9C] =	sst s0;
	s0 =	simm.s32 @!p1 $0x0  }
0x14: {  	s2 =	sld [smem:$0x3F80];
	s0 =	simm.s32 @p1 $0x1  }
0x15: {  	[smem:$0x3F9D] =	sst s0;
	s0 =	simm.s32 @!p2 $0x0  }
0x16: {  	s3 =	sld [smem:$0x3FDB];
	s0 =	simm.s32 @p2 $0x1  }
0x17: {  	s4 =	simm.s32 $0x1BF5;
	[smem:$0x3F9F] =	sst s0  }
0x18: {  	s0 =	sld [smem:$0x3F82];
	_ =	swait.ge [sflag:s4], $0x0  }
0x19: {  	s7 =	sld [smem:$0x3F83]  }
0x1a: {  	s8 =	sadd.s32 $0xFFFFE003, lr  }
0x1b: {  	s9 =	sadd.s32 $0xFFFFFEF7, lr;
	s5 =	simm.s32 $0xFFFFFFFF;
	p2 =	slt.u32 s8, $0xFFFFF086  }
0x1c: {  	p1 =	slt.u32 s9, $0xF7A;
	s5 =	simm.s32 @!p2 $0x0  }
0x1d: {  	s5 =	simm.s32 @p1 $0x1;
	p0 =	seq.s32 s7, s2  }
0x1e: {  	s7 =	smul.u32 @!p0 $0xF7A, s2;
	p2 =	seq.s32 @!p0 s5, $0x0  }
0x1f: {  	s9 =	smul.u32 $0xF7A, s1;
	s8 =	simm.s32 @!p0 $0x1BF5;
	p2 =	por !p2, p0  }
0x20: {  	[sflag:s8] =	ssyncset.s32 @!p0 $0xFFFFF086;
	s6 =	sadd.s32 @!p0 s3, s7;
	s7 =	simm.s32 @!p0 $0x108  }
0x21: {  	s3 =	sadd.s32 s3, s9;
	s6 =	sadd.s32 @!p0 $0x88, s6;
	s7 =	simm.s32 @p2 $0x1082  }
0x22: {  	[simem:s7], [sflag:s8] =	dma.local @!p0 [hbm:s6], $0xF7A  }
0x23: {  	s9 =	sor.u32 $0xD0000000, s2;
	s6 =	simm.s32 $0x108;
	_ =	swait.ge @!p0 [sflag:s8], $0x0  }
0x24: {  	s3 =	sadd.s32 $0x88, s3;
	s6 =	simm.s32 @!p1 $0x1082;
	[sflag:s4] =	ssyncset.s32 $0xFFFFF086  }
0x25: {  	[simem:s6], [sflag:s4] =	dma.local [hbm:s3], $0xF7A  }
0x26: {  	[smem:$0x3F83] =	sst s1;
	(tag) =	ssettag s2;
	_ =	strace s9  }
0x27: {  	s1 =	sld [smem:$0x3F93]  }
0x28: {  	s2 =	sld [smem:$0x3F94]  }
0x29: {  	s4 =	sld [smem:$0x3F96]  }
0x2a: {  	p0 =	seq.s32 s5, $0x0;
	s5 =	sld [smem:$0x3F97]  }
0x2b: {  	s6 =	sld [smem:$0x3F98]  }
0x2c: {  	s7 =	sld [smem:$0x3F99]  }
0x2d: {  	s3 =	simm.s32 $0x108;
	s8 =	sld [smem:$0x3F9A]  }
0x2e: {  	s3 =	simm.s32 @!p0 $0x1082;
	s9 =	sld [smem:$0x3F9B]  }
0x2f: {  	lr =	sadd.s32 s0, s3;
	s0 =	sld [smem:$0x3F92]  }
0x30: {  	s3 =	sld [smem:$0x3F95]  }
0x31: {  	[smem:$0x3F9E] =	sst s10  }
0x32: {  	s10 =	sld [smem:$0x3F9C];
	_ =	sdelay $0x3  }
0x33: {  	p0 =	seq.s32 s10, $0x1;
	s10 =	sld [smem:$0x3F9E];
	_ =	sdelay $0x3  }
0x34: {  	[smem:$0x3F9E] =	sst s10  }
0x35: {  	s10 =	sld [smem:$0x3F9D];
	_ =	sdelay $0x3  }
0x36: {  	p1 =	seq.s32 s10, $0x1;
	s10 =	sld [smem:$0x3F9E];
	_ =	sdelay $0x3  }
0x37: {  	[smem:$0x3F9E] =	sst s10  }
0x38: {  	s10 =	sld [smem:$0x3F9F]  }
0x39: {  	_ = 	snop;
	(pc) =	sbr.ind lr, $3  }
0x3a: {  	_ = 	snop  }
0x3b: {  	_ = 	snop  }
0x3c: {  	p2 =	seq.s32 s10, $0x1;
	s10 =	sld [smem:$0x3F9E]  }
0x3d: {  	_ =	shalt  }
0x3e: {  	_ =	shalt  }
0x3f: {  	_ =	shalt  }
0x40: {  	_ =	shalt  }
0x41: {  	_ =	shalt  }
0x42: {  	_ =	shalt  }
0x43: {  	_ =	shalt  }
0x44: {  	_ =	shalt  }
0x45: {  	_ =	shalt  }
0x46: {  	_ =	shalt  }
0x47: {  	_ =	shalt  }
0x48: {  	_ =	shalt  }
0x49: {  	_ =	shalt  }
0x4a: {  	_ =	shalt  }
0x4b: {  	_ =	shalt  }
0x4c: {  	_ =	shalt  }
0x4d: {  	_ =	shalt  }
0x4e: {  	_ =	shalt  }
0x4f: {  	_ =	shalt  }
0x50: {  	_ =	shalt  }
0x51: {  	_ =	shalt  }
0x52: {  	_ =	shalt  }
0x53: {  	_ =	shalt  }
0x54: {  	_ =	shalt  }
0x55: {  	_ =	shalt  }
0x56: {  	_ =	shalt  }
0x57: {  	_ =	shalt  }
0x58: {  	_ =	shalt  }
0x59: {  	_ =	shalt  }
0x5a: {  	_ =	shalt  }
0x5b: {  	_ =	shalt  }
0x5c: {  	_ =	shalt  }
0x5d: {  	_ =	shalt  }
0x5e: {  	_ =	shalt  }
0x5f: {  	_ =	shalt  }
0x60: {  	_ =	shalt  }
0x61: {  	_ =	shalt  }
0x62: {  	_ =	shalt  }
0x63: {  	_ =	shalt  }
0x64: {  	_ =	shalt  }
0x65: {  	_ =	shalt  }
0x66: {  	_ =	shalt  }
0x67: {  	_ =	shalt  }
0x68: {  	_ =	shalt  }
0x69: {  	_ =	shalt  }
0x6a: {  	_ =	shalt  }
0x6b: {  	_ =	shalt  }
0x6c: {  	_ =	shalt  }
0x6d: {  	_ =	shalt  }
0x6e: {  	_ =	shalt  }
0x6f: {  	_ =	shalt  }
0x70: {  	_ =	shalt  }
0x71: {  	_ =	shalt  }
0x72: {  	_ =	shalt  }
0x73: {  	_ =	shalt  }
0x74: {  	_ =	shalt  }
0x75: {  	_ =	shalt  }
0x76: {  	_ =	shalt  }
0x77: {  	_ =	shalt  }
0x78: {  	_ =	shalt  }
0x79: {  	_ =	shalt  }
0x7a: {  	_ =	shalt  }
0x7b: {  	_ =	shalt  }
0x7c: {  	_ =	shalt  }
0x7d: {  	_ =	shalt  }
0x7e: {  	_ =	shalt  }
0x7f: {  	_ =	shalt  }
0x80: {  	_ =	shalt  }
0x81: {  	_ =	shalt  }
0x82: {  	_ =	shalt  }
0x83: {  	_ =	shalt  }
0x84: {  	_ =	shalt  }
0x85: {  	_ =	shalt  }
0x86: {  	_ =	shalt  }
0x87: {  	_ =	shalt  }
.Lfunc_end0:
.L_simem_size_0:
called_computation.3_lowered:
.L_overlay_start_0:
0x88: {  	s2 =	sld [smem:$0x3FD9]  }
0x89: {  	s3 =	sld [smem:$0x3FFE];
	_ =	sdelay $0x1  }
0x8a: {  	s1 =	srdreg.scid  }
0x8b: {  	s0 =	sand.u32 $0x1, s1  }
0x8c: {  	s16 =	sshll.u32 s0, $0xA;
	s2 =	sadd.s32 s3, s2  }
0x8d: {  	s2 =	sadd.s32 s2, s16  }
0x8e: {  	[smem:$0x3FAA] =	sst s2  }
0x8f: {  	_ = 	snop  }
0x90: {  	(tm) =	ssettm $0x1  }
0x91: {  	s17 =	sld [smem:$0x3FFB];
	_ =	sdelay $0x3  }
0x92: {  	_ =	strace s17  }
0x93: {  	s2 =	sld [smem:$0x3FFC];
	_ =	sdelay $0x3  }
0x94: {  	_ =	strace s2  }
0x95: {  	s2 =	sld [smem:$0x3FFD];
	_ =	sdelay $0x3  }
0x96: {  	_ =	strace s2  }
0x97: {  	_ =	strace $0x8FFFFFFF  }
0x98: {  	s18 =	sld [smem:$0x3FDB];
	_ =	sdelay $0x1  }
0x99: {  	s19 =	simm.s32 $_scs_section_size  }
0x9a: {  	s4 =	simm.s32 $_size__tile_overlayer_lowered;
	s5 =	simm.s32 $_tile_overlayer_lowered  }
0x9b: {  	s22 =	simm.s32 $0x1BFF;
	s21 =	sshll.u32 s5, $0x1;
	s2 =	sadd.s32 s19, s18  }
0x9c: {  	s6 =	simm.s32 $0x0;
	s20 =	sshll.u32 s4, $0x1;
	s4 =	sadd.s32 s21, s2  }
0x9d: {  	[timem:s6], [sflag:s22] =	dma.local [hbm:s4], s20  }
0x9e: {  	_ =	swait.ge [sflag:s22], s20  }
0x9f: {  	s3 =	ssub.s32 $0x0, s20;
	[sflag:s22] =	ssyncset.done $0x0  }
0xa0: {  	[sflag:s22] =	ssyncadd.s32 s3;
	_ =	sdelay $0x1  }
0xa1: {  	s23 =	simm.s32 $0x1B8B  }
0xa2: {  	_ =	swait.ge [sflag:s23], $0x1  }
0xa3: {  	[sflag:s23] =	ssyncset.done $0x0  }
0xa4: {  	s25 =	simm.s32 $0x1B8E;
	s24 =	sld [smem:$0x3FFE];
	[sflag:s23] =	ssyncadd.s32 $0xFFFFFFFF  }
0xa5: {  	s26 =	simm.s32 $execute0_lowered;
	[smem:$0x3FD2] =	sst s25  }
0xa6: {  	s4 =	sshll.u32 s26, $0x1;
	_ =	strace $0x8000004F;
	[dreg:$0x1] =	wrdreg $0xFFFFFFFF  }
0xa7: {  	s28 =	simm.s32 $_size_execute0_lowered;
	s2 =	sadd.s32 s2, s4;
	[dreg:$0x0] =	wrdreg $0x0  }
0xa8: {  	s4 =	sshll.u32 s28, $0x1;
	[dreg:$0x2] =	wrdreg s2  }
0xa9: {  	[dreg:$0x3] =	wrdreg s4  }
0xaa: {  	[dreg:$0x4] =	wrdreg $0xC0  }
0xab: {  	_ =	task [dreg:s6], $0x5FFFF  }
0xac: {  	[dreg:$0x1] =	wrdreg $0xFFFFFFFF  }
0xad: {  	[dreg:$0x0] =	wrdreg $0x60  }
0xae: {  	[dreg:$0x2] =	wrdreg s24  }
0xaf: {  	[dreg:$0x3] =	wrdreg $0x9  }
0xb0: {  	_ =	task.clear_ibuf [dreg:s6], $0x4FFFF;
	_ =	strace $0x9000004F  }
0xb1: {  	s29 =	simm.s32 $0x9;
	_ =	strace $0x80000051  }
0xb2: {  	_ =	swait.ge [sflag:s29], $0x1  }
0xb3: {  	[sflag:s29] =	ssyncadd.s32 $0xFFFFFFFF  }
0xb4: {  	_ =	strace $0x90000051  }
0xb5: {  	_ =	sfence  }
0xb6: {  	s30 =	sld [smem:$0x0];
	_ =	sdelay $0x2  }
0xb7: {  	s31 =	sshll.u32 s1, $0xD;
	s1 =	sshrl.u32 s1, $0x2  }
0xb8: {  	s3 =	sand.u32 $0x4000, s31;
	s1 =	sadd.s32 s1, s30  }
0xb9: {  	s0 =	sor.u32 s3, s0;
	s1 =	sshll.u32 s1, $0x11  }
0xba: {  	s0 =	sor.u32 s1, s0  }
0xbb: {  	s0 =	sadd.s32 $0x8F2B, s0  }
0xbc: {  	[sflag:s0] =	ssyncadd.remote.s32 $0x1  }
0xbd: {  	_ =	sfence.sel $0xFFFF  }
0xbe: {  	[dreg:$0x0] =	wrdreg $0xFFFFFFFF;
	(pc) =	sbr.abs _section_cstart, $3  }
0xbf: {  	[dreg:$0x1] =	wrdreg $0xFFFFFFFF  }
0xc0: {  	_ =	task.clear_ibuf [dreg:s6], $0x2FFFF;
	_ =	strace $0x9FFFFFFF  }
0xc1: {  	(tm) =	ssettm $0x7FFFFFFF  }
tec
execute0_lowered:
.L_overlay_start_1:
0x0: {  	(tag) =	ssettag $0x1  }
0x1: {  	s4 =	rddreg [dreg:$0x0]  }
0x2: {  	s0 =	rddreg [dreg:$0x1]  }
0x3: {  	s3 =	srdreg.scid;
	s1 =	stileid.u32;
	s2 =	simm.s32 $0x0  }
0x4: {  	s10 =	simm.s32 $0x1;
	s11 =	simm.s32 $0x0;
	s6 =	smul.u32 $0x2710, s1  }
0x5: {  	s5 =	sand.u32 $0x1, s3;
	[smem:$0x7FF] =	sst s2;
	s8 =	smul.u32 $0x27100, s1  }
0x6: {  	s3 =	sadd.s32 $0xA7A800, s4;
	s7 =	smul.u32 $0x1388, s5;
	s9 =	ssub.s32 $0x2, s5  }
0x7: {  	_ =	strace $0x80000050;
	s5 =	smul.u32 $0x13880, s5;
	s31 =	sshrl.u32 s9, $0x1  }
0x8: {  	s30 =	sadd.s32 s8, s4;
	s6 =	sadd.s32 s7, s6;
	s8 =	ssub.s32 s9, s31  }
0x9: {  	s5 =	sadd.s32 s5, s30;
	s7 =	simm.s32 $0x2;
	s6 =	sshrl.u32 s6, $0x3  }
0xa: {  	s9 =	simm.s32 $0x100;
	s5 =	sadd.s32 $0x6000, s5;
	s6 =	sadd.s32 s6, s4  }
0xb: {  	s4 =	smax.u32 s8, $0x1;
	s8 =	simm.s32 $0xC8;
	s6 =	sadd.s32 $0xA70800, s6  }
.LBB2_1:
0xc: {  	s12 =	sadd.s32 $0x0, s6  }
0xd: {  	[tilespmem:s2], [sflag:$0x2] =	stream.linear.gather [hbm4b:s12+s2], $0xC8, $0x38;
	[tilespmem:$0x6500] =	vst v63  }
0xe: {  	_ =	swait.ge [sflag:s7], $0xC8  }
0xf: {  	[sflag:s7] =	ssyncset.done $0x0  }
0x10: {  	[sflag:s7] =	ssyncadd.s32 $0xFFFFFF38  }
0x11: {  	[tilespmem:s9], [sflag:$0x1] =	stream.indirect.gather [hbm4b:s3+s8], $0x80, s2, s8, $0xb8;
	[tilespmem:$0x6500] =	vst v63  }
0x12: {  	_ =	swait.ge [sflag:s10], $0x6400  }
0x13: {  	[sflag:s10] =	ssyncset.done $0x0  }
0x14: {  	[sflag:s10] =	ssyncadd.s32 $0xFFFF9C00  }
0x15: {  	[hbm4b:s5+s2] =	stream.linear.scatter [tilespmem:s9], [sflag:$0x2], $0x6400, $0x38;
	[tilespmem:$0x6500] =	vst v63  }
0x16: {  	s13 =	simm.s32 $0x19;
	_ =	swait.ge [sflag:s7], $0x6400  }
0x17: {  	s14 =	simm.s32 $0x32;
	s12 =	sadd.s32 $0xC80, s5;
	[sflag:s7] =	ssyncset.done $0x0  }
.LBB2_2:
0x18: {  	s15 =	sadd.s32 s13, s6  }
0x19: {  	[sflag:s7] =	ssyncadd.s32 $0xFFFF9C00;
	s13 =	smov.u32 s14;
	s16 =	sadd.s32 $0x19, s14  }
0x1a: {  	[tilespmem:s2], [sflag:$0x2] =	stream.linear.gather [hbm4b:s15+s2], $0xC8, $0x38;
	[tilespmem:$0x6500] =	vst v63  }
0x1b: {  	p0 =	sne.s32 s14, $0x258;
	_ =	swait.ge [sflag:s7], $0xC8  }
0x1c: {  	[sflag:s7] =	ssyncset.done $0x0  }
0x1d: {  	[sflag:s7] =	ssyncadd.s32 $0xFFFFFF38  }
0x1e: {  	[tilespmem:s9], [sflag:$0x1] =	stream.indirect.gather [hbm4b:s3+s8], $0x80, s2, s8, $0xb8;
	[tilespmem:$0x6500] =	vst v63  }
0x1f: {  	_ =	swait.ge [sflag:s10], $0x6400  }
.Ltmp0:
0x20: {  	[sflag:s10] =	ssyncset.done $0x0;
	(pc) =	sbr.rel @p0 .LBB2_2-.Ltmp0, $4  }
0x21: {  	[sflag:s10] =	ssyncadd.s32 $0xFFFF9C00  }
0x22: {  	[hbm4b:s12+s2] =	stream.linear.scatter [tilespmem:s9], [sflag:$0x2], $0x6400, $0x38;
	[tilespmem:$0x6500] =	vst v63  }
0x23: {  	_ =	swait.ge [sflag:s7], $0x6400  }
0x24: {  	s14 =	smov.u32 s16;
	s12 =	sadd.s32 $0xC80, s12;
	[sflag:s7] =	ssyncset.done $0x0  }
0x25: {  	s13 =	sadd.s32 s13, s6;
	[sflag:s7] =	ssyncadd.s32 $0xFFFF9C00  }
0x26: {  	[tilespmem:s2], [sflag:$0x2] =	stream.linear.gather [hbm4b:s13+s2], $0xC8, $0x38;
	[tilespmem:$0x6500] =	vst v63  }
0x27: {  	_ =	swait.ge [sflag:s7], $0xC8  }
0x28: {  	[sflag:s7] =	ssyncset.done $0x0  }
0x29: {  	[sflag:s7] =	ssyncadd.s32 $0xFFFFFF38  }
0x2a: {  	[tilespmem:s9], [sflag:$0x1] =	stream.indirect.gather [hbm4b:s3+s8], $0x80, s2, s8, $0xb8;
	[tilespmem:$0x6500] =	vst v63  }
0x2b: {  	s11 =	sadd.s32 $0x1, s11;
	_ =	swait.ge [sflag:s10], $0x6400  }
0x2c: {  	p0 =	sne.s32 s11, s4;
	[sflag:s10] =	ssyncset.done $0x0  }
.Ltmp1:
0x2d: {  	[sflag:s10] =	ssyncadd.s32 $0xFFFF9C00;
	(pc) =	sbr.rel @p0 .LBB2_1-.Ltmp1, $4  }
0x2e: {  	[hbm4b:s12+s2] =	stream.linear.scatter [tilespmem:s9], [sflag:$0x2], $0x6400, $0x38;
	[tilespmem:$0x6500] =	vst v63  }
0x2f: {  	_ =	swait.ge [sflag:s7], $0x6400  }
0x30: {  	[sflag:s7] =	ssyncset.done $0x0  }
0x31: {  	[sflag:s7] =	ssyncadd.s32 $0xFFFF9C00  }
0x32: {  	_ =	sfence.sel $0x180000  }
0x33: {  	[bflag:$0x0] =	sbarrier.arrive $0xFFFF  }
0x34: {  	p0 =	sne.s32 s1, $0x0;
	_ =	strace $0x90000050  }
0x35: {  	s0 =	sadd.s32 @!p0 $0x100000, s0;
	[bflag:$0x2] =	sbarrier.arrive $0xFFFF  }
0x36: {  	[sflag:s0] =	ssyncadd.tile.s32 @!p0 $0x1;
	_ =	shalt  }
.Lfunc_end2:
_tile_overlayer_lowered:
.L_overlay_start_2:
0x37: {  	(tag) =	ssettag $0x2  }
0x38: {  	s0 =	rddreg [dreg:$0x0];
	s2 =	stileid.u32  }
0x39: {  	s1 =	rddreg [dreg:$0x1];
	p0 =	sne.s32 s2, $0x0  }
0x3a: {  	s3 =	rddreg [dreg:$0x2];
	[bflag:$0x3] =	sbarrier.arrive $0xFFFF;
	s2 =	simm.s32 @!p0 $0x1C02  }
0x3b: {  	[timem:s3], [sflag:s2] =	dma.local @!p0 [hbm:s0], s1  }
0x3c: {  	s0 =	simm.s32 @!p0 $0x2  }
0x3d: {  	_ =	swait.ge @!p0 [sflag:s0], s1  }
0x3e: {  	s1 =	ssub.s32 @!p0 $0x0, s1;
	[sflag:s0] =	ssyncset.done @!p0 $0x0  }
0x3f: {  	[sflag:s0] =	ssyncadd.s32 @!p0 s1  }
0x40: {  	[bflag:$0x3] =	sbarrier.arrive $0xFFFF  }
0x41: {  	_ =	shalt  }

// kernel: kernel.28.cloned.1.call-start
scs
__scs_entry_jumppad:
0x0: {  	(pc) =	sbr.rel $0x88, $3  }
0x1: {  	(tag) =	ssettag $0x0;
	lr =	simm.s32 $0x1  }
0x2: {  	[smem:$0x3F83] =	sst lr;
	_ =	strace $0xD0000000  }
0x3: {  	_ = 	snop  }
0x4: {  	_ = 	snop  }
0x5: {  	_ = 	snop  }
0x6: {  	_ = 	snop  }
0x7: {  	_ = 	snop  }
__scs_overlays_trampoline_lowered:
0x8: {  	[smem:$0x3F92] =	sst s0  }
0x9: {  	[smem:$0x3F93] =	sst s1  }
0xa: {  	[smem:$0x3F94] =	sst s2  }
0xb: {  	[smem:$0x3F95] =	sst s3  }
0xc: {  	[smem:$0x3F96] =	sst s4  }
0xd: {  	[smem:$0x3F97] =	sst s5  }
0xe: {  	[smem:$0x3F98] =	sst s6  }
0xf: {  	[smem:$0x3F99] =	sst s7  }
0x10: {  	[smem:$0x3F9A] =	sst s8  }
0x11: {  	[smem:$0x3F9B] =	sst s9;
	s0 =	simm.s32 @!p0 $0x0  }
0x12: {  	s1 =	sld [smem:$0x3F81];
	s0 =	simm.s32 @p0 $0x1  }
0x13: {  	[smem:$0x3F9C] =	sst s0;
	s0 =	simm.s32 @!p1 $0x0  }
0x14: {  	s2 =	sld [smem:$0x3F80];
	s0 =	simm.s32 @p1 $0x1  }
0x15: {  	[smem:$0x3F9D] =	sst s0;
	s0 =	simm.s32 @!p2 $0x0  }
0x16: {  	s3 =	sld [smem:$0x3FDB];
	s0 =	simm.s32 @p2 $0x1  }
0x17: {  	s4 =	simm.s32 $0x1BF5;
	[smem:$0x3F9F] =	sst s0  }
0x18: {  	s0 =	sld [smem:$0x3F82];
	_ =	swait.ge [sflag:s4], $0x0  }
0x19: {  	s7 =	sld [smem:$0x3F83]  }
0x1a: {  	s8 =	sadd.s32 $0xFFFFE003, lr  }
0x1b: {  	s9 =	sadd.s32 $0xFFFFFEF7, lr;
	s5 =	simm.s32 $0xFFFFFFFF;
	p2 =	slt.u32 s8, $0xFFFFF086  }
0x1c: {  	p1 =	slt.u32 s9, $0xF7A;
	s5 =	simm.s32 @!p2 $0x0  }
0x1d: {  	s5 =	simm.s32 @p1 $0x1;
	p0 =	seq.s32 s7, s2  }
0x1e: {  	s7 =	smul.u32 @!p0 $0xF7A, s2;
	p2 =	seq.s32 @!p0 s5, $0x0  }
0x1f: {  	s9 =	smul.u32 $0xF7A, s1;
	s8 =	simm.s32 @!p0 $0x1BF5;
	p2 =	por !p2, p0  }
0x20: {  	[sflag:s8] =	ssyncset.s32 @!p0 $0xFFFFF086;
	s6 =	sadd.s32 @!p0 s3, s7;
	s7 =	simm.s32 @!p0 $0x108  }
0x21: {  	s3 =	sadd.s32 s3, s9;
	s6 =	sadd.s32 @!p0 $0x88, s6;
	s7 =	simm.s32 @p2 $0x1082  }
0x22: {  	[simem:s7], [sflag:s8] =	dma.local @!p0 [hbm:s6], $0xF7A  }
0x23: {  	s9 =	sor.u32 $0xD0000000, s2;
	s6 =	simm.s32 $0x108;
	_ =	swait.ge @!p0 [sflag:s8], $0x0  }
0x24: {  	s3 =	sadd.s32 $0x88, s3;
	s6 =	simm.s32 @!p1 $0x1082;
	[sflag:s4] =	ssyncset.s32 $0xFFFFF086  }
0x25: {  	[simem:s6], [sflag:s4] =	dma.local [hbm:s3], $0xF7A  }
0x26: {  	[smem:$0x3F83] =	sst s1;
	(tag) =	ssettag s2;
	_ =	strace s9  }
0x27: {  	s1 =	sld [smem:$0x3F93]  }
0x28: {  	s2 =	sld [smem:$0x3F94]  }
0x29: {  	s4 =	sld [smem:$0x3F96]  }
0x2a: {  	p0 =	seq.s32 s5, $0x0;
	s5 =	sld [smem:$0x3F97]  }
0x2b: {  	s6 =	sld [smem:$0x3F98]  }
0x2c: {  	s7 =	sld [smem:$0x3F99]  }
0x2d: {  	s3 =	simm.s32 $0x108;
	s8 =	sld [smem:$0x3F9A]  }
0x2e: {  	s3 =	simm.s32 @!p0 $0x1082;
	s9 =	sld [smem:$0x3F9B]  }
0x2f: {  	lr =	sadd.s32 s0, s3;
	s0 =	sld [smem:$0x3F92]  }
0x30: {  	s3 =	sld [smem:$0x3F95]  }
0x31: {  	[smem:$0x3F9E] =	sst s10  }
0x32: {  	s10 =	sld [smem:$0x3F9C];
	_ =	sdelay $0x3  }
0x33: {  	p0 =	seq.s32 s10, $0x1;
	s10 =	sld [smem:$0x3F9E];
	_ =	sdelay $0x3  }
0x34: {  	[smem:$0x3F9E] =	sst s10  }
0x35: {  	s10 =	sld [smem:$0x3F9D];
	_ =	sdelay $0x3  }
0x36: {  	p1 =	seq.s32 s10, $0x1;
	s10 =	sld [smem:$0x3F9E];
	_ =	sdelay $0x3  }
0x37: {  	[smem:$0x3F9E] =	sst s10  }
0x38: {  	s10 =	sld [smem:$0x3F9F]  }
0x39: {  	_ = 	snop;
	(pc) =	sbr.ind lr, $3  }
0x3a: {  	_ = 	snop  }
0x3b: {  	_ = 	snop  }
0x3c: {  	p2 =	seq.s32 s10, $0x1;
	s10 =	sld [smem:$0x3F9E]  }
0x3d: {  	_ =	shalt  }
0x3e: {  	_ =	shalt  }
0x3f: {  	_ =	shalt  }
0x40: {  	_ =	shalt  }
0x41: {  	_ =	shalt  }
0x42: {  	_ =	shalt  }
0x43: {  	_ =	shalt  }
0x44: {  	_ =	shalt  }
0x45: {  	_ =	shalt  }
0x46: {  	_ =	shalt  }
0x47: {  	_ =	shalt  }
0x48: {  	_ =	shalt  }
0x49: {  	_ =	shalt  }
0x4a: {  	_ =	shalt  }
0x4b: {  	_ =	shalt  }
0x4c: {  	_ =	shalt  }
0x4d: {  	_ =	shalt  }
0x4e: {  	_ =	shalt  }
0x4f: {  	_ =	shalt  }
0x50: {  	_ =	shalt  }
0x51: {  	_ =	shalt  }
0x52: {  	_ =	shalt  }
0x53: {  	_ =	shalt  }
0x54: {  	_ =	shalt  }
0x55: {  	_ =	shalt  }
0x56: {  	_ =	shalt  }
0x57: {  	_ =	shalt  }
0x58: {  	_ =	shalt  }
0x59: {  	_ =	shalt  }
0x5a: {  	_ =	shalt  }
0x5b: {  	_ =	shalt  }
0x5c: {  	_ =	shalt  }
0x5d: {  	_ =	shalt  }
0x5e: {  	_ =	shalt  }
0x5f: {  	_ =	shalt  }
0x60: {  	_ =	shalt  }
0x61: {  	_ =	shalt  }
0x62: {  	_ =	shalt  }
0x63: {  	_ =	shalt  }
0x64: {  	_ =	shalt  }
0x65: {  	_ =	shalt  }
0x66: {  	_ =	shalt  }
0x67: {  	_ =	shalt  }
0x68: {  	_ =	shalt  }
0x69: {  	_ =	shalt  }
0x6a: {  	_ =	shalt  }
0x6b: {  	_ =	shalt  }
0x6c: {  	_ =	shalt  }
0x6d: {  	_ =	shalt  }
0x6e: {  	_ =	shalt  }
0x6f: {  	_ =	shalt  }
0x70: {  	_ =	shalt  }
0x71: {  	_ =	shalt  }
0x72: {  	_ =	shalt  }
0x73: {  	_ =	shalt  }
0x74: {  	_ =	shalt  }
0x75: {  	_ =	shalt  }
0x76: {  	_ =	shalt  }
0x77: {  	_ =	shalt  }
0x78: {  	_ =	shalt  }
0x79: {  	_ =	shalt  }
0x7a: {  	_ =	shalt  }
0x7b: {  	_ =	shalt  }
0x7c: {  	_ =	shalt  }
0x7d: {  	_ =	shalt  }
0x7e: {  	_ =	shalt  }
0x7f: {  	_ =	shalt  }
0x80: {  	_ =	shalt  }
0x81: {  	_ =	shalt  }
0x82: {  	_ =	shalt  }
0x83: {  	_ =	shalt  }
0x84: {  	_ =	shalt  }
0x85: {  	_ =	shalt  }
0x86: {  	_ =	shalt  }
0x87: {  	_ =	shalt  }
.Lfunc_end0:
.L_simem_size_0:
called_computation.4_lowered:
.L_overlay_start_0:
0x88: {  	s2 =	sld [smem:$0x3FD9]  }
0x89: {  	s3 =	sld [smem:$0x3FFE];
	_ =	sdelay $0x1  }
0x8a: {  	s1 =	srdreg.scid  }
0x8b: {  	s0 =	sand.u32 $0x1, s1  }
0x8c: {  	s16 =	sshll.u32 s0, $0xA;
	s2 =	sadd.s32 s3, s2  }
0x8d: {  	s2 =	sadd.s32 s2, s16  }
0x8e: {  	[smem:$0x3FAA] =	sst s2  }
0x8f: {  	_ = 	snop  }
0x90: {  	(tm) =	ssettm $0x1  }
0x91: {  	s17 =	sld [smem:$0x3FFB];
	_ =	sdelay $0x3  }
0x92: {  	_ =	strace s17  }
0x93: {  	s2 =	sld [smem:$0x3FFC];
	_ =	sdelay $0x3  }
0x94: {  	_ =	strace s2  }
0x95: {  	s2 =	sld [smem:$0x3FFD];
	_ =	sdelay $0x3  }
0x96: {  	_ =	strace s2  }
0x97: {  	_ =	strace $0x8FFFFFFF  }
0x98: {  	s18 =	sld [smem:$0x3FDB];
	_ =	sdelay $0x1  }
0x99: {  	s19 =	simm.s32 $_scs_section_size  }
0x9a: {  	s4 =	simm.s32 $_size__tile_overlayer_lowered;
	s5 =	simm.s32 $_tile_overlayer_lowered  }
0x9b: {  	s22 =	simm.s32 $0x1BFF;
	s21 =	sshll.u32 s5, $0x1;
	s2 =	sadd.s32 s19, s18  }
0x9c: {  	s6 =	simm.s32 $0x0;
	s20 =	sshll.u32 s4, $0x1;
	s4 =	sadd.s32 s21, s2  }
0x9d: {  	[timem:s6], [sflag:s22] =	dma.local [hbm:s4], s20  }
0x9e: {  	_ =	swait.ge [sflag:s22], s20  }
0x9f: {  	s3 =	ssub.s32 $0x0, s20;
	[sflag:s22] =	ssyncset.done $0x0  }
0xa0: {  	[sflag:s22] =	ssyncadd.s32 s3;
	_ =	sdelay $0x1  }
0xa1: {  	s23 =	simm.s32 $0x1B8B  }
0xa2: {  	_ =	swait.ge [sflag:s23], $0x1  }
0xa3: {  	[sflag:s23] =	ssyncset.done $0x0  }
0xa4: {  	s25 =	simm.s32 $0x1B8E;
	s24 =	sld [smem:$0x3FFE];
	[sflag:s23] =	ssyncadd.s32 $0xFFFFFFFF  }
0xa5: {  	s26 =	simm.s32 $execute0_lowered;
	[smem:$0x3FD2] =	sst s25  }
0xa6: {  	s4 =	sshll.u32 s26, $0x1;
	_ =	strace $0x80000052;
	[dreg:$0x1] =	wrdreg $0xFFFFFFFF  }
0xa7: {  	s28 =	simm.s32 $_size_execute0_lowered;
	s2 =	sadd.s32 s2, s4;
	[dreg:$0x0] =	wrdreg $0x0  }
0xa8: {  	s4 =	sshll.u32 s28, $0x1;
	[dreg:$0x2] =	wrdreg s2  }
0xa9: {  	[dreg:$0x3] =	wrdreg s4  }
0xaa: {  	[dreg:$0x4] =	wrdreg $0xC0  }
0xab: {  	_ =	task [dreg:s6], $0x5FFFF  }
0xac: {  	[dreg:$0x1] =	wrdreg $0xFFFFFFFF  }
0xad: {  	[dreg:$0x0] =	wrdreg $0x60  }
0xae: {  	[dreg:$0x2] =	wrdreg s24  }
0xaf: {  	[dreg:$0x3] =	wrdreg $0x64C80  }
0xb0: {  	[dreg:$0x4] =	wrdreg $0x9  }
0xb1: {  	_ =	task.clear_ibuf [dreg:s6], $0x5FFFF;
	_ =	strace $0x90000052  }
0xb2: {  	s29 =	simm.s32 $0x9;
	_ =	strace $0x80000054  }
0xb3: {  	_ =	swait.ge [sflag:s29], $0x1  }
0xb4: {  	[sflag:s29] =	ssyncadd.s32 $0xFFFFFFFF  }
0xb5: {  	_ =	strace $0x90000054  }
0xb6: {  	_ =	sfence  }
0xb7: {  	s30 =	sld [smem:$0x0];
	_ =	sdelay $0x2  }
0xb8: {  	s31 =	sshll.u32 s1, $0xD;
	s1 =	sshrl.u32 s1, $0x2  }
0xb9: {  	s3 =	sand.u32 $0x4000, s31;
	s1 =	sadd.s32 s1, s30  }
0xba: {  	s0 =	sor.u32 s3, s0;
	s1 =	sshll.u32 s1, $0x11  }
0xbb: {  	s0 =	sor.u32 s1, s0  }
0xbc: {  	s0 =	sadd.s32 $0x8F2B, s0  }
0xbd: {  	[sflag:s0] =	ssyncadd.remote.s32 $0x1  }
0xbe: {  	_ =	sfence.sel $0xFFFF  }
0xbf: {  	[dreg:$0x0] =	wrdreg $0xFFFFFFFF;
	(pc) =	sbr.abs _section_cstart, $3  }
0xc0: {  	[dreg:$0x1] =	wrdreg $0xFFFFFFFF  }
0xc1: {  	_ =	task.clear_ibuf [dreg:s6], $0x2FFFF;
	_ =	strace $0x9FFFFFFF  }
0xc2: {  	(tm) =	ssettm $0x7FFFFFFF  }
0xc3: {  	_ =	shalt  }
tec
execute0_lowered:
.L_overlay_start_1:
0x0: {  	(tag) =	ssettag $0x1  }
0x1: {  	s0 =	stileid.u32  }
0x2: {  	s1 =	srdreg.scid;
	s4 =	smul.u32 $0x2710, s0  }
0x3: {  	s6 =	rddreg [dreg:$0x0];
	s8 =	smul.u32 $0x13C00, s0  }
0x4: {  	s2 =	rddreg [dreg:$0x1];
	s5 =	sand.u32 $0x1, s1;
	s10 =	smul.u32 $0x27100, s0  }
0x5: {  	s3 =	simm.s32 $0x0;
	s1 =	rddreg [dreg:$0x2];
	s7 =	smul.u32 $0x1388, s5  }
0x6: {  	[smem:$0x7FF] =	sst s3;
	s12 =	sshll.u32 s0, $0x6;
	s9 =	smul.u32 $0x13C000, s5  }
0x7: {  	_ =	strace $0x80000053;
	s29 =	ssub.s32 $0x2, s5;
	s13 =	smul.u32 $0x13880, s5  }
0x8: {  	s5 =	sor.u32 $0x1C01, s12;
	s12 =	simm.s32 $0xC8;
	s26 =	sadd.s32 s10, s6  }
0x9: {  	s11 =	sshrl.u32 s29, $0x1;
	s30 =	sadd.s32 s8, s2;
	s4 =	sadd.s32 s7, s4  }
0xa: {  	s25 =	sadd.s32 s8, s9;
	s31 =	sadd.s32 s13, s26;
	s10 =	sshrl.u32 s30, $0x3  }
0xb: {  	s13 =	simm.s32 $0x0;
	s4 =	sshrl.u32 s4, $0x3;
	s7 =	sshrl.u32 s25, $0x3  }
0xc: {  	s8 =	sadd.s32 $0x277000, s31;
	s28 =	sadd.s32 s4, s6;
	s4 =	sadd.s32 $0xAA1A00, s6  }
0xd: {  	s6 =	sadd.s32 s7, s6;
	s7 =	ssub.s32 s29, s11;
	s11 =	simm.s32 $0x1  }
0xe: {  	s6 =	sadd.s32 $0x6000, s6;
	s7 =	smax.u32 s7, $0x1;
	s9 =	sadd.s32 $0xA75800, s28  }
.LBB2_1:
0xf: {  	[spmem:s10], [sflag:s5] =	dma.local [hbm:s4], $0x2780  }
0x10: {  	_ =	swait.ge [sflag:s11], $0x2780  }
0x11: {  	[sflag:s11] =	ssyncset.done $0x0  }
0x12: {  	[sflag:s11] =	ssyncadd.s32 $0xFFFFD880  }
0x13: {  	s14 =	sadd.s32 $0x0, s9;
	[bflag:$0x0] =	sbarrier.arrive $0xFFFF  }
0x14: {  	[tilespmem:s3], [sflag:$0x1] =	stream.linear.gather [hbm4b:s14+s3], $0xC8, $0x38;
	[tilespmem:$0x1A0C8] =	vst v63  }
0x15: {  	_ =	swait.ge [sflag:s11], $0xC8  }
0x16: {  	[sflag:s11] =	ssyncset.done $0x0  }
0x17: {  	[sflag:s11] =	ssyncadd.s32 $0xFFFFFF38  }
0x18: {  	[tilespmem:s12], [sflag:$0x1] =	stream.linear.gather [hbm4b:s8+s3], $0x6400, $0x38;
	[tilespmem:$0x1A0C8] =	vst v63  }
0x19: {  	_ =	swait.ge [sflag:s11], $0x6400  }
0x1a: {  	[sflag:s11] =	ssyncset.done $0x0  }
0x1b: {  	[sflag:s11] =	ssyncadd.s32 $0xFFFF9C00  }
0x1c: {  	[spmem:s2] =	stream.indirect.scatter.add.f32 [tilespmem:s12], [sflag:$0x1], $0x80, s3, s12, $0xb8;
	[tilespmem:$0x1A0C8] =	vst v63  }
0x1d: {  	s15 =	simm.s32 $0x19;
	_ =	swait.ge [sflag:s11], $0x6400  }
0x1e: {  	s16 =	simm.s32 $0x32;
	s14 =	sadd.s32 $0xC80, s8;
	[sflag:s11] =	ssyncset.done $0x0  }
.LBB2_2:
0x1f: {  	s17 =	sadd.s32 s15, s9  }
0x20: {  	[sflag:s11] =	ssyncadd.s32 $0xFFFF9C00;
	s15 =	smov.u32 s16;
	s18 =	sadd.s32 $0x19, s16  }
0x21: {  	[tilespmem:s3], [sflag:$0x1] =	stream.linear.gather [hbm4b:s17+s3], $0xC8, $0x38;
	[tilespmem:$0x1A0C8] =	vst v63  }
0x22: {  	p0 =	sne.s32 s16, $0x258;
	_ =	swait.ge [sflag:s11], $0xC8  }
0x23: {  	[sflag:s11] =	ssyncset.done $0x0  }
0x24: {  	[sflag:s11] =	ssyncadd.s32 $0xFFFFFF38  }
0x25: {  	[tilespmem:s12], [sflag:$0x1] =	stream.linear.gather [hbm4b:s14+s3], $0x6400, $0x38;
	[tilespmem:$0x1A0C8] =	vst v63  }
0x26: {  	_ =	swait.ge [sflag:s11], $0x6400  }
.Ltmp0:
0x27: {  	[sflag:s11] =	ssyncset.done $0x0;
	(pc) =	sbr.rel @p0 .LBB2_2-.Ltmp0, $4  }
0x28: {  	[sflag:s11] =	ssyncadd.s32 $0xFFFF9C00  }
0x29: {  	[spmem:s2] =	stream.indirect.scatter.add.f32 [tilespmem:s12], [sflag:$0x1], $0x80, s3, s12, $0xb8;
	[tilespmem:$0x1A0C8] =	vst v63  }
0x2a: {  	_ =	swait.ge [sflag:s11], $0x6400  }
0x2b: {  	s16 =	smov.u32 s18;
	s14 =	sadd.s32 $0xC80, s14;
	[sflag:s11] =	ssyncset.done $0x0  }
0x2c: {  	s15 =	sadd.s32 s15, s9;
	[sflag:s11] =	ssyncadd.s32 $0xFFFF9C00  }
0x2d: {  	[tilespmem:s3], [sflag:$0x1] =	stream.linear.gather [hbm4b:s15+s3], $0xC8, $0x38;
	[tilespmem:$0x1A0C8] =	vst v63  }
0x2e: {  	_ =	swait.ge [sflag:s11], $0xC8  }
0x2f: {  	[sflag:s11] =	ssyncset.done $0x0  }
0x30: {  	[sflag:s11] =	ssyncadd.s32 $0xFFFFFF38  }
0x31: {  	[tilespmem:s12], [sflag:$0x1] =	stream.linear.gather [hbm4b:s14+s3], $0x6400, $0x38;
	[tilespmem:$0x1A0C8] =	vst v63  }
0x32: {  	_ =	swait.ge [sflag:s11], $0x6400  }
0x33: {  	[sflag:s11] =	ssyncset.done $0x0  }
0x34: {  	[sflag:s11] =	ssyncadd.s32 $0xFFFF9C00  }
0x35: {  	[spmem:s2] =	stream.indirect.scatter.add.f32 [tilespmem:s12], [sflag:$0x1], $0x80, s3, s12, $0xb8;
	[tilespmem:$0x1A0C8] =	vst v63  }
0x36: {  	_ =	swait.ge [sflag:s11], $0x6400  }
0x37: {  	s13 =	sadd.s32 $0x1, s13;
	[sflag:s11] =	ssyncset.done $0x0  }
0x38: {  	p0 =	sne.s32 s13, s7;
	[sflag:s11] =	ssyncadd.s32 $0xFFFF9C00  }
.Ltmp1:
0x39: {  	[bflag:$0x0] =	sbarrier.arrive $0xFFFF;
	(pc) =	sbr.rel @p0 .LBB2_1-.Ltmp1, $4  }
0x3a: {  	[hbm:s6], [sflag:s5] =	dma.local [spmem:s10], $0x2780  }
0x3b: {  	_ =	swait.ge [sflag:s11], $0x2780  }
0x3c: {  	[sflag:s11] =	ssyncset.done $0x0  }
0x3d: {  	[sflag:s11] =	ssyncadd.s32 $0xFFFFD880  }
0x3e: {  	_ =	sfence.sel $0x180000  }
0x3f: {  	[bflag:$0x0] =	sbarrier.arrive $0xFFFF  }
0x40: {  	p0 =	sne.s32 s0, $0x0;
	_ =	strace $0x90000053  }
0x41: {  	s0 =	sadd.s32 @!p0 $0x100000, s1;
	[bflag:$0x2] =	sbarrier.arrive $0xFFFF  }
0x42: {  	[sflag:s0] =	ssyncadd.tile.s32 @!p0 $0x1;
	_ =	shalt  }
.Lfunc_end2:
_tile_overlayer_lowered:
.L_overlay_start_2:
0x43: {  	(tag) =	ssettag $0x2  }
0x44: {  	s0 =	rddreg [dreg:$0x0];
	s2 =	stileid.u32  }
0x45: {  	s1 =	rddreg [dreg:$0x1];
	p0 =	sne.s32 s2, $0x0  }
0x46: {  	s3 =	rddreg [dreg:$0x2];
	[bflag:$0x3] =	sbarrier.arrive $0xFFFF;
	s2 =	simm.s32 @!p0 $0x1C01  }
0x47: {  	[timem:s3], [sflag:s2] =	dma.local @!p0 [hbm:s0], s1  }
0x48: {  	s0 =	simm.s32 @!p0 $0x1  }
0x49: {  	_ =	swait.ge @!p0 [sflag:s0], s1  }
0x4a: {  	s1 =	ssub.s32 @!p0 $0x0, s1;
	[sflag:s0] =	ssyncset.done @!p0 $0x0  }
0x4b: {  	[sflag:s0] =	ssyncadd.s32 @!p0 s1  }
0x4c: {  	[bflag:$0x3] =	sbarrier.arrive $0xFFFF  }
0x4d: {  	_ =	shalt  }

</sc_bundles>
